<compile_context>
chip_gen: v7x
topology: tpu7x:2x2x1
jax: 0.10.2.dev20260603
libtpu: 0.0.44.dev20260713+nightly
codegen_flags: <defaults>
</compile_context>

<pallas_src>
import functools

import jax
import jax.numpy as jnp
from jax import lax
from jax.experimental import pallas as pl
from jax.experimental.pallas import tpu as pltpu
from jax.experimental.pallas import tpu_sc as plsc

STEPS = 3

NC = 2
NS = 16
NW = NC * NS
CH = 128
MPAD = 8



def _row_block(n):
    for r in (1024, 1000, 512, 500, 256, 250, 200, 128, 125, 80, 40, 8, 1):
        if n % r == 0:
            return r
    return 1


def _linear_pad_body(nb, h_ref, w_ref, b_ref, o_ref):
    i = pl.program_id(0)

    @pl.when(i < nb)
    def _():
        o_ref[...] = (
            jnp.dot(h_ref[...], w_ref[...], preferred_element_type=jnp.float32)
            + b_ref[...]
        )

    @pl.when(i >= nb)
    def _():
        o_ref[...] = jnp.zeros_like(o_ref)


def _linear_pad(h, w_t, b_row):
    n, d = h.shape
    dout = w_t.shape[1]
    r = _row_block(n)
    nb = n // r
    return pl.pallas_call(
        functools.partial(_linear_pad_body, nb),
        grid=(nb + 1,),
        in_specs=[
            pl.BlockSpec((r, d), lambda i: (jnp.minimum(i, nb - 1), 0)),
            pl.BlockSpec((d, dout), lambda i: (0, 0)),
            pl.BlockSpec((1, dout), lambda i: (0, 0)),
        ],
        out_specs=pl.BlockSpec((r, dout), lambda i: (i, 0)),
        out_shape=jax.ShapeDtypeStruct((n + MPAD, dout), jnp.float32),
    )(h, w_t, b_row)


def _gru_math(a_ref, h, wih_ref, whh_ref, bih_ref, bhh_ref):
    a = a_ref[0] + a_ref[1]
    d = h.shape[1]
    gi = jnp.dot(a, wih_ref[...], preferred_element_type=jnp.float32) + bih_ref[...]
    gh = jnp.dot(h, whh_ref[...], preferred_element_type=jnp.float32) + bhh_ref[...]
    r = jax.nn.sigmoid(gi[:, :d] + gh[:, :d])
    z = jax.nn.sigmoid(gi[:, d:2 * d] + gh[:, d:2 * d])
    n = jnp.tanh(gi[:, 2 * d:] + r * gh[:, 2 * d:])
    return (1.0 - z) * n + z * h


def _gru_body(a_ref, h_ref, wih_ref, whh_ref, bih_ref, bhh_ref, o_ref):
    o_ref[...] = _gru_math(a_ref, h_ref[...], wih_ref, whh_ref, bih_ref,
                           bhh_ref)


def _boundary_body(nb, a_ref, h_ref, wih_ref, whh_ref, bih_ref, bhh_ref,
                   w0_ref, b0_ref, hn_ref, mn_ref):
    i = pl.program_id(0)
    hn = _gru_math(a_ref, h_ref[...], wih_ref, whh_ref, bih_ref, bhh_ref)
    hn_ref[...] = hn

    @pl.when(i < nb)
    def _():
        mn_ref[...] = (
            jnp.dot(hn, w0_ref[...], preferred_element_type=jnp.float32)
            + b0_ref[...]
        )

    @pl.when(i >= nb)
    def _():
        mn_ref[...] = jnp.zeros_like(mn_ref)


def _boundary(a_parts, h, wih_t, whh_t, bih_row, bhh_row, w0_t, b0_row):
    n, d = h.shape
    r = _row_block(n)
    nb = n // r
    clamp = lambda i: (jnp.minimum(i, nb - 1), 0)
    return pl.pallas_call(
        functools.partial(_boundary_body, nb),
        grid=(nb + 1,),
        in_specs=[
            pl.BlockSpec((2, r, d), lambda i: (0, jnp.minimum(i, nb - 1), 0)),
            pl.BlockSpec((r, d), clamp),
            pl.BlockSpec((d, 3 * d), lambda i: (0, 0)),
            pl.BlockSpec((d, 3 * d), lambda i: (0, 0)),
            pl.BlockSpec((1, 3 * d), lambda i: (0, 0)),
            pl.BlockSpec((1, 3 * d), lambda i: (0, 0)),
            pl.BlockSpec((d, d), lambda i: (0, 0)),
            pl.BlockSpec((1, d), lambda i: (0, 0)),
        ],
        out_specs=[
            pl.BlockSpec((r, d), clamp),
            pl.BlockSpec((r, d), lambda i: (i, 0)),
        ],
        out_shape=[
            jax.ShapeDtypeStruct((n, d), jnp.float32),
            jax.ShapeDtypeStruct((n + MPAD, d), jnp.float32),
        ],
    )(a_parts, h, wih_t, whh_t, bih_row, bhh_row, w0_t, b0_row)


def _gru(a_parts, h, wih_t, whh_t, bih_row, bhh_row):
    n, d = h.shape
    r = _row_block(n)
    return pl.pallas_call(
        _gru_body,
        grid=(n // r,),
        in_specs=[
            pl.BlockSpec((2, r, d), lambda i: (0, i, 0)),
            pl.BlockSpec((r, d), lambda i: (i, 0)),
            pl.BlockSpec((d, 3 * d), lambda i: (0, 0)),
            pl.BlockSpec((d, 3 * d), lambda i: (0, 0)),
            pl.BlockSpec((1, 3 * d), lambda i: (0, 0)),
            pl.BlockSpec((1, 3 * d), lambda i: (0, 0)),
        ],
        out_specs=pl.BlockSpec((r, d), lambda i: (i, 0)),
        out_shape=jax.ShapeDtypeStruct((n, d), jnp.float32),
    )(a_parts, h, wih_t, whh_t, bih_row, bhh_row)



@functools.lru_cache(maxsize=None)
def _make_sc_scatter(n, d, nchunks):
    cpw = nchunks // NW
    zr = 8
    for c in (80, 64, 40, 32, 16, 8):
        if n % c == 0:
            zr = c
            break
    nz = n // zr
    per_sub = -(-nz // NS)

    mesh = plsc.VectorSubcoreMesh(core_axis_name="c", subcore_axis_name="s")
    scratch = [
        pltpu.VMEM((2, CH), jnp.int32),
        pltpu.VMEM((2, CH), jnp.int32),
        pltpu.VMEM((CH, d), jnp.float32),
        pltpu.VMEM((CH, d), jnp.float32),
        pltpu.VMEM_SHARED((n, d), jnp.float32),
        pltpu.VMEM((zr, d), jnp.float32),
        pltpu.SemaphoreType.DMA,
        pltpu.SemaphoreType.DMA,
    ]

    def body(m_hbm, idx_hbm, out_hbm, ibuf_a, ibuf_b, rows_a, rows_b,
             acc, zbuf, sem_a, sem_b):
        cid = lax.axis_index("c")
        sid = lax.axis_index("s")
        wid = cid * NS + sid

        zero16 = jnp.zeros((16,), jnp.float32)

        def zrow(i, _):
            for c in range(d // 16):
                zbuf[i, pl.ds(c * 16, 16)] = zero16
            return 0

        lax.fori_loop(0, zr, zrow, 0)

        zdescs = []
        for t in range(per_sub):
            idx = lax.rem(sid + t * NS, nz)
            zdescs.append(
                pltpu.async_copy(zbuf, acc.at[pl.ds(idx * zr, zr)], sem_a))
        for dsc in zdescs:
            dsc.wait()
        plsc.subcore_barrier()

        cbase = wid * cpw

        def pair(i, _):
            t = cbase + 2 * i
            ia = pltpu.async_copy(idx_hbm.at[t], ibuf_a, sem_a)
            ib = pltpu.async_copy(idx_hbm.at[t + 1], ibuf_b, sem_b)
            ia.wait()
            ga = pltpu.async_copy(m_hbm.at[ibuf_a.at[0]], rows_a, sem_a)
            ib.wait()
            gb = pltpu.async_copy(m_hbm.at[ibuf_b.at[0]], rows_b, sem_b)
            ga.wait()
            sa = pltpu.async_copy(rows_a, acc.at[ibuf_a.at[1]], sem_a,
                                  add=True)
            gb.wait()
            sb = pltpu.async_copy(rows_b, acc.at[ibuf_b.at[1]], sem_b,
                                  add=True)
            sa.wait()
            sb.wait()
            return 0

        lax.fori_loop(0, cpw // 2, pair, 0)

        plsc.subcore_barrier()

        wdescs = []
        for t in range(per_sub):
            idx = lax.rem(sid + t * NS, nz)
            sl = pl.ds(idx * zr, zr)
            wdescs.append(
                pltpu.async_copy(acc.at[sl], out_hbm.at[cid].at[sl], sem_b))
        for dsc in wdescs:
            dsc.wait()

    return pl.kernel(
        body,
        out_type=jax.ShapeDtypeStruct((NC, n, d), jnp.float32),
        mesh=mesh,
        scratch_types=scratch,
    )


def _sc_scatter(m_pad, idx2):
    n = m_pad.shape[0] - MPAD
    d = m_pad.shape[1]
    return _make_sc_scatter(n, d, idx2.shape[0])(m_pad, idx2)



def kernel(feat, edge_index, W0, b0, Wih, Whh, bih, bhh):
    n, d = feat.shape
    e = edge_index.shape[1]
    src = edge_index[0]
    dst = edge_index[1]

    cpw = -(-e // (CH * NW))
    cpw = -(-cpw // 8) * 8
    e_pad = cpw * CH * NW
    pad_ar = jnp.arange(e_pad - e, dtype=jnp.int32)
    src = jnp.concatenate([src, n + pad_ar % MPAD])
    dst = jnp.concatenate([dst, pad_ar % n])
    idx2 = jnp.stack([src.reshape(-1, CH), dst.reshape(-1, CH)], axis=1)

    w0_t = W0.T
    wih_t = Wih.T
    whh_t = Whh.T
    b0_row = b0.reshape(1, -1)
    bih_row = bih.reshape(1, -1)
    bhh_row = bhh.reshape(1, -1)

    h = feat
    m_pad = _linear_pad(h, w0_t, b0_row)
    for k in range(STEPS):
        parts = _sc_scatter(m_pad, idx2)
        if k < STEPS - 1:
            h, m_pad = _boundary(parts, h, wih_t, whh_t, bih_row, bhh_row,
                                 w0_t, b0_row)
        else:
            h = _gru(parts, h, wih_t, whh_t, bih_row, bhh_row)
    return h

# --- scband reference (transcript-rebuilt; emitter-appended) ---
"""Pipeline reference for scband-gated-graph-conv-9826885173948 (READ-ONLY COPY).

The authoritative reference and input builder live on the scoring server;
editing this copy changes nothing except your own understanding.
"""

import jax, jax.numpy as jnp
import numpy as np

N = 10000
E = 320000
D = 128
STEPS = 3


def gru_cell(x, h, Wih, Whh, bih, bhh):
    # Faithful torch.nn.GRUCell math
    gi = x @ Wih.T + bih
    gh = h @ Whh.T + bhh
    i_r, i_z, i_n = jnp.split(gi, 3, axis=-1)
    h_r, h_z, h_n = jnp.split(gh, 3, axis=-1)
    r = jax.nn.sigmoid(i_r + h_r)
    z = jax.nn.sigmoid(i_z + h_z)
    n = jnp.tanh(i_n + r * h_n)
    return (1.0 - z) * n + z * h


def setup_inputs(seed: int = 0) -> dict:
    key = jax.random.key(seed)
    ks = jax.random.split(key, 8)
    feat = jax.random.normal(ks[0], (N, D), dtype=jnp.float32)
    edge_index = jax.random.randint(ks[1], (2, E), 0, N, dtype=jnp.int32)
    # etype-0 linear (xavier-normal-like scale)
    W0 = jax.random.normal(ks[2], (D, D), dtype=jnp.float32) * (1.414 * (2.0 / (D + D)) ** 0.5)
    b0 = jnp.zeros((D,), dtype=jnp.float32)
    # GRUCell parameters, uniform(-1/sqrt(H), 1/sqrt(H)) like torch reset_parameters
    bound = 1.0 / (D ** 0.5)
    Wih = jax.random.uniform(ks[3], (3 * D, D), dtype=jnp.float32, minval=-bound, maxval=bound)
    Whh = jax.random.uniform(ks[4], (3 * D, D), dtype=jnp.float32, minval=-bound, maxval=bound)
    bih = jax.random.uniform(ks[5], (3 * D,), dtype=jnp.float32, minval=-bound, maxval=bound)
    bhh = jax.random.uniform(ks[6], (3 * D,), dtype=jnp.float32, minval=-bound, maxval=bound)
    return {"feat": feat, "edge_index": edge_index, "W0": W0, "b0": b0,
            "Wih": Wih, "Whh": Whh, "bih": bih, "bhh": bhh}


def reference(feat, edge_index, W0, b0, Wih, Whh, bih, bhh):
    # in_feats == out_feats == D, so the zero_pad is width-0 (no-op)
    src = edge_index[0]
    dst = edge_index[1]
    h = feat
    for _ in range(STEPS):
        # n_etypes == 1, etypes is None branch: h' = Linear(h); copy_u + sum
        m = h @ W0.T + b0              # per-node linear transform
        gathered = jnp.take(m, src, axis=0)  # copy_u: gather source features per edge
        a = jnp.zeros((N, D), dtype=h.dtype).at[dst].add(gathered)  # sum aggregation at dst
        h = gru_cell(a, h, Wih, Whh, bih, bhh)
    return h

if __name__ == "__main__":
    import jax
    _d = setup_inputs()
    print(jax.jit(kernel)(*tuple(_d.values())))

</pallas_src>

<mosaic_0001>
#map = affine_map<(d0, d1) -> (0, 0)>
#map1 = affine_map<(d0, d1) -> (0, 0, 0)>
module attributes {stable_mosaic.version = 14 : i64} {
  func.func @body(%arg0: i32, %arg1: i32, %arg2: memref<10008x128xf32, #tpu.memory_space<hbm>>, %arg3: memref<2560x2x128xi32, #tpu.memory_space<hbm>>, %arg4: memref<2x10000x128xf32, #tpu.memory_space<hbm>>, %arg5: memref<2x128xi32, #tpu.memory_space<vmem>>, %arg6: memref<2x128xi32, #tpu.memory_space<vmem>>, %arg7: memref<128x128xf32, #tpu.memory_space<vmem>>, %arg8: memref<128x128xf32, #tpu.memory_space<vmem>>, %arg9: memref<10000x128xf32, #tpu.memory_space<vmem_shared>>, %arg10: memref<80x128xf32, #tpu.memory_space<vmem>>, %arg11: memref<!tpu.dma_semaphore, #tpu.memory_space<semaphore_mem>>, %arg12: memref<!tpu.dma_semaphore, #tpu.memory_space<semaphore_mem>>) attributes {dimension_semantics = [#tpu.dimension_semantics<core_parallel>, #tpu.dimension_semantics<subcore_parallel>], iteration_bounds = array<i64: 2, 16>, scalar_prefetch = 0 : i64, scratch_operands = 8 : i64, tpu.core_type = #tpu.core_type<sc_vector_subcore>, window_params = [{transform_indices = #map}, {transform_indices = #map1}, {transform_indices = #map1}]} {
    %mul3A = arith.constant 16 : i32
    %mul3A_0 = arith.muli %arg0, %mul3A : i32
    %add3A = arith.addi %mul3A_0, %arg1 : i32
    %broadcast_in_dim3A = arith.constant 0.000000e+00 : f32
    %broadcast_in_dim3A_1 = vector.broadcast %broadcast_in_dim3A : f32 to vector<16xf32>
    %scan3A = arith.constant 0 : i32
    %scan3A_2 = arith.constant 0 : i32
    %scan3A_3 = arith.constant 80 : i32
    %scan3A_4 = arith.addi %scan3A_2, %scan3A_3 : i32
    %scan3A_5 = arith.constant 1 : i32
    %scan3A_6 = scf.for %scan3A_303 = %scan3A_2 to %scan3A_4 step %scan3A_5 iter_args(%scan3A_304 = %scan3A) -> (i32)  : i32 {
      %swap3A = arith.index_cast %scan3A_303 : i32 to index
      %swap3A_305 = arith.constant 0 : index
      %swap3A_306 = tpu.vector_load %arg10[%swap3A, %swap3A_305] {strides = array<i32>} : memref<80x128xf32, #tpu.memory_space<vmem>>, vector<1x16xf32>,
      %swap3A_307 = vector.shape_cast %swap3A_306 : vector<1x16xf32> to vector<16xf32>
      %swap3A_308 = vector.shape_cast %broadcast_in_dim3A_1 : vector<16xf32> to vector<1x16xf32>
      tpu.vector_store %arg10[%swap3A, %swap3A_305], %swap3A_308 {strides = array<i32>} : memref<80x128xf32, #tpu.memory_space<vmem>>, vector<1x16xf32>,
      %swap3A_309 = arith.index_cast %scan3A_303 : i32 to index
      %swap3A_310 = arith.constant 16 : index
      %swap3A_311 = tpu.vector_load %arg10[%swap3A_309, %swap3A_310] {strides = array<i32>} : memref<80x128xf32, #tpu.memory_space<vmem>>, vector<1x16xf32>,
      %swap3A_312 = vector.shape_cast %swap3A_311 : vector<1x16xf32> to vector<16xf32>
      %swap3A_313 = vector.shape_cast %broadcast_in_dim3A_1 : vector<16xf32> to vector<1x16xf32>
      tpu.vector_store %arg10[%swap3A_309, %swap3A_310], %swap3A_313 {strides = array<i32>} : memref<80x128xf32, #tpu.memory_space<vmem>>, vector<1x16xf32>,
      %swap3A_314 = arith.index_cast %scan3A_303 : i32 to index
      %swap3A_315 = arith.constant 32 : index
      %swap3A_316 = tpu.vector_load %arg10[%swap3A_314, %swap3A_315] {strides = array<i32>} : memref<80x128xf32, #tpu.memory_space<vmem>>, vector<1x16xf32>,
      %swap3A_317 = vector.shape_cast %swap3A_316 : vector<1x16xf32> to vector<16xf32>
      %swap3A_318 = vector.shape_cast %broadcast_in_dim3A_1 : vector<16xf32> to vector<1x16xf32>
      tpu.vector_store %arg10[%swap3A_314, %swap3A_315], %swap3A_318 {strides = array<i32>} : memref<80x128xf32, #tpu.memory_space<vmem>>, vector<1x16xf32>,
      %swap3A_319 = arith.index_cast %scan3A_303 : i32 to index
      %swap3A_320 = arith.constant 48 : index
      %swap3A_321 = tpu.vector_load %arg10[%swap3A_319, %swap3A_320] {strides = array<i32>} : memref<80x128xf32, #tpu.memory_space<vmem>>, vector<1x16xf32>,
      %swap3A_322 = vector.shape_cast %swap3A_321 : vector<1x16xf32> to vector<16xf32>
      %swap3A_323 = vector.shape_cast %broadcast_in_dim3A_1 : vector<16xf32> to vector<1x16xf32>
      tpu.vector_store %arg10[%swap3A_319, %swap3A_320], %swap3A_323 {strides = array<i32>} : memref<80x128xf32, #tpu.memory_space<vmem>>, vector<1x16xf32>,
      %swap3A_324 = arith.index_cast %scan3A_303 : i32 to index
      %swap3A_325 = arith.constant 64 : index
      %swap3A_326 = tpu.vector_load %arg10[%swap3A_324, %swap3A_325] {strides = array<i32>} : memref<80x128xf32, #tpu.memory_space<vmem>>, vector<1x16xf32>,
      %swap3A_327 = vector.shape_cast %swap3A_326 : vector<1x16xf32> to vector<16xf32>
      %swap3A_328 = vector.shape_cast %broadcast_in_dim3A_1 : vector<16xf32> to vector<1x16xf32>
      tpu.vector_store %arg10[%swap3A_324, %swap3A_325], %swap3A_328 {strides = array<i32>} : memref<80x128xf32, #tpu.memory_space<vmem>>, vector<1x16xf32>,
      %swap3A_329 = arith.index_cast %scan3A_303 : i32 to index
      %swap3A_330 = arith.constant 80 : index
      %swap3A_331 = tpu.vector_load %arg10[%swap3A_329, %swap3A_330] {strides = array<i32>} : memref<80x128xf32, #tpu.memory_space<vmem>>, vector<1x16xf32>,
      %swap3A_332 = vector.shape_cast %swap3A_331 : vector<1x16xf32> to vector<16xf32>
      %swap3A_333 = vector.shape_cast %broadcast_in_dim3A_1 : vector<16xf32> to vector<1x16xf32>
      tpu.vector_store %arg10[%swap3A_329, %swap3A_330], %swap3A_333 {strides = array<i32>} : memref<80x128xf32, #tpu.memory_space<vmem>>, vector<1x16xf32>,
      %swap3A_334 = arith.index_cast %scan3A_303 : i32 to index
      %swap3A_335 = arith.constant 96 : index
      %swap3A_336 = tpu.vector_load %arg10[%swap3A_334, %swap3A_335] {strides = array<i32>} : memref<80x128xf32, #tpu.memory_space<vmem>>, vector<1x16xf32>,
      %swap3A_337 = vector.shape_cast %swap3A_336 : vector<1x16xf32> to vector<16xf32>
      %swap3A_338 = vector.shape_cast %broadcast_in_dim3A_1 : vector<16xf32> to vector<1x16xf32>
      tpu.vector_store %arg10[%swap3A_334, %swap3A_335], %swap3A_338 {strides = array<i32>} : memref<80x128xf32, #tpu.memory_space<vmem>>, vector<1x16xf32>,
      %swap3A_339 = arith.index_cast %scan3A_303 : i32 to index
      %swap3A_340 = arith.constant 112 : index
      %swap3A_341 = tpu.vector_load %arg10[%swap3A_339, %swap3A_340] {strides = array<i32>} : memref<80x128xf32, #tpu.memory_space<vmem>>, vector<1x16xf32>,
      %swap3A_342 = vector.shape_cast %swap3A_341 : vector<1x16xf32> to vector<16xf32>
      %swap3A_343 = vector.shape_cast %broadcast_in_dim3A_1 : vector<16xf32> to vector<1x16xf32>
      tpu.vector_store %arg10[%swap3A_339, %swap3A_340], %swap3A_343 {strides = array<i32>} : memref<80x128xf32, #tpu.memory_space<vmem>>, vector<1x16xf32>,
      %scan3A_344 = arith.constant 0 : i32
      scf.yield %scan3A_344 : i32
    }
    %scan3A_7 = arith.constant 80 : i32
    %add3A_8 = arith.constant 0 : i32
    %add3A_9 = arith.addi %arg1, %add3A_8 : i32
    %rem3A = arith.constant 125 : i32
    %rem3A_10 = arith.remsi %add3A_9, %rem3A : i32
    %mul3A_11 = arith.constant 80 : i32
    %mul3A_12 = arith.muli %rem3A_10, %mul3A_11 : i32
    %dma_start3A = arith.constant 0 : i32
    %dma_start3A_13 = tpu.memref_slice %arg9[%mul3A_12, %dma_start3A] : memref<10000x128xf32, #tpu.memory_space<vmem_shared>> -> memref<80x128xf32, #tpu.memory_space<vmem_shared>>
    %dma_start3A_14 = arith.constant 0 : i32
    %dma_start3A_15 = tpu.memref_slice %arg9[%mul3A_12, %dma_start3A_14] : memref<10000x128xf32, #tpu.memory_space<vmem_shared>> -> memref<80x128xf32, #tpu.memory_space<vmem_shared>>
    tpu.enqueue_dma source(%arg10 : memref<80x128xf32, #tpu.memory_space<vmem>>) target(%dma_start3A_15 : memref<80x128xf32, #tpu.memory_space<vmem_shared>>) target_semaphore(%arg11 : memref<!tpu.dma_semaphore, #tpu.memory_space<semaphore_mem>>)
    %add3A_16 = arith.constant 16 : i32
    %add3A_17 = arith.addi %arg1, %add3A_16 : i32
    %rem3A_18 = arith.constant 125 : i32
    %rem3A_19 = arith.remsi %add3A_17, %rem3A_18 : i32
    %mul3A_20 = arith.constant 80 : i32
    %mul3A_21 = arith.muli %rem3A_19, %mul3A_20 : i32
    %dma_start3A_22 = arith.constant 0 : i32
    %dma_start3A_23 = tpu.memref_slice %arg9[%mul3A_21, %dma_start3A_22] : memref<10000x128xf32, #tpu.memory_space<vmem_shared>> -> memref<80x128xf32, #tpu.memory_space<vmem_shared>>
    %dma_start3A_24 = arith.constant 0 : i32
    %dma_start3A_25 = tpu.memref_slice %arg9[%mul3A_21, %dma_start3A_24] : memref<10000x128xf32, #tpu.memory_space<vmem_shared>> -> memref<80x128xf32, #tpu.memory_space<vmem_shared>>
    tpu.enqueue_dma source(%arg10 : memref<80x128xf32, #tpu.memory_space<vmem>>) target(%dma_start3A_25 : memref<80x128xf32, #tpu.memory_space<vmem_shared>>) target_semaphore(%arg11 : memref<!tpu.dma_semaphore, #tpu.memory_space<semaphore_mem>>)
    %add3A_26 = arith.constant 32 : i32
    %add3A_27 = arith.addi %arg1, %add3A_26 : i32
    %rem3A_28 = arith.constant 125 : i32
    %rem3A_29 = arith.remsi %add3A_27, %rem3A_28 : i32
    %mul3A_30 = arith.constant 80 : i32
    %mul3A_31 = arith.muli %rem3A_29, %mul3A_30 : i32
    %dma_start3A_32 = arith.constant 0 : i32
    %dma_start3A_33 = tpu.memref_slice %arg9[%mul3A_31, %dma_start3A_32] : memref<10000x128xf32, #tpu.memory_space<vmem_shared>> -> memref<80x128xf32, #tpu.memory_space<vmem_shared>>
    %dma_start3A_34 = arith.constant 0 : i32
    %dma_start3A_35 = tpu.memref_slice %arg9[%mul3A_31, %dma_start3A_34] : memref<10000x128xf32, #tpu.memory_space<vmem_shared>> -> memref<80x128xf32, #tpu.memory_space<vmem_shared>>
    tpu.enqueue_dma source(%arg10 : memref<80x128xf32, #tpu.memory_space<vmem>>) target(%dma_start3A_35 : memref<80x128xf32, #tpu.memory_space<vmem_shared>>) target_semaphore(%arg11 : memref<!tpu.dma_semaphore, #tpu.memory_space<semaphore_mem>>)
    %add3A_36 = arith.constant 48 : i32
    %add3A_37 = arith.addi %arg1, %add3A_36 : i32
    %rem3A_38 = arith.constant 125 : i32
    %rem3A_39 = arith.remsi %add3A_37, %rem3A_38 : i32
    %mul3A_40 = arith.constant 80 : i32
    %mul3A_41 = arith.muli %rem3A_39, %mul3A_40 : i32
    %dma_start3A_42 = arith.constant 0 : i32
    %dma_start3A_43 = tpu.memref_slice %arg9[%mul3A_41, %dma_start3A_42] : memref<10000x128xf32, #tpu.memory_space<vmem_shared>> -> memref<80x128xf32, #tpu.memory_space<vmem_shared>>
    %dma_start3A_44 = arith.constant 0 : i32
    %dma_start3A_45 = tpu.memref_slice %arg9[%mul3A_41, %dma_start3A_44] : memref<10000x128xf32, #tpu.memory_space<vmem_shared>> -> memref<80x128xf32, #tpu.memory_space<vmem_shared>>
    tpu.enqueue_dma source(%arg10 : memref<80x128xf32, #tpu.memory_space<vmem>>) target(%dma_start3A_45 : memref<80x128xf32, #tpu.memory_space<vmem_shared>>) target_semaphore(%arg11 : memref<!tpu.dma_semaphore, #tpu.memory_space<semaphore_mem>>)
    %add3A_46 = arith.constant 64 : i32
    %add3A_47 = arith.addi %arg1, %add3A_46 : i32
    %rem3A_48 = arith.constant 125 : i32
    %rem3A_49 = arith.remsi %add3A_47, %rem3A_48 : i32
    %mul3A_50 = arith.constant 80 : i32
    %mul3A_51 = arith.muli %rem3A_49, %mul3A_50 : i32
    %dma_start3A_52 = arith.constant 0 : i32
    %dma_start3A_53 = tpu.memref_slice %arg9[%mul3A_51, %dma_start3A_52] : memref<10000x128xf32, #tpu.memory_space<vmem_shared>> -> memref<80x128xf32, #tpu.memory_space<vmem_shared>>
    %dma_start3A_54 = arith.constant 0 : i32
    %dma_start3A_55 = tpu.memref_slice %arg9[%mul3A_51, %dma_start3A_54] : memref<10000x128xf32, #tpu.memory_space<vmem_shared>> -> memref<80x128xf32, #tpu.memory_space<vmem_shared>>
    tpu.enqueue_dma source(%arg10 : memref<80x128xf32, #tpu.memory_space<vmem>>) target(%dma_start3A_55 : memref<80x128xf32, #tpu.memory_space<vmem_shared>>) target_semaphore(%arg11 : memref<!tpu.dma_semaphore, #tpu.memory_space<semaphore_mem>>)
    %add3A_56 = arith.constant 80 : i32
    %add3A_57 = arith.addi %arg1, %add3A_56 : i32
    %rem3A_58 = arith.constant 125 : i32
    %rem3A_59 = arith.remsi %add3A_57, %rem3A_58 : i32
    %mul3A_60 = arith.constant 80 : i32
    %mul3A_61 = arith.muli %rem3A_59, %mul3A_60 : i32
    %dma_start3A_62 = arith.constant 0 : i32
    %dma_start3A_63 = tpu.memref_slice %arg9[%mul3A_61, %dma_start3A_62] : memref<10000x128xf32, #tpu.memory_space<vmem_shared>> -> memref<80x128xf32, #tpu.memory_space<vmem_shared>>
    %dma_start3A_64 = arith.constant 0 : i32
    %dma_start3A_65 = tpu.memref_slice %arg9[%mul3A_61, %dma_start3A_64] : memref<10000x128xf32, #tpu.memory_space<vmem_shared>> -> memref<80x128xf32, #tpu.memory_space<vmem_shared>>
    tpu.enqueue_dma source(%arg10 : memref<80x128xf32, #tpu.memory_space<vmem>>) target(%dma_start3A_65 : memref<80x128xf32, #tpu.memory_space<vmem_shared>>) target_semaphore(%arg11 : memref<!tpu.dma_semaphore, #tpu.memory_space<semaphore_mem>>)
    %add3A_66 = arith.constant 96 : i32
    %add3A_67 = arith.addi %arg1, %add3A_66 : i32
    %rem3A_68 = arith.constant 125 : i32
    %rem3A_69 = arith.remsi %add3A_67, %rem3A_68 : i32
    %mul3A_70 = arith.constant 80 : i32
    %mul3A_71 = arith.muli %rem3A_69, %mul3A_70 : i32
    %dma_start3A_72 = arith.constant 0 : i32
    %dma_start3A_73 = tpu.memref_slice %arg9[%mul3A_71, %dma_start3A_72] : memref<10000x128xf32, #tpu.memory_space<vmem_shared>> -> memref<80x128xf32, #tpu.memory_space<vmem_shared>>
    %dma_start3A_74 = arith.constant 0 : i32
    %dma_start3A_75 = tpu.memref_slice %arg9[%mul3A_71, %dma_start3A_74] : memref<10000x128xf32, #tpu.memory_space<vmem_shared>> -> memref<80x128xf32, #tpu.memory_space<vmem_shared>>
    tpu.enqueue_dma source(%arg10 : memref<80x128xf32, #tpu.memory_space<vmem>>) target(%dma_start3A_75 : memref<80x128xf32, #tpu.memory_space<vmem_shared>>) target_semaphore(%arg11 : memref<!tpu.dma_semaphore, #tpu.memory_space<semaphore_mem>>)
    %add3A_76 = arith.constant 112 : i32
    %add3A_77 = arith.addi %arg1, %add3A_76 : i32
    %rem3A_78 = arith.constant 125 : i32
    %rem3A_79 = arith.remsi %add3A_77, %rem3A_78 : i32
    %mul3A_80 = arith.constant 80 : i32
    %mul3A_81 = arith.muli %rem3A_79, %mul3A_80 : i32
    %dma_start3A_82 = arith.constant 0 : i32
    %dma_start3A_83 = tpu.memref_slice %arg9[%mul3A_81, %dma_start3A_82] : memref<10000x128xf32, #tpu.memory_space<vmem_shared>> -> memref<80x128xf32, #tpu.memory_space<vmem_shared>>
    %dma_start3A_84 = arith.constant 0 : i32
    %dma_start3A_85 = tpu.memref_slice %arg9[%mul3A_81, %dma_start3A_84] : memref<10000x128xf32, #tpu.memory_space<vmem_shared>> -> memref<80x128xf32, #tpu.memory_space<vmem_shared>>
    tpu.enqueue_dma source(%arg10 : memref<80x128xf32, #tpu.memory_space<vmem>>) target(%dma_start3A_85 : memref<80x128xf32, #tpu.memory_space<vmem_shared>>) target_semaphore(%arg11 : memref<!tpu.dma_semaphore, #tpu.memory_space<semaphore_mem>>)
    %dma_wait3A = arith.constant 0 : i32
    %dma_wait3A_86 = tpu.memref_slice %arg9[%mul3A_12, %dma_wait3A] : memref<10000x128xf32, #tpu.memory_space<vmem_shared>> -> memref<80x128xf32, #tpu.memory_space<vmem_shared>>
    %dma_wait3A_87 = arith.constant 0 : i32
    %dma_wait3A_88 = tpu.memref_slice %arg9[%mul3A_12, %dma_wait3A_87] : memref<10000x128xf32, #tpu.memory_space<vmem_shared>> -> memref<80x128xf32, #tpu.memory_space<vmem_shared>>
    tpu.wait_dma2 semaphore(%arg11 : memref<!tpu.dma_semaphore, #tpu.memory_space<semaphore_mem>>) src(%arg10 : memref<80x128xf32, #tpu.memory_space<vmem>>) dst(%dma_wait3A_88 : memref<80x128xf32, #tpu.memory_space<vmem_shared>>)
    %dma_wait3A_89 = arith.constant 0 : i32
    %dma_wait3A_90 = tpu.memref_slice %arg9[%mul3A_21, %dma_wait3A_89] : memref<10000x128xf32, #tpu.memory_space<vmem_shared>> -> memref<80x128xf32, #tpu.memory_space<vmem_shared>>
    %dma_wait3A_91 = arith.constant 0 : i32
    %dma_wait3A_92 = tpu.memref_slice %arg9[%mul3A_21, %dma_wait3A_91] : memref<10000x128xf32, #tpu.memory_space<vmem_shared>> -> memref<80x128xf32, #tpu.memory_space<vmem_shared>>
    tpu.wait_dma2 semaphore(%arg11 : memref<!tpu.dma_semaphore, #tpu.memory_space<semaphore_mem>>) src(%arg10 : memref<80x128xf32, #tpu.memory_space<vmem>>) dst(%dma_wait3A_92 : memref<80x128xf32, #tpu.memory_space<vmem_shared>>)
    %dma_wait3A_93 = arith.constant 0 : i32
    %dma_wait3A_94 = tpu.memref_slice %arg9[%mul3A_31, %dma_wait3A_93] : memref<10000x128xf32, #tpu.memory_space<vmem_shared>> -> memref<80x128xf32, #tpu.memory_space<vmem_shared>>
    %dma_wait3A_95 = arith.constant 0 : i32
    %dma_wait3A_96 = tpu.memref_slice %arg9[%mul3A_31, %dma_wait3A_95] : memref<10000x128xf32, #tpu.memory_space<vmem_shared>> -> memref<80x128xf32, #tpu.memory_space<vmem_shared>>
    tpu.wait_dma2 semaphore(%arg11 : memref<!tpu.dma_semaphore, #tpu.memory_space<semaphore_mem>>) src(%arg10 : memref<80x128xf32, #tpu.memory_space<vmem>>) dst(%dma_wait3A_96 : memref<80x128xf32, #tpu.memory_space<vmem_shared>>)
    %dma_wait3A_97 = arith.constant 0 : i32
    %dma_wait3A_98 = tpu.memref_slice %arg9[%mul3A_41, %dma_wait3A_97] : memref<10000x128xf32, #tpu.memory_space<vmem_shared>> -> memref<80x128xf32, #tpu.memory_space<vmem_shared>>
    %dma_wait3A_99 = arith.constant 0 : i32
    %dma_wait3A_100 = tpu.memref_slice %arg9[%mul3A_41, %dma_wait3A_99] : memref<10000x128xf32, #tpu.memory_space<vmem_shared>> -> memref<80x128xf32, #tpu.memory_space<vmem_shared>>
    tpu.wait_dma2 semaphore(%arg11 : memref<!tpu.dma_semaphore, #tpu.memory_space<semaphore_mem>>) src(%arg10 : memref<80x128xf32, #tpu.memory_space<vmem>>) dst(%dma_wait3A_100 : memref<80x128xf32, #tpu.memory_space<vmem_shared>>)
    %dma_wait3A_101 = arith.constant 0 : i32
    %dma_wait3A_102 = tpu.memref_slice %arg9[%mul3A_51, %dma_wait3A_101] : memref<10000x128xf32, #tpu.memory_space<vmem_shared>> -> memref<80x128xf32, #tpu.memory_space<vmem_shared>>
    %dma_wait3A_103 = arith.constant 0 : i32
    %dma_wait3A_104 = tpu.memref_slice %arg9[%mul3A_51, %dma_wait3A_103] : memref<10000x128xf32, #tpu.memory_space<vmem_shared>> -> memref<80x128xf32, #tpu.memory_space<vmem_shared>>
    tpu.wait_dma2 semaphore(%arg11 : memref<!tpu.dma_semaphore, #tpu.memory_space<semaphore_mem>>) src(%arg10 : memref<80x128xf32, #tpu.memory_space<vmem>>) dst(%dma_wait3A_104 : memref<80x128xf32, #tpu.memory_space<vmem_shared>>)
    %dma_wait3A_105 = arith.constant 0 : i32
    %dma_wait3A_106 = tpu.memref_slice %arg9[%mul3A_61, %dma_wait3A_105] : memref<10000x128xf32, #tpu.memory_space<vmem_shared>> -> memref<80x128xf32, #tpu.memory_space<vmem_shared>>
    %dma_wait3A_107 = arith.constant 0 : i32
    %dma_wait3A_108 = tpu.memref_slice %arg9[%mul3A_61, %dma_wait3A_107] : memref<10000x128xf32, #tpu.memory_space<vmem_shared>> -> memref<80x128xf32, #tpu.memory_space<vmem_shared>>
    tpu.wait_dma2 semaphore(%arg11 : memref<!tpu.dma_semaphore, #tpu.memory_space<semaphore_mem>>) src(%arg10 : memref<80x128xf32, #tpu.memory_space<vmem>>) dst(%dma_wait3A_108 : memref<80x128xf32, #tpu.memory_space<vmem_shared>>)
    %dma_wait3A_109 = arith.constant 0 : i32
    %dma_wait3A_110 = tpu.memref_slice %arg9[%mul3A_71, %dma_wait3A_109] : memref<10000x128xf32, #tpu.memory_space<vmem_shared>> -> memref<80x128xf32, #tpu.memory_space<vmem_shared>>
    %dma_wait3A_111 = arith.constant 0 : i32
    %dma_wait3A_112 = tpu.memref_slice %arg9[%mul3A_71, %dma_wait3A_111] : memref<10000x128xf32, #tpu.memory_space<vmem_shared>> -> memref<80x128xf32, #tpu.memory_space<vmem_shared>>
    tpu.wait_dma2 semaphore(%arg11 : memref<!tpu.dma_semaphore, #tpu.memory_space<semaphore_mem>>) src(%arg10 : memref<80x128xf32, #tpu.memory_space<vmem>>) dst(%dma_wait3A_112 : memref<80x128xf32, #tpu.memory_space<vmem_shared>>)
    %dma_wait3A_113 = arith.constant 0 : i32
    %dma_wait3A_114 = tpu.memref_slice %arg9[%mul3A_81, %dma_wait3A_113] : memref<10000x128xf32, #tpu.memory_space<vmem_shared>> -> memref<80x128xf32, #tpu.memory_space<vmem_shared>>
    %dma_wait3A_115 = arith.constant 0 : i32
    %dma_wait3A_116 = tpu.memref_slice %arg9[%mul3A_81, %dma_wait3A_115] : memref<10000x128xf32, #tpu.memory_space<vmem_shared>> -> memref<80x128xf32, #tpu.memory_space<vmem_shared>>
    tpu.wait_dma2 semaphore(%arg11 : memref<!tpu.dma_semaphore, #tpu.memory_space<semaphore_mem>>) src(%arg10 : memref<80x128xf32, #tpu.memory_space<vmem>>) dst(%dma_wait3A_116 : memref<80x128xf32, #tpu.memory_space<vmem_shared>>)
    %barrier3A = arith.constant 0 : index
    tpu.barrier barrier_id(%barrier3A)
    %mul3A_117 = arith.constant 80 : i32
    %mul3A_118 = arith.muli %add3A, %mul3A_117 : i32
    %scan3A_119 = arith.constant 0 : i32
    %scan3A_120 = arith.constant 0 : i32
    %scan3A_121 = arith.constant 40 : i32
    %scan3A_122 = arith.addi %scan3A_120, %scan3A_121 : i32
    %scan3A_123 = arith.constant 1 : i32
    %scan3A_124 = scf.for %scan3A_303 = %scan3A_120 to %scan3A_122 step %scan3A_123 iter_args(%scan3A_304 = %scan3A_119) -> (i32)  : i32 {
      %mul3A_305 = arith.constant 2 : i32
      %mul3A_306 = arith.muli %mul3A_305, %scan3A_303 : i32
      %add3A_307 = arith.addi %mul3A_118, %mul3A_306 : i32
      %dma_start3A_308 = arith.constant 0 : i32
      %dma_start3A_309 = arith.constant 0 : i32
      %dma_start3A_310 = tpu.memref_slice %arg3[%add3A_307, %dma_start3A_308, %dma_start3A_309] : memref<2560x2x128xi32, #tpu.memory_space<hbm>> -> memref<1x2x128xi32, #tpu.memory_space<hbm>>
      %dma_start3A_311 = tpu.memref_squeeze %dma_start3A_310 : memref<1x2x128xi32, #tpu.memory_space<hbm>> -> memref<2x128xi32, #tpu.memory_space<hbm>>
      %dma_start3A_312 = arith.constant 0 : i32
      %dma_start3A_313 = arith.constant 0 : i32
      %dma_start3A_314 = tpu.memref_slice %arg3[%add3A_307, %dma_start3A_312, %dma_start3A_313] : memref<2560x2x128xi32, #tpu.memory_space<hbm>> -> memref<1x2x128xi32, #tpu.memory_space<hbm>>
      %dma_start3A_315 = tpu.memref_squeeze %dma_start3A_314 : memref<1x2x128xi32, #tpu.memory_space<hbm>> -> memref<2x128xi32, #tpu.memory_space<hbm>>
      tpu.enqueue_dma source(%dma_start3A_315 : memref<2x128xi32, #tpu.memory_space<hbm>>) target(%arg5 : memref<2x128xi32, #tpu.memory_space<vmem>>) target_semaphore(%arg11 : memref<!tpu.dma_semaphore, #tpu.memory_space<semaphore_mem>>)
      %add3A_316 = arith.constant 1 : i32
      %add3A_317 = arith.addi %add3A_307, %add3A_316 : i32
      %dma_start3A_318 = arith.constant 0 : i32
      %dma_start3A_319 = arith.constant 0 : i32
      %dma_start3A_320 = tpu.memref_slice %arg3[%add3A_317, %dma_start3A_318, %dma_start3A_319] : memref<2560x2x128xi32, #tpu.memory_space<hbm>> -> memref<1x2x128xi32, #tpu.memory_space<hbm>>
      %dma_start3A_321 = tpu.memref_squeeze %dma_start3A_320 : memref<1x2x128xi32, #tpu.memory_space<hbm>> -> memref<2x128xi32, #tpu.memory_space<hbm>>
      %dma_start3A_322 = arith.constant 0 : i32
      %dma_start3A_323 = arith.constant 0 : i32
      %dma_start3A_324 = tpu.memref_slice %arg3[%add3A_317, %dma_start3A_322, %dma_start3A_323] : memref<2560x2x128xi32, #tpu.memory_space<hbm>> -> memref<1x2x128xi32, #tpu.memory_space<hbm>>
      %dma_start3A_325 = tpu.memref_squeeze %dma_start3A_324 : memref<1x2x128xi32, #tpu.memory_space<hbm>> -> memref<2x128xi32, #tpu.memory_space<hbm>>
      tpu.enqueue_dma source(%dma_start3A_325 : memref<2x128xi32, #tpu.memory_space<hbm>>) target(%arg6 : memref<2x128xi32, #tpu.memory_space<vmem>>) target_semaphore(%arg12 : memref<!tpu.dma_semaphore, #tpu.memory_space<semaphore_mem>>)
      %dma_wait3A_326 = arith.constant 0 : i32
      %dma_wait3A_327 = arith.constant 0 : i32
      %dma_wait3A_328 = tpu.memref_slice %arg3[%add3A_307, %dma_wait3A_326, %dma_wait3A_327] : memref<2560x2x128xi32, #tpu.memory_space<hbm>> -> memref<1x2x128xi32, #tpu.memory_space<hbm>>
      %dma_wait3A_329 = tpu.memref_squeeze %dma_wait3A_328 : memref<1x2x128xi32, #tpu.memory_space<hbm>> -> memref<2x128xi32, #tpu.memory_space<hbm>>
      %dma_wait3A_330 = arith.constant 0 : i32
      %dma_wait3A_331 = arith.constant 0 : i32
      %dma_wait3A_332 = tpu.memref_slice %arg3[%add3A_307, %dma_wait3A_330, %dma_wait3A_331] : memref<2560x2x128xi32, #tpu.memory_space<hbm>> -> memref<1x2x128xi32, #tpu.memory_space<hbm>>
      %dma_wait3A_333 = tpu.memref_squeeze %dma_wait3A_332 : memref<1x2x128xi32, #tpu.memory_space<hbm>> -> memref<2x128xi32, #tpu.memory_space<hbm>>
      tpu.wait_dma2 semaphore(%arg11 : memref<!tpu.dma_semaphore, #tpu.memory_space<semaphore_mem>>) src(%dma_wait3A_333 : memref<2x128xi32, #tpu.memory_space<hbm>>) dst(%arg5 : memref<2x128xi32, #tpu.memory_space<vmem>>)
      %dma_start3A_334 = arith.constant 0 : i32
      %dma_start3A_335 = arith.constant 0 : i32
      %dma_start3A_336 = tpu.memref_slice %arg5[%dma_start3A_334, %dma_start3A_335] : memref<2x128xi32, #tpu.memory_space<vmem>> -> memref<1x128xi32, #tpu.memory_space<vmem>>
      %dma_start3A_337 = tpu.memref_squeeze %dma_start3A_336 : memref<1x128xi32, #tpu.memory_space<vmem>> -> memref<128xi32, #tpu.memory_space<vmem>>
      %dma_start3A_338 = arith.constant 0 : i32
      %dma_start3A_339 = arith.constant 0 : i32
      %dma_start3A_340 = tpu.memref_slice %arg2[%dma_start3A_338, %dma_start3A_339] : memref<10008x128xf32, #tpu.memory_space<hbm>> -> memref<10008x128xf32, #tpu.memory_space<hbm>>
      tpu.enqueue_indirect_dma source(%dma_start3A_340 : memref<10008x128xf32, #tpu.memory_space<hbm>>) target(%arg7 : memref<128x128xf32, #tpu.memory_space<vmem>>) offsets(%dma_start3A_337 : memref<128xi32, #tpu.memory_space<vmem>>) semaphore(%arg11 : memref<!tpu.dma_semaphore, #tpu.memory_space<semaphore_mem>>)
      %dma_wait3A_341 = arith.constant 0 : i32
      %dma_wait3A_342 = arith.constant 0 : i32
      %dma_wait3A_343 = tpu.memref_slice %arg3[%add3A_317, %dma_wait3A_341, %dma_wait3A_342] : memref<2560x2x128xi32, #tpu.memory_space<hbm>> -> memref<1x2x128xi32, #tpu.memory_space<hbm>>
      %dma_wait3A_344 = tpu.memref_squeeze %dma_wait3A_343 : memref<1x2x128xi32, #tpu.memory_space<hbm>> -> memref<2x128xi32, #tpu.memory_space<hbm>>
      %dma_wait3A_345 = arith.constant 0 : i32
      %dma_wait3A_346 = arith.constant 0 : i32
      %dma_wait3A_347 = tpu.memref_slice %arg3[%add3A_317, %dma_wait3A_345, %dma_wait3A_346] : memref<2560x2x128xi32, #tpu.memory_space<hbm>> -> memref<1x2x128xi32, #tpu.memory_space<hbm>>
      %dma_wait3A_348 = tpu.memref_squeeze %dma_wait3A_347 : memref<1x2x128xi32, #tpu.memory_space<hbm>> -> memref<2x128xi32, #tpu.memory_space<hbm>>
      tpu.wait_dma2 semaphore(%arg12 : memref<!tpu.dma_semaphore, #tpu.memory_space<semaphore_mem>>) src(%dma_wait3A_348 : memref<2x128xi32, #tpu.memory_space<hbm>>) dst(%arg6 : memref<2x128xi32, #tpu.memory_space<vmem>>)
      %dma_start3A_349 = arith.constant 0 : i32
      %dma_start3A_350 = arith.constant 0 : i32
      %dma_start3A_351 = tpu.memref_slice %arg6[%dma_start3A_349, %dma_start3A_350] : memref<2x128xi32, #tpu.memory_space<vmem>> -> memref<1x128xi32, #tpu.memory_space<vmem>>
      %dma_start3A_352 = tpu.memref_squeeze %dma_start3A_351 : memref<1x128xi32, #tpu.memory_space<vmem>> -> memref<128xi32, #tpu.memory_space<vmem>>
      %dma_start3A_353 = arith.constant 0 : i32
      %dma_start3A_354 = arith.constant 0 : i32
      %dma_start3A_355 = tpu.memref_slice %arg2[%dma_start3A_353, %dma_start3A_354] : memref<10008x128xf32, #tpu.memory_space<hbm>> -> memref<10008x128xf32, #tpu.memory_space<hbm>>
      tpu.enqueue_indirect_dma source(%dma_start3A_355 : memref<10008x128xf32, #tpu.memory_space<hbm>>) target(%arg8 : memref<128x128xf32, #tpu.memory_space<vmem>>) offsets(%dma_start3A_352 : memref<128xi32, #tpu.memory_space<vmem>>) semaphore(%arg12 : memref<!tpu.dma_semaphore, #tpu.memory_space<semaphore_mem>>)
      %dma_wait3A_356 = arith.constant 0 : i32
      %dma_wait3A_357 = arith.constant 0 : i32
      %dma_wait3A_358 = tpu.memref_slice %arg5[%dma_wait3A_356, %dma_wait3A_357] : memref<2x128xi32, #tpu.memory_space<vmem>> -> memref<1x128xi32, #tpu.memory_space<vmem>>
      %dma_wait3A_359 = tpu.memref_squeeze %dma_wait3A_358 : memref<1x128xi32, #tpu.memory_space<vmem>> -> memref<128xi32, #tpu.memory_space<vmem>>
      %dma_wait3A_360 = arith.constant 0 : i32
      %dma_wait3A_361 = arith.constant 0 : i32
      %dma_wait3A_362 = tpu.memref_slice %arg2[%dma_wait3A_360, %dma_wait3A_361] : memref<10008x128xf32, #tpu.memory_space<hbm>> -> memref<10008x128xf32, #tpu.memory_space<hbm>>
      tpu.wait_indirect_dma semaphore(%arg11 : memref<!tpu.dma_semaphore, #tpu.memory_space<semaphore_mem>>) src(%dma_wait3A_362 : memref<10008x128xf32, #tpu.memory_space<hbm>>) dst(%arg7 : memref<128x128xf32, #tpu.memory_space<vmem>>)
      %dma_start3A_363 = arith.constant 1 : i32
      %dma_start3A_364 = arith.constant 0 : i32
      %dma_start3A_365 = tpu.memref_slice %arg5[%dma_start3A_363, %dma_start3A_364] : memref<2x128xi32, #tpu.memory_space<vmem>> -> memref<1x128xi32, #tpu.memory_space<vmem>>
      %dma_start3A_366 = tpu.memref_squeeze %dma_start3A_365 : memref<1x128xi32, #tpu.memory_space<vmem>> -> memref<128xi32, #tpu.memory_space<vmem>>
      %dma_start3A_367 = arith.constant 0 : i32
      %dma_start3A_368 = arith.constant 0 : i32
      %dma_start3A_369 = tpu.memref_slice %arg9[%dma_start3A_367, %dma_start3A_368] : memref<10000x128xf32, #tpu.memory_space<vmem_shared>> -> memref<10000x128xf32, #tpu.memory_space<vmem_shared>>
      tpu.enqueue_indirect_dma source(%arg7 : memref<128x128xf32, #tpu.memory_space<vmem>>) target(%dma_start3A_369 : memref<10000x128xf32, #tpu.memory_space<vmem_shared>>) offsets(%dma_start3A_366 : memref<128xi32, #tpu.memory_space<vmem>>) semaphore(%arg11 : memref<!tpu.dma_semaphore, #tpu.memory_space<semaphore_mem>>) {add = true}
      %dma_wait3A_370 = arith.constant 0 : i32
      %dma_wait3A_371 = arith.constant 0 : i32
      %dma_wait3A_372 = tpu.memref_slice %arg6[%dma_wait3A_370, %dma_wait3A_371] : memref<2x128xi32, #tpu.memory_space<vmem>> -> memref<1x128xi32, #tpu.memory_space<vmem>>
      %dma_wait3A_373 = tpu.memref_squeeze %dma_wait3A_372 : memref<1x128xi32, #tpu.memory_space<vmem>> -> memref<128xi32, #tpu.memory_space<vmem>>
      %dma_wait3A_374 = arith.constant 0 : i32
      %dma_wait3A_375 = arith.constant 0 : i32
      %dma_wait3A_376 = tpu.memref_slice %arg2[%dma_wait3A_374, %dma_wait3A_375] : memref<10008x128xf32, #tpu.memory_space<hbm>> -> memref<10008x128xf32, #tpu.memory_space<hbm>>
      tpu.wait_indirect_dma semaphore(%arg12 : memref<!tpu.dma_semaphore, #tpu.memory_space<semaphore_mem>>) src(%dma_wait3A_376 : memref<10008x128xf32, #tpu.memory_space<hbm>>) dst(%arg8 : memref<128x128xf32, #tpu.memory_space<vmem>>)
      %dma_start3A_377 = arith.constant 1 : i32
      %dma_start3A_378 = arith.constant 0 : i32
      %dma_start3A_379 = tpu.memref_slice %arg6[%dma_start3A_377, %dma_start3A_378] : memref<2x128xi32, #tpu.memory_space<vmem>> -> memref<1x128xi32, #tpu.memory_space<vmem>>
      %dma_start3A_380 = tpu.memref_squeeze %dma_start3A_379 : memref<1x128xi32, #tpu.memory_space<vmem>> -> memref<128xi32, #tpu.memory_space<vmem>>
      %dma_start3A_381 = arith.constant 0 : i32
      %dma_start3A_382 = arith.constant 0 : i32
      %dma_start3A_383 = tpu.memref_slice %arg9[%dma_start3A_381, %dma_start3A_382] : memref<10000x128xf32, #tpu.memory_space<vmem_shared>> -> memref<10000x128xf32, #tpu.memory_space<vmem_shared>>
      tpu.enqueue_indirect_dma source(%arg8 : memref<128x128xf32, #tpu.memory_space<vmem>>) target(%dma_start3A_383 : memref<10000x128xf32, #tpu.memory_space<vmem_shared>>) offsets(%dma_start3A_380 : memref<128xi32, #tpu.memory_space<vmem>>) semaphore(%arg12 : memref<!tpu.dma_semaphore, #tpu.memory_space<semaphore_mem>>) {add = true}
      %dma_wait3A_384 = arith.constant 1 : i32
      %dma_wait3A_385 = arith.constant 0 : i32
      %dma_wait3A_386 = tpu.memref_slice %arg5[%dma_wait3A_384, %dma_wait3A_385] : memref<2x128xi32, #tpu.memory_space<vmem>> -> memref<1x128xi32, #tpu.memory_space<vmem>>
      %dma_wait3A_387 = tpu.memref_squeeze %dma_wait3A_386 : memref<1x128xi32, #tpu.memory_space<vmem>> -> memref<128xi32, #tpu.memory_space<vmem>>
      %dma_wait3A_388 = arith.constant 0 : i32
      %dma_wait3A_389 = arith.constant 0 : i32
      %dma_wait3A_390 = tpu.memref_slice %arg9[%dma_wait3A_388, %dma_wait3A_389] : memref<10000x128xf32, #tpu.memory_space<vmem_shared>> -> memref<10000x128xf32, #tpu.memory_space<vmem_shared>>
      tpu.wait_indirect_dma semaphore(%arg11 : memref<!tpu.dma_semaphore, #tpu.memory_space<semaphore_mem>>) src(%arg7 : memref<128x128xf32, #tpu.memory_space<vmem>>) dst(%dma_wait3A_390 : memref<10000x128xf32, #tpu.memory_space<vmem_shared>>)
      %dma_wait3A_391 = arith.constant 1 : i32
      %dma_wait3A_392 = arith.constant 0 : i32
      %dma_wait3A_393 = tpu.memref_slice %arg6[%dma_wait3A_391, %dma_wait3A_392] : memref<2x128xi32, #tpu.memory_space<vmem>> -> memref<1x128xi32, #tpu.memory_space<vmem>>
      %dma_wait3A_394 = tpu.memref_squeeze %dma_wait3A_393 : memref<1x128xi32, #tpu.memory_space<vmem>> -> memref<128xi32, #tpu.memory_space<vmem>>
      %dma_wait3A_395 = arith.constant 0 : i32
      %dma_wait3A_396 = arith.constant 0 : i32
      %dma_wait3A_397 = tpu.memref_slice %arg9[%dma_wait3A_395, %dma_wait3A_396] : memref<10000x128xf32, #tpu.memory_space<vmem_shared>> -> memref<10000x128xf32, #tpu.memory_space<vmem_shared>>
      tpu.wait_indirect_dma semaphore(%arg12 : memref<!tpu.dma_semaphore, #tpu.memory_space<semaphore_mem>>) src(%arg8 : memref<128x128xf32, #tpu.memory_space<vmem>>) dst(%dma_wait3A_397 : memref<10000x128xf32, #tpu.memory_space<vmem_shared>>)
      %scan3A_398 = arith.constant 0 : i32
      scf.yield %scan3A_398 : i32
    }
    %scan3A_125 = arith.constant 40 : i32
    %barrier3A_126 = arith.constant 0 : index
    tpu.barrier barrier_id(%barrier3A_126)
    %add3A_127 = arith.constant 0 : i32
    %add3A_128 = arith.addi %arg1, %add3A_127 : i32
    %rem3A_129 = arith.constant 125 : i32
    %rem3A_130 = arith.remsi %add3A_128, %rem3A_129 : i32
    %mul3A_131 = arith.constant 80 : i32
    %mul3A_132 = arith.muli %rem3A_130, %mul3A_131 : i32
    %dma_start3A_133 = arith.constant 0 : i32
    %dma_start3A_134 = arith.constant 0 : i32
    %dma_start3A_135 = tpu.memref_slice %arg4[%arg0, %dma_start3A_133, %dma_start3A_134] : memref<2x10000x128xf32, #tpu.memory_space<hbm>> -> memref<1x10000x128xf32, #tpu.memory_space<hbm>>
    %dma_start3A_136 = tpu.memref_squeeze %dma_start3A_135 : memref<1x10000x128xf32, #tpu.memory_space<hbm>> -> memref<10000x128xf32, #tpu.memory_space<hbm>>
    %dma_start3A_137 = arith.constant 0 : i32
    %dma_start3A_138 = tpu.memref_slice %dma_start3A_136[%mul3A_132, %dma_start3A_137] : memref<10000x128xf32, #tpu.memory_space<hbm>> -> memref<80x128xf32, #tpu.memory_space<hbm>>
    %dma_start3A_139 = arith.constant 0 : i32
    %dma_start3A_140 = tpu.memref_slice %arg9[%mul3A_132, %dma_start3A_139] : memref<10000x128xf32, #tpu.memory_space<vmem_shared>> -> memref<80x128xf32, #tpu.memory_space<vmem_shared>>
    tpu.enqueue_dma source(%dma_start3A_140 : memref<80x128xf32, #tpu.memory_space<vmem_shared>>) target(%dma_start3A_138 : memref<80x128xf32, #tpu.memory_space<hbm>>) target_semaphore(%arg12 : memref<!tpu.dma_semaphore, #tpu.memory_space<semaphore_mem>>)
    %add3A_141 = arith.constant 16 : i32
    %add3A_142 = arith.addi %arg1, %add3A_141 : i32
    %rem3A_143 = arith.constant 125 : i32
    %rem3A_144 = arith.remsi %add3A_142, %rem3A_143 : i32
    %mul3A_145 = arith.constant 80 : i32
    %mul3A_146 = arith.muli %rem3A_144, %mul3A_145 : i32
    %dma_start3A_147 = arith.constant 0 : i32
    %dma_start3A_148 = arith.constant 0 : i32
    %dma_start3A_149 = tpu.memref_slice %arg4[%arg0, %dma_start3A_147, %dma_start3A_148] : memref<2x10000x128xf32, #tpu.memory_space<hbm>> -> memref<1x10000x128xf32, #tpu.memory_space<hbm>>
    %dma_start3A_150 = tpu.memref_squeeze %dma_start3A_149 : memref<1x10000x128xf32, #tpu.memory_space<hbm>> -> memref<10000x128xf32, #tpu.memory_space<hbm>>
    %dma_start3A_151 = arith.constant 0 : i32
    %dma_start3A_152 = tpu.memref_slice %dma_start3A_150[%mul3A_146, %dma_start3A_151] : memref<10000x128xf32, #tpu.memory_space<hbm>> -> memref<80x128xf32, #tpu.memory_space<hbm>>
    %dma_start3A_153 = arith.constant 0 : i32
    %dma_start3A_154 = tpu.memref_slice %arg9[%mul3A_146, %dma_start3A_153] : memref<10000x128xf32, #tpu.memory_space<vmem_shared>> -> memref<80x128xf32, #tpu.memory_space<vmem_shared>>
    tpu.enqueue_dma source(%dma_start3A_154 : memref<80x128xf32, #tpu.memory_space<vmem_shared>>) target(%dma_start3A_152 : memref<80x128xf32, #tpu.memory_space<hbm>>) target_semaphore(%arg12 : memref<!tpu.dma_semaphore, #tpu.memory_space<semaphore_mem>>)
    %add3A_155 = arith.constant 32 : i32
    %add3A_156 = arith.addi %arg1, %add3A_155 : i32
    %rem3A_157 = arith.constant 125 : i32
    %rem3A_158 = arith.remsi %add3A_156, %rem3A_157 : i32
    %mul3A_159 = arith.constant 80 : i32
    %mul3A_160 = arith.muli %rem3A_158, %mul3A_159 : i32
    %dma_start3A_161 = arith.constant 0 : i32
    %dma_start3A_162 = arith.constant 0 : i32
    %dma_start3A_163 = tpu.memref_slice %arg4[%arg0, %dma_start3A_161, %dma_start3A_162] : memref<2x10000x128xf32, #tpu.memory_space<hbm>> -> memref<1x10000x128xf32, #tpu.memory_space<hbm>>
    %dma_start3A_164 = tpu.memref_squeeze %dma_start3A_163 : memref<1x10000x128xf32, #tpu.memory_space<hbm>> -> memref<10000x128xf32, #tpu.memory_space<hbm>>
    %dma_start3A_165 = arith.constant 0 : i32
    %dma_start3A_166 = tpu.memref_slice %dma_start3A_164[%mul3A_160, %dma_start3A_165] : memref<10000x128xf32, #tpu.memory_space<hbm>> -> memref<80x128xf32, #tpu.memory_space<hbm>>
    %dma_start3A_167 = arith.constant 0 : i32
    %dma_start3A_168 = tpu.memref_slice %arg9[%mul3A_160, %dma_start3A_167] : memref<10000x128xf32, #tpu.memory_space<vmem_shared>> -> memref<80x128xf32, #tpu.memory_space<vmem_shared>>
    tpu.enqueue_dma source(%dma_start3A_168 : memref<80x128xf32, #tpu.memory_space<vmem_shared>>) target(%dma_start3A_166 : memref<80x128xf32, #tpu.memory_space<hbm>>) target_semaphore(%arg12 : memref<!tpu.dma_semaphore, #tpu.memory_space<semaphore_mem>>)
    %add3A_169 = arith.constant 48 : i32
    %add3A_170 = arith.addi %arg1, %add3A_169 : i32
    %rem3A_171 = arith.constant 125 : i32
    %rem3A_172 = arith.remsi %add3A_170, %rem3A_171 : i32
    %mul3A_173 = arith.constant 80 : i32
    %mul3A_174 = arith.muli %rem3A_172, %mul3A_173 : i32
    %dma_start3A_175 = arith.constant 0 : i32
    %dma_start3A_176 = arith.constant 0 : i32
    %dma_start3A_177 = tpu.memref_slice %arg4[%arg0, %dma_start3A_175, %dma_start3A_176] : memref<2x10000x128xf32, #tpu.memory_space<hbm>> -> memref<1x10000x128xf32, #tpu.memory_space<hbm>>
    %dma_start3A_178 = tpu.memref_squeeze %dma_start3A_177 : memref<1x10000x128xf32, #tpu.memory_space<hbm>> -> memref<10000x128xf32, #tpu.memory_space<hbm>>
    %dma_start3A_179 = arith.constant 0 : i32
    %dma_start3A_180 = tpu.memref_slice %dma_start3A_178[%mul3A_174, %dma_start3A_179] : memref<10000x128xf32, #tpu.memory_space<hbm>> -> memref<80x128xf32, #tpu.memory_space<hbm>>
    %dma_start3A_181 = arith.constant 0 : i32
    %dma_start3A_182 = tpu.memref_slice %arg9[%mul3A_174, %dma_start3A_181] : memref<10000x128xf32, #tpu.memory_space<vmem_shared>> -> memref<80x128xf32, #tpu.memory_space<vmem_shared>>
    tpu.enqueue_dma source(%dma_start3A_182 : memref<80x128xf32, #tpu.memory_space<vmem_shared>>) target(%dma_start3A_180 : memref<80x128xf32, #tpu.memory_space<hbm>>) target_semaphore(%arg12 : memref<!tpu.dma_semaphore, #tpu.memory_space<semaphore_mem>>)
    %add3A_183 = arith.constant 64 : i32
    %add3A_184 = arith.addi %arg1, %add3A_183 : i32
    %rem3A_185 = arith.constant 125 : i32
    %rem3A_186 = arith.remsi %add3A_184, %rem3A_185 : i32
    %mul3A_187 = arith.constant 80 : i32
    %mul3A_188 = arith.muli %rem3A_186, %mul3A_187 : i32
    %dma_start3A_189 = arith.constant 0 : i32
    %dma_start3A_190 = arith.constant 0 : i32
    %dma_start3A_191 = tpu.memref_slice %arg4[%arg0, %dma_start3A_189, %dma_start3A_190] : memref<2x10000x128xf32, #tpu.memory_space<hbm>> -> memref<1x10000x128xf32, #tpu.memory_space<hbm>>
    %dma_start3A_192 = tpu.memref_squeeze %dma_start3A_191 : memref<1x10000x128xf32, #tpu.memory_space<hbm>> -> memref<10000x128xf32, #tpu.memory_space<hbm>>
    %dma_start3A_193 = arith.constant 0 : i32
    %dma_start3A_194 = tpu.memref_slice %dma_start3A_192[%mul3A_188, %dma_start3A_193] : memref<10000x128xf32, #tpu.memory_space<hbm>> -> memref<80x128xf32, #tpu.memory_space<hbm>>
    %dma_start3A_195 = arith.constant 0 : i32
    %dma_start3A_196 = tpu.memref_slice %arg9[%mul3A_188, %dma_start3A_195] : memref<10000x128xf32, #tpu.memory_space<vmem_shared>> -> memref<80x128xf32, #tpu.memory_space<vmem_shared>>
    tpu.enqueue_dma source(%dma_start3A_196 : memref<80x128xf32, #tpu.memory_space<vmem_shared>>) target(%dma_start3A_194 : memref<80x128xf32, #tpu.memory_space<hbm>>) target_semaphore(%arg12 : memref<!tpu.dma_semaphore, #tpu.memory_space<semaphore_mem>>)
    %add3A_197 = arith.constant 80 : i32
    %add3A_198 = arith.addi %arg1, %add3A_197 : i32
    %rem3A_199 = arith.constant 125 : i32
    %rem3A_200 = arith.remsi %add3A_198, %rem3A_199 : i32
    %mul3A_201 = arith.constant 80 : i32
    %mul3A_202 = arith.muli %rem3A_200, %mul3A_201 : i32
    %dma_start3A_203 = arith.constant 0 : i32
    %dma_start3A_204 = arith.constant 0 : i32
    %dma_start3A_205 = tpu.memref_slice %arg4[%arg0, %dma_start3A_203, %dma_start3A_204] : memref<2x10000x128xf32, #tpu.memory_space<hbm>> -> memref<1x10000x128xf32, #tpu.memory_space<hbm>>
    %dma_start3A_206 = tpu.memref_squeeze %dma_start3A_205 : memref<1x10000x128xf32, #tpu.memory_space<hbm>> -> memref<10000x128xf32, #tpu.memory_space<hbm>>
    %dma_start3A_207 = arith.constant 0 : i32
    %dma_start3A_208 = tpu.memref_slice %dma_start3A_206[%mul3A_202, %dma_start3A_207] : memref<10000x128xf32, #tpu.memory_space<hbm>> -> memref<80x128xf32, #tpu.memory_space<hbm>>
    %dma_start3A_209 = arith.constant 0 : i32
    %dma_start3A_210 = tpu.memref_slice %arg9[%mul3A_202, %dma_start3A_209] : memref<10000x128xf32, #tpu.memory_space<vmem_shared>> -> memref<80x128xf32, #tpu.memory_space<vmem_shared>>
    tpu.enqueue_dma source(%dma_start3A_210 : memref<80x128xf32, #tpu.memory_space<vmem_shared>>) target(%dma_start3A_208 : memref<80x128xf32, #tpu.memory_space<hbm>>) target_semaphore(%arg12 : memref<!tpu.dma_semaphore, #tpu.memory_space<semaphore_mem>>)
    %add3A_211 = arith.constant 96 : i32
    %add3A_212 = arith.addi %arg1, %add3A_211 : i32
    %rem3A_213 = arith.constant 125 : i32
    %rem3A_214 = arith.remsi %add3A_212, %rem3A_213 : i32
    %mul3A_215 = arith.constant 80 : i32
    %mul3A_216 = arith.muli %rem3A_214, %mul3A_215 : i32
    %dma_start3A_217 = arith.constant 0 : i32
    %dma_start3A_218 = arith.constant 0 : i32
    %dma_start3A_219 = tpu.memref_slice %arg4[%arg0, %dma_start3A_217, %dma_start3A_218] : memref<2x10000x128xf32, #tpu.memory_space<hbm>> -> memref<1x10000x128xf32, #tpu.memory_space<hbm>>
    %dma_start3A_220 = tpu.memref_squeeze %dma_start3A_219 : memref<1x10000x128xf32, #tpu.memory_space<hbm>> -> memref<10000x128xf32, #tpu.memory_space<hbm>>
    %dma_start3A_221 = arith.constant 0 : i32
    %dma_start3A_222 = tpu.memref_slice %dma_start3A_220[%mul3A_216, %dma_start3A_221] : memref<10000x128xf32, #tpu.memory_space<hbm>> -> memref<80x128xf32, #tpu.memory_space<hbm>>
    %dma_start3A_223 = arith.constant 0 : i32
    %dma_start3A_224 = tpu.memref_slice %arg9[%mul3A_216, %dma_start3A_223] : memref<10000x128xf32, #tpu.memory_space<vmem_shared>> -> memref<80x128xf32, #tpu.memory_space<vmem_shared>>
    tpu.enqueue_dma source(%dma_start3A_224 : memref<80x128xf32, #tpu.memory_space<vmem_shared>>) target(%dma_start3A_222 : memref<80x128xf32, #tpu.memory_space<hbm>>) target_semaphore(%arg12 : memref<!tpu.dma_semaphore, #tpu.memory_space<semaphore_mem>>)
    %add3A_225 = arith.constant 112 : i32
    %add3A_226 = arith.addi %arg1, %add3A_225 : i32
    %rem3A_227 = arith.constant 125 : i32
    %rem3A_228 = arith.remsi %add3A_226, %rem3A_227 : i32
    %mul3A_229 = arith.constant 80 : i32
    %mul3A_230 = arith.muli %rem3A_228, %mul3A_229 : i32
    %dma_start3A_231 = arith.constant 0 : i32
    %dma_start3A_232 = arith.constant 0 : i32
    %dma_start3A_233 = tpu.memref_slice %arg4[%arg0, %dma_start3A_231, %dma_start3A_232] : memref<2x10000x128xf32, #tpu.memory_space<hbm>> -> memref<1x10000x128xf32, #tpu.memory_space<hbm>>
    %dma_start3A_234 = tpu.memref_squeeze %dma_start3A_233 : memref<1x10000x128xf32, #tpu.memory_space<hbm>> -> memref<10000x128xf32, #tpu.memory_space<hbm>>
    %dma_start3A_235 = arith.constant 0 : i32
    %dma_start3A_236 = tpu.memref_slice %dma_start3A_234[%mul3A_230, %dma_start3A_235] : memref<10000x128xf32, #tpu.memory_space<hbm>> -> memref<80x128xf32, #tpu.memory_space<hbm>>
    %dma_start3A_237 = arith.constant 0 : i32
    %dma_start3A_238 = tpu.memref_slice %arg9[%mul3A_230, %dma_start3A_237] : memref<10000x128xf32, #tpu.memory_space<vmem_shared>> -> memref<80x128xf32, #tpu.memory_space<vmem_shared>>
    tpu.enqueue_dma source(%dma_start3A_238 : memref<80x128xf32, #tpu.memory_space<vmem_shared>>) target(%dma_start3A_236 : memref<80x128xf32, #tpu.memory_space<hbm>>) target_semaphore(%arg12 : memref<!tpu.dma_semaphore, #tpu.memory_space<semaphore_mem>>)
    %dma_wait3A_239 = arith.constant 0 : i32
    %dma_wait3A_240 = arith.constant 0 : i32
    %dma_wait3A_241 = tpu.memref_slice %arg4[%arg0, %dma_wait3A_239, %dma_wait3A_240] : memref<2x10000x128xf32, #tpu.memory_space<hbm>> -> memref<1x10000x128xf32, #tpu.memory_space<hbm>>
    %dma_wait3A_242 = tpu.memref_squeeze %dma_wait3A_241 : memref<1x10000x128xf32, #tpu.memory_space<hbm>> -> memref<10000x128xf32, #tpu.memory_space<hbm>>
    %dma_wait3A_243 = arith.constant 0 : i32
    %dma_wait3A_244 = tpu.memref_slice %dma_wait3A_242[%mul3A_132, %dma_wait3A_243] : memref<10000x128xf32, #tpu.memory_space<hbm>> -> memref<80x128xf32, #tpu.memory_space<hbm>>
    %dma_wait3A_245 = arith.constant 0 : i32
    %dma_wait3A_246 = tpu.memref_slice %arg9[%mul3A_132, %dma_wait3A_245] : memref<10000x128xf32, #tpu.memory_space<vmem_shared>> -> memref<80x128xf32, #tpu.memory_space<vmem_shared>>
    tpu.wait_dma2 semaphore(%arg12 : memref<!tpu.dma_semaphore, #tpu.memory_space<semaphore_mem>>) src(%dma_wait3A_246 : memref<80x128xf32, #tpu.memory_space<vmem_shared>>) dst(%dma_wait3A_244 : memref<80x128xf32, #tpu.memory_space<hbm>>)
    %dma_wait3A_247 = arith.constant 0 : i32
    %dma_wait3A_248 = arith.constant 0 : i32
    %dma_wait3A_249 = tpu.memref_slice %arg4[%arg0, %dma_wait3A_247, %dma_wait3A_248] : memref<2x10000x128xf32, #tpu.memory_space<hbm>> -> memref<1x10000x128xf32, #tpu.memory_space<hbm>>
    %dma_wait3A_250 = tpu.memref_squeeze %dma_wait3A_249 : memref<1x10000x128xf32, #tpu.memory_space<hbm>> -> memref<10000x128xf32, #tpu.memory_space<hbm>>
    %dma_wait3A_251 = arith.constant 0 : i32
    %dma_wait3A_252 = tpu.memref_slice %dma_wait3A_250[%mul3A_146, %dma_wait3A_251] : memref<10000x128xf32, #tpu.memory_space<hbm>> -> memref<80x128xf32, #tpu.memory_space<hbm>>
    %dma_wait3A_253 = arith.constant 0 : i32
    %dma_wait3A_254 = tpu.memref_slice %arg9[%mul3A_146, %dma_wait3A_253] : memref<10000x128xf32, #tpu.memory_space<vmem_shared>> -> memref<80x128xf32, #tpu.memory_space<vmem_shared>>
    tpu.wait_dma2 semaphore(%arg12 : memref<!tpu.dma_semaphore, #tpu.memory_space<semaphore_mem>>) src(%dma_wait3A_254 : memref<80x128xf32, #tpu.memory_space<vmem_shared>>) dst(%dma_wait3A_252 : memref<80x128xf32, #tpu.memory_space<hbm>>)
    %dma_wait3A_255 = arith.constant 0 : i32
    %dma_wait3A_256 = arith.constant 0 : i32
    %dma_wait3A_257 = tpu.memref_slice %arg4[%arg0, %dma_wait3A_255, %dma_wait3A_256] : memref<2x10000x128xf32, #tpu.memory_space<hbm>> -> memref<1x10000x128xf32, #tpu.memory_space<hbm>>
    %dma_wait3A_258 = tpu.memref_squeeze %dma_wait3A_257 : memref<1x10000x128xf32, #tpu.memory_space<hbm>> -> memref<10000x128xf32, #tpu.memory_space<hbm>>
    %dma_wait3A_259 = arith.constant 0 : i32
    %dma_wait3A_260 = tpu.memref_slice %dma_wait3A_258[%mul3A_160, %dma_wait3A_259] : memref<10000x128xf32, #tpu.memory_space<hbm>> -> memref<80x128xf32, #tpu.memory_space<hbm>>
    %dma_wait3A_261 = arith.constant 0 : i32
    %dma_wait3A_262 = tpu.memref_slice %arg9[%mul3A_160, %dma_wait3A_261] : memref<10000x128xf32, #tpu.memory_space<vmem_shared>> -> memref<80x128xf32, #tpu.memory_space<vmem_shared>>
    tpu.wait_dma2 semaphore(%arg12 : memref<!tpu.dma_semaphore, #tpu.memory_space<semaphore_mem>>) src(%dma_wait3A_262 : memref<80x128xf32, #tpu.memory_space<vmem_shared>>) dst(%dma_wait3A_260 : memref<80x128xf32, #tpu.memory_space<hbm>>)
    %dma_wait3A_263 = arith.constant 0 : i32
    %dma_wait3A_264 = arith.constant 0 : i32
    %dma_wait3A_265 = tpu.memref_slice %arg4[%arg0, %dma_wait3A_263, %dma_wait3A_264] : memref<2x10000x128xf32, #tpu.memory_space<hbm>> -> memref<1x10000x128xf32, #tpu.memory_space<hbm>>
    %dma_wait3A_266 = tpu.memref_squeeze %dma_wait3A_265 : memref<1x10000x128xf32, #tpu.memory_space<hbm>> -> memref<10000x128xf32, #tpu.memory_space<hbm>>
    %dma_wait3A_267 = arith.constant 0 : i32
    %dma_wait3A_268 = tpu.memref_slice %dma_wait3A_266[%mul3A_174, %dma_wait3A_267] : memref<10000x128xf32, #tpu.memory_space<hbm>> -> memref<80x128xf32, #tpu.memory_space<hbm>>
    %dma_wait3A_269 = arith.constant 0 : i32
    %dma_wait3A_270 = tpu.memref_slice %arg9[%mul3A_174, %dma_wait3A_269] : memref<10000x128xf32, #tpu.memory_space<vmem_shared>> -> memref<80x128xf32, #tpu.memory_space<vmem_shared>>
    tpu.wait_dma2 semaphore(%arg12 : memref<!tpu.dma_semaphore, #tpu.memory_space<semaphore_mem>>) src(%dma_wait3A_270 : memref<80x128xf32, #tpu.memory_space<vmem_shared>>) dst(%dma_wait3A_268 : memref<80x128xf32, #tpu.memory_space<hbm>>)
    %dma_wait3A_271 = arith.constant 0 : i32
    %dma_wait3A_272 = arith.constant 0 : i32
    %dma_wait3A_273 = tpu.memref_slice %arg4[%arg0, %dma_wait3A_271, %dma_wait3A_272] : memref<2x10000x128xf32, #tpu.memory_space<hbm>> -> memref<1x10000x128xf32, #tpu.memory_space<hbm>>
    %dma_wait3A_274 = tpu.memref_squeeze %dma_wait3A_273 : memref<1x10000x128xf32, #tpu.memory_space<hbm>> -> memref<10000x128xf32, #tpu.memory_space<hbm>>
    %dma_wait3A_275 = arith.constant 0 : i32
    %dma_wait3A_276 = tpu.memref_slice %dma_wait3A_274[%mul3A_188, %dma_wait3A_275] : memref<10000x128xf32, #tpu.memory_space<hbm>> -> memref<80x128xf32, #tpu.memory_space<hbm>>
    %dma_wait3A_277 = arith.constant 0 : i32
    %dma_wait3A_278 = tpu.memref_slice %arg9[%mul3A_188, %dma_wait3A_277] : memref<10000x128xf32, #tpu.memory_space<vmem_shared>> -> memref<80x128xf32, #tpu.memory_space<vmem_shared>>
    tpu.wait_dma2 semaphore(%arg12 : memref<!tpu.dma_semaphore, #tpu.memory_space<semaphore_mem>>) src(%dma_wait3A_278 : memref<80x128xf32, #tpu.memory_space<vmem_shared>>) dst(%dma_wait3A_276 : memref<80x128xf32, #tpu.memory_space<hbm>>)
    %dma_wait3A_279 = arith.constant 0 : i32
    %dma_wait3A_280 = arith.constant 0 : i32
    %dma_wait3A_281 = tpu.memref_slice %arg4[%arg0, %dma_wait3A_279, %dma_wait3A_280] : memref<2x10000x128xf32, #tpu.memory_space<hbm>> -> memref<1x10000x128xf32, #tpu.memory_space<hbm>>
    %dma_wait3A_282 = tpu.memref_squeeze %dma_wait3A_281 : memref<1x10000x128xf32, #tpu.memory_space<hbm>> -> memref<10000x128xf32, #tpu.memory_space<hbm>>
    %dma_wait3A_283 = arith.constant 0 : i32
    %dma_wait3A_284 = tpu.memref_slice %dma_wait3A_282[%mul3A_202, %dma_wait3A_283] : memref<10000x128xf32, #tpu.memory_space<hbm>> -> memref<80x128xf32, #tpu.memory_space<hbm>>
    %dma_wait3A_285 = arith.constant 0 : i32
    %dma_wait3A_286 = tpu.memref_slice %arg9[%mul3A_202, %dma_wait3A_285] : memref<10000x128xf32, #tpu.memory_space<vmem_shared>> -> memref<80x128xf32, #tpu.memory_space<vmem_shared>>
    tpu.wait_dma2 semaphore(%arg12 : memref<!tpu.dma_semaphore, #tpu.memory_space<semaphore_mem>>) src(%dma_wait3A_286 : memref<80x128xf32, #tpu.memory_space<vmem_shared>>) dst(%dma_wait3A_284 : memref<80x128xf32, #tpu.memory_space<hbm>>)
    %dma_wait3A_287 = arith.constant 0 : i32
    %dma_wait3A_288 = arith.constant 0 : i32
    %dma_wait3A_289 = tpu.memref_slice %arg4[%arg0, %dma_wait3A_287, %dma_wait3A_288] : memref<2x10000x128xf32, #tpu.memory_space<hbm>> -> memref<1x10000x128xf32, #tpu.memory_space<hbm>>
    %dma_wait3A_290 = tpu.memref_squeeze %dma_wait3A_289 : memref<1x10000x128xf32, #tpu.memory_space<hbm>> -> memref<10000x128xf32, #tpu.memory_space<hbm>>
    %dma_wait3A_291 = arith.constant 0 : i32
    %dma_wait3A_292 = tpu.memref_slice %dma_wait3A_290[%mul3A_216, %dma_wait3A_291] : memref<10000x128xf32, #tpu.memory_space<hbm>> -> memref<80x128xf32, #tpu.memory_space<hbm>>
    %dma_wait3A_293 = arith.constant 0 : i32
    %dma_wait3A_294 = tpu.memref_slice %arg9[%mul3A_216, %dma_wait3A_293] : memref<10000x128xf32, #tpu.memory_space<vmem_shared>> -> memref<80x128xf32, #tpu.memory_space<vmem_shared>>
    tpu.wait_dma2 semaphore(%arg12 : memref<!tpu.dma_semaphore, #tpu.memory_space<semaphore_mem>>) src(%dma_wait3A_294 : memref<80x128xf32, #tpu.memory_space<vmem_shared>>) dst(%dma_wait3A_292 : memref<80x128xf32, #tpu.memory_space<hbm>>)
    %dma_wait3A_295 = arith.constant 0 : i32
    %dma_wait3A_296 = arith.constant 0 : i32
    %dma_wait3A_297 = tpu.memref_slice %arg4[%arg0, %dma_wait3A_295, %dma_wait3A_296] : memref<2x10000x128xf32, #tpu.memory_space<hbm>> -> memref<1x10000x128xf32, #tpu.memory_space<hbm>>
    %dma_wait3A_298 = tpu.memref_squeeze %dma_wait3A_297 : memref<1x10000x128xf32, #tpu.memory_space<hbm>> -> memref<10000x128xf32, #tpu.memory_space<hbm>>
    %dma_wait3A_299 = arith.constant 0 : i32
    %dma_wait3A_300 = tpu.memref_slice %dma_wait3A_298[%mul3A_230, %dma_wait3A_299] : memref<10000x128xf32, #tpu.memory_space<hbm>> -> memref<80x128xf32, #tpu.memory_space<hbm>>
    %dma_wait3A_301 = arith.constant 0 : i32
    %dma_wait3A_302 = tpu.memref_slice %arg9[%mul3A_230, %dma_wait3A_301] : memref<10000x128xf32, #tpu.memory_space<vmem_shared>> -> memref<80x128xf32, #tpu.memory_space<vmem_shared>>
    tpu.wait_dma2 semaphore(%arg12 : memref<!tpu.dma_semaphore, #tpu.memory_space<semaphore_mem>>) src(%dma_wait3A_302 : memref<80x128xf32, #tpu.memory_space<vmem_shared>>) dst(%dma_wait3A_300 : memref<80x128xf32, #tpu.memory_space<hbm>>)
    return
  }
}

#map = affine_map<(d0, d1) -> (0, 0)>
#map1 = affine_map<(d0, d1) -> (0, 0, 0)>
module attributes {stable_mosaic.version = 14 : i64} {
  func.func @body(%arg0: i32, %arg1: i32, %arg2: memref<10008x128xf32, #tpu.memory_space<hbm>>, %arg3: memref<2560x2x128xi32, #tpu.memory_space<hbm>>, %arg4: memref<2x10000x128xf32, #tpu.memory_space<hbm>>, %arg5: memref<2x128xi32, #tpu.memory_space<vmem>>, %arg6: memref<2x128xi32, #tpu.memory_space<vmem>>, %arg7: memref<128x128xf32, #tpu.memory_space<vmem>>, %arg8: memref<128x128xf32, #tpu.memory_space<vmem>>, %arg9: memref<10000x128xf32, #tpu.memory_space<vmem_shared>>, %arg10: memref<80x128xf32, #tpu.memory_space<vmem>>, %arg11: memref<!tpu.dma_semaphore, #tpu.memory_space<semaphore_mem>>, %arg12: memref<!tpu.dma_semaphore, #tpu.memory_space<semaphore_mem>>) attributes {dimension_semantics = [#tpu.dimension_semantics<core_parallel>, #tpu.dimension_semantics<subcore_parallel>], iteration_bounds = array<i64: 2, 16>, scalar_prefetch = 0 : i64, scratch_operands = 8 : i64, tpu.core_type = #tpu.core_type<sc_vector_subcore>, window_params = [{transform_indices = #map}, {transform_indices = #map1}, {transform_indices = #map1}]} {
    %mul3A = arith.constant 16 : i32
    %mul3A_0 = arith.muli %arg0, %mul3A : i32
    %add3A = arith.addi %mul3A_0, %arg1 : i32
    %broadcast_in_dim3A = arith.constant 0.000000e+00 : f32
    %broadcast_in_dim3A_1 = vector.broadcast %broadcast_in_dim3A : f32 to vector<16xf32>
    %scan3A = arith.constant 0 : i32
    %scan3A_2 = arith.constant 0 : i32
    %scan3A_3 = arith.constant 80 : i32
    %scan3A_4 = arith.addi %scan3A_2, %scan3A_3 : i32
    %scan3A_5 = arith.constant 1 : i32
    %scan3A_6 = scf.for %scan3A_303 = %scan3A_2 to %scan3A_4 step %scan3A_5 iter_args(%scan3A_304 = %scan3A) -> (i32)  : i32 {
      %swap3A = arith.index_cast %scan3A_303 : i32 to index
      %swap3A_305 = arith.constant 0 : index
      %swap3A_306 = tpu.vector_load %arg10[%swap3A, %swap3A_305] {strides = array<i32>} : memref<80x128xf32, #tpu.memory_space<vmem>>, vector<1x16xf32>,
      %swap3A_307 = vector.shape_cast %swap3A_306 : vector<1x16xf32> to vector<16xf32>
      %swap3A_308 = vector.shape_cast %broadcast_in_dim3A_1 : vector<16xf32> to vector<1x16xf32>
      tpu.vector_store %arg10[%swap3A, %swap3A_305], %swap3A_308 {strides = array<i32>} : memref<80x128xf32, #tpu.memory_space<vmem>>, vector<1x16xf32>,
      %swap3A_309 = arith.index_cast %scan3A_303 : i32 to index
      %swap3A_310 = arith.constant 16 : index
      %swap3A_311 = tpu.vector_load %arg10[%swap3A_309, %swap3A_310] {strides = array<i32>} : memref<80x128xf32, #tpu.memory_space<vmem>>, vector<1x16xf32>,
      %swap3A_312 = vector.shape_cast %swap3A_311 : vector<1x16xf32> to vector<16xf32>
      %swap3A_313 = vector.shape_cast %broadcast_in_dim3A_1 : vector<16xf32> to vector<1x16xf32>
      tpu.vector_store %arg10[%swap3A_309, %swap3A_310], %swap3A_313 {strides = array<i32>} : memref<80x128xf32, #tpu.memory_space<vmem>>, vector<1x16xf32>,
      %swap3A_314 = arith.index_cast %scan3A_303 : i32 to index
      %swap3A_315 = arith.constant 32 : index
      %swap3A_316 = tpu.vector_load %arg10[%swap3A_314, %swap3A_315] {strides = array<i32>} : memref<80x128xf32, #tpu.memory_space<vmem>>, vector<1x16xf32>,
      %swap3A_317 = vector.shape_cast %swap3A_316 : vector<1x16xf32> to vector<16xf32>
      %swap3A_318 = vector.shape_cast %broadcast_in_dim3A_1 : vector<16xf32> to vector<1x16xf32>
      tpu.vector_store %arg10[%swap3A_314, %swap3A_315], %swap3A_318 {strides = array<i32>} : memref<80x128xf32, #tpu.memory_space<vmem>>, vector<1x16xf32>,
      %swap3A_319 = arith.index_cast %scan3A_303 : i32 to index
      %swap3A_320 = arith.constant 48 : index
      %swap3A_321 = tpu.vector_load %arg10[%swap3A_319, %swap3A_320] {strides = array<i32>} : memref<80x128xf32, #tpu.memory_space<vmem>>, vector<1x16xf32>,
      %swap3A_322 = vector.shape_cast %swap3A_321 : vector<1x16xf32> to vector<16xf32>
      %swap3A_323 = vector.shape_cast %broadcast_in_dim3A_1 : vector<16xf32> to vector<1x16xf32>
      tpu.vector_store %arg10[%swap3A_319, %swap3A_320], %swap3A_323 {strides = array<i32>} : memref<80x128xf32, #tpu.memory_space<vmem>>, vector<1x16xf32>,
      %swap3A_324 = arith.index_cast %scan3A_303 : i32 to index
      %swap3A_325 = arith.constant 64 : index
      %swap3A_326 = tpu.vector_load %arg10[%swap3A_324, %swap3A_325] {strides = array<i32>} : memref<80x128xf32, #tpu.memory_space<vmem>>, vector<1x16xf32>,
      %swap3A_327 = vector.shape_cast %swap3A_326 : vector<1x16xf32> to vector<16xf32>
      %swap3A_328 = vector.shape_cast %broadcast_in_dim3A_1 : vector<16xf32> to vector<1x16xf32>
      tpu.vector_store %arg10[%swap3A_324, %swap3A_325], %swap3A_328 {strides = array<i32>} : memref<80x128xf32, #tpu.memory_space<vmem>>, vector<1x16xf32>,
      %swap3A_329 = arith.index_cast %scan3A_303 : i32 to index
      %swap3A_330 = arith.constant 80 : index
      %swap3A_331 = tpu.vector_load %arg10[%swap3A_329, %swap3A_330] {strides = array<i32>} : memref<80x128xf32, #tpu.memory_space<vmem>>, vector<1x16xf32>,
      %swap3A_332 = vector.shape_cast %swap3A_331 : vector<1x16xf32> to vector<16xf32>
      %swap3A_333 = vector.shape_cast %broadcast_in_dim3A_1 : vector<16xf32> to vector<1x16xf32>
      tpu.vector_store %arg10[%swap3A_329, %swap3A_330], %swap3A_333 {strides = array<i32>} : memref<80x128xf32, #tpu.memory_space<vmem>>, vector<1x16xf32>,
      %swap3A_334 = arith.index_cast %scan3A_303 : i32 to index
      %swap3A_335 = arith.constant 96 : index
      %swap3A_336 = tpu.vector_load %arg10[%swap3A_334, %swap3A_335] {strides = array<i32>} : memref<80x128xf32, #tpu.memory_space<vmem>>, vector<1x16xf32>,
      %swap3A_337 = vector.shape_cast %swap3A_336 : vector<1x16xf32> to vector<16xf32>
      %swap3A_338 = vector.shape_cast %broadcast_in_dim3A_1 : vector<16xf32> to vector<1x16xf32>
      tpu.vector_store %arg10[%swap3A_334, %swap3A_335], %swap3A_338 {strides = array<i32>} : memref<80x128xf32, #tpu.memory_space<vmem>>, vector<1x16xf32>,
      %swap3A_339 = arith.index_cast %scan3A_303 : i32 to index
      %swap3A_340 = arith.constant 112 : index
      %swap3A_341 = tpu.vector_load %arg10[%swap3A_339, %swap3A_340] {strides = array<i32>} : memref<80x128xf32, #tpu.memory_space<vmem>>, vector<1x16xf32>,
      %swap3A_342 = vector.shape_cast %swap3A_341 : vector<1x16xf32> to vector<16xf32>
      %swap3A_343 = vector.shape_cast %broadcast_in_dim3A_1 : vector<16xf32> to vector<1x16xf32>
      tpu.vector_store %arg10[%swap3A_339, %swap3A_340], %swap3A_343 {strides = array<i32>} : memref<80x128xf32, #tpu.memory_space<vmem>>, vector<1x16xf32>,
      %scan3A_344 = arith.constant 0 : i32
      scf.yield %scan3A_344 : i32
    }
    %scan3A_7 = arith.constant 80 : i32
    %add3A_8 = arith.constant 0 : i32
    %add3A_9 = arith.addi %arg1, %add3A_8 : i32
    %rem3A = arith.constant 125 : i32
    %rem3A_10 = arith.remsi %add3A_9, %rem3A : i32
    %mul3A_11 = arith.constant 80 : i32
    %mul3A_12 = arith.muli %rem3A_10, %mul3A_11 : i32
    %dma_start3A = arith.constant 0 : i32
    %dma_start3A_13 = tpu.memref_slice %arg9[%mul3A_12, %dma_start3A] : memref<10000x128xf32, #tpu.memory_space<vmem_shared>> -> memref<80x128xf32, #tpu.memory_space<vmem_shared>>
    %dma_start3A_14 = arith.constant 0 : i32
    %dma_start3A_15 = tpu.memref_slice %arg9[%mul3A_12, %dma_start3A_14] : memref<10000x128xf32, #tpu.memory_space<vmem_shared>> -> memref<80x128xf32, #tpu.memory_space<vmem_shared>>
    tpu.enqueue_dma source(%arg10 : memref<80x128xf32, #tpu.memory_space<vmem>>) target(%dma_start3A_15 : memref<80x128xf32, #tpu.memory_space<vmem_shared>>) target_semaphore(%arg11 : memref<!tpu.dma_semaphore, #tpu.memory_space<semaphore_mem>>)
    %add3A_16 = arith.constant 16 : i32
    %add3A_17 = arith.addi %arg1, %add3A_16 : i32
    %rem3A_18 = arith.constant 125 : i32
    %rem3A_19 = arith.remsi %add3A_17, %rem3A_18 : i32
    %mul3A_20 = arith.constant 80 : i32
    %mul3A_21 = arith.muli %rem3A_19, %mul3A_20 : i32
    %dma_start3A_22 = arith.constant 0 : i32
    %dma_start3A_23 = tpu.memref_slice %arg9[%mul3A_21, %dma_start3A_22] : memref<10000x128xf32, #tpu.memory_space<vmem_shared>> -> memref<80x128xf32, #tpu.memory_space<vmem_shared>>
    %dma_start3A_24 = arith.constant 0 : i32
    %dma_start3A_25 = tpu.memref_slice %arg9[%mul3A_21, %dma_start3A_24] : memref<10000x128xf32, #tpu.memory_space<vmem_shared>> -> memref<80x128xf32, #tpu.memory_space<vmem_shared>>
    tpu.enqueue_dma source(%arg10 : memref<80x128xf32, #tpu.memory_space<vmem>>) target(%dma_start3A_25 : memref<80x128xf32, #tpu.memory_space<vmem_shared>>) target_semaphore(%arg11 : memref<!tpu.dma_semaphore, #tpu.memory_space<semaphore_mem>>)
    %add3A_26 = arith.constant 32 : i32
    %add3A_27 = arith.addi %arg1, %add3A_26 : i32
    %rem3A_28 = arith.constant 125 : i32
    %rem3A_29 = arith.remsi %add3A_27, %rem3A_28 : i32
    %mul3A_30 = arith.constant 80 : i32
    %mul3A_31 = arith.muli %rem3A_29, %mul3A_30 : i32
    %dma_start3A_32 = arith.constant 0 : i32
    %dma_start3A_33 = tpu.memref_slice %arg9[%mul3A_31, %dma_start3A_32] : memref<10000x128xf32, #tpu.memory_space<vmem_shared>> -> memref<80x128xf32, #tpu.memory_space<vmem_shared>>
    %dma_start3A_34 = arith.constant 0 : i32
    %dma_start3A_35 = tpu.memref_slice %arg9[%mul3A_31, %dma_start3A_34] : memref<10000x128xf32, #tpu.memory_space<vmem_shared>> -> memref<80x128xf32, #tpu.memory_space<vmem_shared>>
    tpu.enqueue_dma source(%arg10 : memref<80x128xf32, #tpu.memory_space<vmem>>) target(%dma_start3A_35 : memref<80x128xf32, #tpu.memory_space<vmem_shared>>) target_semaphore(%arg11 : memref<!tpu.dma_semaphore, #tpu.memory_space<semaphore_mem>>)
    %add3A_36 = arith.constant 48 : i32
    %add3A_37 = arith.addi %arg1, %add3A_36 : i32
    %rem3A_38 = arith.constant 125 : i32
    %rem3A_39 = arith.remsi %add3A_37, %rem3A_38 : i32
    %mul3A_40 = arith.constant 80 : i32
    %mul3A_41 = arith.muli %rem3A_39, %mul3A_40 : i32
    %dma_start3A_42 = arith.constant 0 : i32
    %dma_start3A_43 = tpu.memref_slice %arg9[%mul3A_41, %dma_start3A_42] : memref<10000x128xf32, #tpu.memory_space<vmem_shared>> -> memref<80x128xf32, #tpu.memory_space<vmem_shared>>
    %dma_start3A_44 = arith.constant 0 : i32
    %dma_start3A_45 = tpu.memref_slice %arg9[%mul3A_41, %dma_start3A_44] : memref<10000x128xf32, #tpu.memory_space<vmem_shared>> -> memref<80x128xf32, #tpu.memory_space<vmem_shared>>
    tpu.enqueue_dma source(%arg10 : memref<80x128xf32, #tpu.memory_space<vmem>>) target(%dma_start3A_45 : memref<80x128xf32, #tpu.memory_space<vmem_shared>>) target_semaphore(%arg11 : memref<!tpu.dma_semaphore, #tpu.memory_space<semaphore_mem>>)
    %add3A_46 = arith.constant 64 : i32
    %add3A_47 = arith.addi %arg1, %add3A_46 : i32
    %rem3A_48 = arith.constant 125 : i32
    %rem3A_49 = arith.remsi %add3A_47, %rem3A_48 : i32
    %mul3A_50 = arith.constant 80 : i32
    %mul3A_51 = arith.muli %rem3A_49, %mul3A_50 : i32
    %dma_start3A_52 = arith.constant 0 : i32
    %dma_start3A_53 = tpu.memref_slice %arg9[%mul3A_51, %dma_start3A_52] : memref<10000x128xf32, #tpu.memory_space<vmem_shared>> -> memref<80x128xf32, #tpu.memory_space<vmem_shared>>
    %dma_start3A_54 = arith.constant 0 : i32
    %dma_start3A_55 = tpu.memref_slice %arg9[%mul3A_51, %dma_start3A_54] : memref<10000x128xf32, #tpu.memory_space<vmem_shared>> -> memref<80x128xf32, #tpu.memory_space<vmem_shared>>
    tpu.enqueue_dma source(%arg10 : memref<80x128xf32, #tpu.memory_space<vmem>>) target(%dma_start3A_55 : memref<80x128xf32, #tpu.memory_space<vmem_shared>>) target_semaphore(%arg11 : memref<!tpu.dma_semaphore, #tpu.memory_space<semaphore_mem>>)
    %add3A_56 = arith.constant 80 : i32
    %add3A_57 = arith.addi %arg1, %add3A_56 : i32
    %rem3A_58 = arith.constant 125 : i32
    %rem3A_59 = arith.remsi %add3A_57, %rem3A_58 : i32
    %mul3A_60 = arith.constant 80 : i32
    %mul3A_61 = arith.muli %rem3A_59, %mul3A_60 : i32
    %dma_start3A_62 = arith.constant 0 : i32
    %dma_start3A_63 = tpu.memref_slice %arg9[%mul3A_61, %dma_start3A_62] : memref<10000x128xf32, #tpu.memory_space<vmem_shared>> -> memref<80x128xf32, #tpu.memory_space<vmem_shared>>
    %dma_start3A_64 = arith.constant 0 : i32
    %dma_start3A_65 = tpu.memref_slice %arg9[%mul3A_61, %dma_start3A_64] : memref<10000x128xf32, #tpu.memory_space<vmem_shared>> -> memref<80x128xf32, #tpu.memory_space<vmem_shared>>
    tpu.enqueue_dma source(%arg10 : memref<80x128xf32, #tpu.memory_space<vmem>>) target(%dma_start3A_65 : memref<80x128xf32, #tpu.memory_space<vmem_shared>>) target_semaphore(%arg11 : memref<!tpu.dma_semaphore, #tpu.memory_space<semaphore_mem>>)
    %add3A_66 = arith.constant 96 : i32
    %add3A_67 = arith.addi %arg1, %add3A_66 : i32
    %rem3A_68 = arith.constant 125 : i32
    %rem3A_69 = arith.remsi %add3A_67, %rem3A_68 : i32
    %mul3A_70 = arith.constant 80 : i32
    %mul3A_71 = arith.muli %rem3A_69, %mul3A_70 : i32
    %dma_start3A_72 = arith.constant 0 : i32
    %dma_start3A_73 = tpu.memref_slice %arg9[%mul3A_71, %dma_start3A_72] : memref<10000x128xf32, #tpu.memory_space<vmem_shared>> -> memref<80x128xf32, #tpu.memory_space<vmem_shared>>
    %dma_start3A_74 = arith.constant 0 : i32
    %dma_start3A_75 = tpu.memref_slice %arg9[%mul3A_71, %dma_start3A_74] : memref<10000x128xf32, #tpu.memory_space<vmem_shared>> -> memref<80x128xf32, #tpu.memory_space<vmem_shared>>
    tpu.enqueue_dma source(%arg10 : memref<80x128xf32, #tpu.memory_space<vmem>>) target(%dma_start3A_75 : memref<80x128xf32, #tpu.memory_space<vmem_shared>>) target_semaphore(%arg11 : memref<!tpu.dma_semaphore, #tpu.memory_space<semaphore_mem>>)
    %add3A_76 = arith.constant 112 : i32
    %add3A_77 = arith.addi %arg1, %add3A_76 : i32
    %rem3A_78 = arith.constant 125 : i32
    %rem3A_79 = arith.remsi %add3A_77, %rem3A_78 : i32
    %mul3A_80 = arith.constant 80 : i32
    %mul3A_81 = arith.muli %rem3A_79, %mul3A_80 : i32
    %dma_start3A_82 = arith.constant 0 : i32
    %dma_start3A_83 = tpu.memref_slice %arg9[%mul3A_81, %dma_start3A_82] : memref<10000x128xf32, #tpu.memory_space<vmem_shared>> -> memref<80x128xf32, #tpu.memory_space<vmem_shared>>
    %dma_start3A_84 = arith.constant 0 : i32
    %dma_start3A_85 = tpu.memref_slice %arg9[%mul3A_81, %dma_start3A_84] : memref<10000x128xf32, #tpu.memory_space<vmem_shared>> -> memref<80x128xf32, #tpu.memory_space<vmem_shared>>
    tpu.enqueue_dma source(%arg10 : memref<80x128xf32, #tpu.memory_space<vmem>>) target(%dma_start3A_85 : memref<80x128xf32, #tpu.memory_space<vmem_shared>>) target_semaphore(%arg11 : memref<!tpu.dma_semaphore, #tpu.memory_space<semaphore_mem>>)
    %dma_wait3A = arith.constant 0 : i32
    %dma_wait3A_86 = tpu.memref_slice %arg9[%mul3A_12, %dma_wait3A] : memref<10000x128xf32, #tpu.memory_space<vmem_shared>> -> memref<80x128xf32, #tpu.memory_space<vmem_shared>>
    %dma_wait3A_87 = arith.constant 0 : i32
    %dma_wait3A_88 = tpu.memref_slice %arg9[%mul3A_12, %dma_wait3A_87] : memref<10000x128xf32, #tpu.memory_space<vmem_shared>> -> memref<80x128xf32, #tpu.memory_space<vmem_shared>>
    tpu.wait_dma2 semaphore(%arg11 : memref<!tpu.dma_semaphore, #tpu.memory_space<semaphore_mem>>) src(%arg10 : memref<80x128xf32, #tpu.memory_space<vmem>>) dst(%dma_wait3A_88 : memref<80x128xf32, #tpu.memory_space<vmem_shared>>)
    %dma_wait3A_89 = arith.constant 0 : i32
    %dma_wait3A_90 = tpu.memref_slice %arg9[%mul3A_21, %dma_wait3A_89] : memref<10000x128xf32, #tpu.memory_space<vmem_shared>> -> memref<80x128xf32, #tpu.memory_space<vmem_shared>>
    %dma_wait3A_91 = arith.constant 0 : i32
    %dma_wait3A_92 = tpu.memref_slice %arg9[%mul3A_21, %dma_wait3A_91] : memref<10000x128xf32, #tpu.memory_space<vmem_shared>> -> memref<80x128xf32, #tpu.memory_space<vmem_shared>>
    tpu.wait_dma2 semaphore(%arg11 : memref<!tpu.dma_semaphore, #tpu.memory_space<semaphore_mem>>) src(%arg10 : memref<80x128xf32, #tpu.memory_space<vmem>>) dst(%dma_wait3A_92 : memref<80x128xf32, #tpu.memory_space<vmem_shared>>)
    %dma_wait3A_93 = arith.constant 0 : i32
    %dma_wait3A_94 = tpu.memref_slice %arg9[%mul3A_31, %dma_wait3A_93] : memref<10000x128xf32, #tpu.memory_space<vmem_shared>> -> memref<80x128xf32, #tpu.memory_space<vmem_shared>>
    %dma_wait3A_95 = arith.constant 0 : i32
    %dma_wait3A_96 = tpu.memref_slice %arg9[%mul3A_31, %dma_wait3A_95] : memref<10000x128xf32, #tpu.memory_space<vmem_shared>> -> memref<80x128xf32, #tpu.memory_space<vmem_shared>>
    tpu.wait_dma2 semaphore(%arg11 : memref<!tpu.dma_semaphore, #tpu.memory_space<semaphore_mem>>) src(%arg10 : memref<80x128xf32, #tpu.memory_space<vmem>>) dst(%dma_wait3A_96 : memref<80x128xf32, #tpu.memory_space<vmem_shared>>)
    %dma_wait3A_97 = arith.constant 0 : i32
    %dma_wait3A_98 = tpu.memref_slice %arg9[%mul3A_41, %dma_wait3A_97] : memref<10000x128xf32, #tpu.memory_space<vmem_shared>> -> memref<80x128xf32, #tpu.memory_space<vmem_shared>>
    %dma_wait3A_99 = arith.constant 0 : i32
    %dma_wait3A_100 = tpu.memref_slice %arg9[%mul3A_41, %dma_wait3A_99] : memref<10000x128xf32, #tpu.memory_space<vmem_shared>> -> memref<80x128xf32, #tpu.memory_space<vmem_shared>>
    tpu.wait_dma2 semaphore(%arg11 : memref<!tpu.dma_semaphore, #tpu.memory_space<semaphore_mem>>) src(%arg10 : memref<80x128xf32, #tpu.memory_space<vmem>>) dst(%dma_wait3A_100 : memref<80x128xf32, #tpu.memory_space<vmem_shared>>)
    %dma_wait3A_101 = arith.constant 0 : i32
    %dma_wait3A_102 = tpu.memref_slice %arg9[%mul3A_51, %dma_wait3A_101] : memref<10000x128xf32, #tpu.memory_space<vmem_shared>> -> memref<80x128xf32, #tpu.memory_space<vmem_shared>>
    %dma_wait3A_103 = arith.constant 0 : i32
    %dma_wait3A_104 = tpu.memref_slice %arg9[%mul3A_51, %dma_wait3A_103] : memref<10000x128xf32, #tpu.memory_space<vmem_shared>> -> memref<80x128xf32, #tpu.memory_space<vmem_shared>>
    tpu.wait_dma2 semaphore(%arg11 : memref<!tpu.dma_semaphore, #tpu.memory_space<semaphore_mem>>) src(%arg10 : memref<80x128xf32, #tpu.memory_space<vmem>>) dst(%dma_wait3A_104 : memref<80x128xf32, #tpu.memory_space<vmem_shared>>)
    %dma_wait3A_105 = arith.constant 0 : i32
    %dma_wait3A_106 = tpu.memref_slice %arg9[%mul3A_61, %dma_wait3A_105] : memref<10000x128xf32, #tpu.memory_space<vmem_shared>> -> memref<80x128xf32, #tpu.memory_space<vmem_shared>>
    %dma_wait3A_107 = arith.constant 0 : i32
    %dma_wait3A_108 = tpu.memref_slice %arg9[%mul3A_61, %dma_wait3A_107] : memref<10000x128xf32, #tpu.memory_space<vmem_shared>> -> memref<80x128xf32, #tpu.memory_space<vmem_shared>>
    tpu.wait_dma2 semaphore(%arg11 : memref<!tpu.dma_semaphore, #tpu.memory_space<semaphore_mem>>) src(%arg10 : memref<80x128xf32, #tpu.memory_space<vmem>>) dst(%dma_wait3A_108 : memref<80x128xf32, #tpu.memory_space<vmem_shared>>)
    %dma_wait3A_109 = arith.constant 0 : i32
    %dma_wait3A_110 = tpu.memref_slice %arg9[%mul3A_71, %dma_wait3A_109] : memref<10000x128xf32, #tpu.memory_space<vmem_shared>> -> memref<80x128xf32, #tpu.memory_space<vmem_shared>>
    %dma_wait3A_111 = arith.constant 0 : i32
    %dma_wait3A_112 = tpu.memref_slice %arg9[%mul3A_71, %dma_wait3A_111] : memref<10000x128xf32, #tpu.memory_space<vmem_shared>> -> memref<80x128xf32, #tpu.memory_space<vmem_shared>>
    tpu.wait_dma2 semaphore(%arg11 : memref<!tpu.dma_semaphore, #tpu.memory_space<semaphore_mem>>) src(%arg10 : memref<80x128xf32, #tpu.memory_space<vmem>>) dst(%dma_wait3A_112 : memref<80x128xf32, #tpu.memory_space<vmem_shared>>)
    %dma_wait3A_113 = arith.constant 0 : i32
    %dma_wait3A_114 = tpu.memref_slice %arg9[%mul3A_81, %dma_wait3A_113] : memref<10000x128xf32, #tpu.memory_space<vmem_shared>> -> memref<80x128xf32, #tpu.memory_space<vmem_shared>>
    %dma_wait3A_115 = arith.constant 0 : i32
    %dma_wait3A_116 = tpu.memref_slice %arg9[%mul3A_81, %dma_wait3A_115] : memref<10000x128xf32, #tpu.memory_space<vmem_shared>> -> memref<80x128xf32, #tpu.memory_space<vmem_shared>>
    tpu.wait_dma2 semaphore(%arg11 : memref<!tpu.dma_semaphore, #tpu.memory_space<semaphore_mem>>) src(%arg10 : memref<80x128xf32, #tpu.memory_space<vmem>>) dst(%dma_wait3A_116 : memref<80x128xf32, #tpu.memory_space<vmem_shared>>)
    %barrier3A = arith.constant 0 : index
    tpu.barrier barrier_id(%barrier3A)
    %mul3A_117 = arith.constant 80 : i32
    %mul3A_118 = arith.muli %add3A, %mul3A_117 : i32
    %scan3A_119 = arith.constant 0 : i32
    %scan3A_120 = arith.constant 0 : i32
    %scan3A_121 = arith.constant 40 : i32
    %scan3A_122 = arith.addi %scan3A_120, %scan3A_121 : i32
    %scan3A_123 = arith.constant 1 : i32
    %scan3A_124 = scf.for %scan3A_303 = %scan3A_120 to %scan3A_122 step %scan3A_123 iter_args(%scan3A_304 = %scan3A_119) -> (i32)  : i32 {
      %mul3A_305 = arith.constant 2 : i32
      %mul3A_306 = arith.muli %mul3A_305, %scan3A_303 : i32
      %add3A_307 = arith.addi %mul3A_118, %mul3A_306 : i32
      %dma_start3A_308 = arith.constant 0 : i32
      %dma_start3A_309 = arith.constant 0 : i32
      %dma_start3A_310 = tpu.memref_slice %arg3[%add3A_307, %dma_start3A_308, %dma_start3A_309] : memref<2560x2x128xi32, #tpu.memory_space<hbm>> -> memref<1x2x128xi32, #tpu.memory_space<hbm>>
      %dma_start3A_311 = tpu.memref_squeeze %dma_start3A_310 : memref<1x2x128xi32, #tpu.memory_space<hbm>> -> memref<2x128xi32, #tpu.memory_space<hbm>>
      %dma_start3A_312 = arith.constant 0 : i32
      %dma_start3A_313 = arith.constant 0 : i32
      %dma_start3A_314 = tpu.memref_slice %arg3[%add3A_307, %dma_start3A_312, %dma_start3A_313] : memref<2560x2x128xi32, #tpu.memory_space<hbm>> -> memref<1x2x128xi32, #tpu.memory_space<hbm>>
      %dma_start3A_315 = tpu.memref_squeeze %dma_start3A_314 : memref<1x2x128xi32, #tpu.memory_space<hbm>> -> memref<2x128xi32, #tpu.memory_space<hbm>>
      tpu.enqueue_dma source(%dma_start3A_315 : memref<2x128xi32, #tpu.memory_space<hbm>>) target(%arg5 : memref<2x128xi32, #tpu.memory_space<vmem>>) target_semaphore(%arg11 : memref<!tpu.dma_semaphore, #tpu.memory_space<semaphore_mem>>)
      %add3A_316 = arith.constant 1 : i32
      %add3A_317 = arith.addi %add3A_307, %add3A_316 : i32
      %dma_start3A_318 = arith.constant 0 : i32
      %dma_start3A_319 = arith.constant 0 : i32
      %dma_start3A_320 = tpu.memref_slice %arg3[%add3A_317, %dma_start3A_318, %dma_start3A_319] : memref<2560x2x128xi32, #tpu.memory_space<hbm>> -> memref<1x2x128xi32, #tpu.memory_space<hbm>>
      %dma_start3A_321 = tpu.memref_squeeze %dma_start3A_320 : memref<1x2x128xi32, #tpu.memory_space<hbm>> -> memref<2x128xi32, #tpu.memory_space<hbm>>
      %dma_start3A_322 = arith.constant 0 : i32
      %dma_start3A_323 = arith.constant 0 : i32
      %dma_start3A_324 = tpu.memref_slice %arg3[%add3A_317, %dma_start3A_322, %dma_start3A_323] : memref<2560x2x128xi32, #tpu.memory_space<hbm>> -> memref<1x2x128xi32, #tpu.memory_space<hbm>>
      %dma_start3A_325 = tpu.memref_squeeze %dma_start3A_324 : memref<1x2x128xi32, #tpu.memory_space<hbm>> -> memref<2x128xi32, #tpu.memory_space<hbm>>
      tpu.enqueue_dma source(%dma_start3A_325 : memref<2x128xi32, #tpu.memory_space<hbm>>) target(%arg6 : memref<2x128xi32, #tpu.memory_space<vmem>>) target_semaphore(%arg12 : memref<!tpu.dma_semaphore, #tpu.memory_space<semaphore_mem>>)
      %dma_wait3A_326 = arith.constant 0 : i32
      %dma_wait3A_327 = arith.constant 0 : i32
      %dma_wait3A_328 = tpu.memref_slice %arg3[%add3A_307, %dma_wait3A_326, %dma_wait3A_327] : memref<2560x2x128xi32, #tpu.memory_space<hbm>> -> memref<1x2x128xi32, #tpu.memory_space<hbm>>
      %dma_wait3A_329 = tpu.memref_squeeze %dma_wait3A_328 : memref<1x2x128xi32, #tpu.memory_space<hbm>> -> memref<2x128xi32, #tpu.memory_space<hbm>>
      %dma_wait3A_330 = arith.constant 0 : i32
      %dma_wait3A_331 = arith.constant 0 : i32
      %dma_wait3A_332 = tpu.memref_slice %arg3[%add3A_307, %dma_wait3A_330, %dma_wait3A_331] : memref<2560x2x128xi32, #tpu.memory_space<hbm>> -> memref<1x2x128xi32, #tpu.memory_space<hbm>>
      %dma_wait3A_333 = tpu.memref_squeeze %dma_wait3A_332 : memref<1x2x128xi32, #tpu.memory_space<hbm>> -> memref<2x128xi32, #tpu.memory_space<hbm>>
      tpu.wait_dma2 semaphore(%arg11 : memref<!tpu.dma_semaphore, #tpu.memory_space<semaphore_mem>>) src(%dma_wait3A_333 : memref<2x128xi32, #tpu.memory_space<hbm>>) dst(%arg5 : memref<2x128xi32, #tpu.memory_space<vmem>>)
      %dma_start3A_334 = arith.constant 0 : i32
      %dma_start3A_335 = arith.constant 0 : i32
      %dma_start3A_336 = tpu.memref_slice %arg5[%dma_start3A_334, %dma_start3A_335] : memref<2x128xi32, #tpu.memory_space<vmem>> -> memref<1x128xi32, #tpu.memory_space<vmem>>
      %dma_start3A_337 = tpu.memref_squeeze %dma_start3A_336 : memref<1x128xi32, #tpu.memory_space<vmem>> -> memref<128xi32, #tpu.memory_space<vmem>>
      %dma_start3A_338 = arith.constant 0 : i32
      %dma_start3A_339 = arith.constant 0 : i32
      %dma_start3A_340 = tpu.memref_slice %arg2[%dma_start3A_338, %dma_start3A_339] : memref<10008x128xf32, #tpu.memory_space<hbm>> -> memref<10008x128xf32, #tpu.memory_space<hbm>>
      tpu.enqueue_indirect_dma source(%dma_start3A_340 : memref<10008x128xf32, #tpu.memory_space<hbm>>) target(%arg7 : memref<128x128xf32, #tpu.memory_space<vmem>>) offsets(%dma_start3A_337 : memref<128xi32, #tpu.memory_space<vmem>>) semaphore(%arg11 : memref<!tpu.dma_semaphore, #tpu.memory_space<semaphore_mem>>)
      %dma_wait3A_341 = arith.constant 0 : i32
      %dma_wait3A_342 = arith.constant 0 : i32
      %dma_wait3A_343 = tpu.memref_slice %arg3[%add3A_317, %dma_wait3A_341, %dma_wait3A_342] : memref<2560x2x128xi32, #tpu.memory_space<hbm>> -> memref<1x2x128xi32, #tpu.memory_space<hbm>>
      %dma_wait3A_344 = tpu.memref_squeeze %dma_wait3A_343 : memref<1x2x128xi32, #tpu.memory_space<hbm>> -> memref<2x128xi32, #tpu.memory_space<hbm>>
      %dma_wait3A_345 = arith.constant 0 : i32
      %dma_wait3A_346 = arith.constant 0 : i32
      %dma_wait3A_347 = tpu.memref_slice %arg3[%add3A_317, %dma_wait3A_345, %dma_wait3A_346] : memref<2560x2x128xi32, #tpu.memory_space<hbm>> -> memref<1x2x128xi32, #tpu.memory_space<hbm>>
      %dma_wait3A_348 = tpu.memref_squeeze %dma_wait3A_347 : memref<1x2x128xi32, #tpu.memory_space<hbm>> -> memref<2x128xi32, #tpu.memory_space<hbm>>
      tpu.wait_dma2 semaphore(%arg12 : memref<!tpu.dma_semaphore, #tpu.memory_space<semaphore_mem>>) src(%dma_wait3A_348 : memref<2x128xi32, #tpu.memory_space<hbm>>) dst(%arg6 : memref<2x128xi32, #tpu.memory_space<vmem>>)
      %dma_start3A_349 = arith.constant 0 : i32
      %dma_start3A_350 = arith.constant 0 : i32
      %dma_start3A_351 = tpu.memref_slice %arg6[%dma_start3A_349, %dma_start3A_350] : memref<2x128xi32, #tpu.memory_space<vmem>> -> memref<1x128xi32, #tpu.memory_space<vmem>>
      %dma_start3A_352 = tpu.memref_squeeze %dma_start3A_351 : memref<1x128xi32, #tpu.memory_space<vmem>> -> memref<128xi32, #tpu.memory_space<vmem>>
      %dma_start3A_353 = arith.constant 0 : i32
      %dma_start3A_354 = arith.constant 0 : i32
      %dma_start3A_355 = tpu.memref_slice %arg2[%dma_start3A_353, %dma_start3A_354] : memref<10008x128xf32, #tpu.memory_space<hbm>> -> memref<10008x128xf32, #tpu.memory_space<hbm>>
      tpu.enqueue_indirect_dma source(%dma_start3A_355 : memref<10008x128xf32, #tpu.memory_space<hbm>>) target(%arg8 : memref<128x128xf32, #tpu.memory_space<vmem>>) offsets(%dma_start3A_352 : memref<128xi32, #tpu.memory_space<vmem>>) semaphore(%arg12 : memref<!tpu.dma_semaphore, #tpu.memory_space<semaphore_mem>>)
      %dma_wait3A_356 = arith.constant 0 : i32
      %dma_wait3A_357 = arith.constant 0 : i32
      %dma_wait3A_358 = tpu.memref_slice %arg5[%dma_wait3A_356, %dma_wait3A_357] : memref<2x128xi32, #tpu.memory_space<vmem>> -> memref<1x128xi32, #tpu.memory_space<vmem>>
      %dma_wait3A_359 = tpu.memref_squeeze %dma_wait3A_358 : memref<1x128xi32, #tpu.memory_space<vmem>> -> memref<128xi32, #tpu.memory_space<vmem>>
      %dma_wait3A_360 = arith.constant 0 : i32
      %dma_wait3A_361 = arith.constant 0 : i32
      %dma_wait3A_362 = tpu.memref_slice %arg2[%dma_wait3A_360, %dma_wait3A_361] : memref<10008x128xf32, #tpu.memory_space<hbm>> -> memref<10008x128xf32, #tpu.memory_space<hbm>>
      tpu.wait_indirect_dma semaphore(%arg11 : memref<!tpu.dma_semaphore, #tpu.memory_space<semaphore_mem>>) src(%dma_wait3A_362 : memref<10008x128xf32, #tpu.memory_space<hbm>>) dst(%arg7 : memref<128x128xf32, #tpu.memory_space<vmem>>)
      %dma_start3A_363 = arith.constant 1 : i32
      %dma_start3A_364 = arith.constant 0 : i32
      %dma_start3A_365 = tpu.memref_slice %arg5[%dma_start3A_363, %dma_start3A_364] : memref<2x128xi32, #tpu.memory_space<vmem>> -> memref<1x128xi32, #tpu.memory_space<vmem>>
      %dma_start3A_366 = tpu.memref_squeeze %dma_start3A_365 : memref<1x128xi32, #tpu.memory_space<vmem>> -> memref<128xi32, #tpu.memory_space<vmem>>
      %dma_start3A_367 = arith.constant 0 : i32
      %dma_start3A_368 = arith.constant 0 : i32
      %dma_start3A_369 = tpu.memref_slice %arg9[%dma_start3A_367, %dma_start3A_368] : memref<10000x128xf32, #tpu.memory_space<vmem_shared>> -> memref<10000x128xf32, #tpu.memory_space<vmem_shared>>
      tpu.enqueue_indirect_dma source(%arg7 : memref<128x128xf32, #tpu.memory_space<vmem>>) target(%dma_start3A_369 : memref<10000x128xf32, #tpu.memory_space<vmem_shared>>) offsets(%dma_start3A_366 : memref<128xi32, #tpu.memory_space<vmem>>) semaphore(%arg11 : memref<!tpu.dma_semaphore, #tpu.memory_space<semaphore_mem>>) {add = true}
      %dma_wait3A_370 = arith.constant 0 : i32
      %dma_wait3A_371 = arith.constant 0 : i32
      %dma_wait3A_372 = tpu.memref_slice %arg6[%dma_wait3A_370, %dma_wait3A_371] : memref<2x128xi32, #tpu.memory_space<vmem>> -> memref<1x128xi32, #tpu.memory_space<vmem>>
      %dma_wait3A_373 = tpu.memref_squeeze %dma_wait3A_372 : memref<1x128xi32, #tpu.memory_space<vmem>> -> memref<128xi32, #tpu.memory_space<vmem>>
      %dma_wait3A_374 = arith.constant 0 : i32
      %dma_wait3A_375 = arith.constant 0 : i32
      %dma_wait3A_376 = tpu.memref_slice %arg2[%dma_wait3A_374, %dma_wait3A_375] : memref<10008x128xf32, #tpu.memory_space<hbm>> -> memref<10008x128xf32, #tpu.memory_space<hbm>>
      tpu.wait_indirect_dma semaphore(%arg12 : memref<!tpu.dma_semaphore, #tpu.memory_space<semaphore_mem>>) src(%dma_wait3A_376 : memref<10008x128xf32, #tpu.memory_space<hbm>>) dst(%arg8 : memref<128x128xf32, #tpu.memory_space<vmem>>)
      %dma_start3A_377 = arith.constant 1 : i32
      %dma_start3A_378 = arith.constant 0 : i32
      %dma_start3A_379 = tpu.memref_slice %arg6[%dma_start3A_377, %dma_start3A_378] : memref<2x128xi32, #tpu.memory_space<vmem>> -> memref<1x128xi32, #tpu.memory_space<vmem>>
      %dma_start3A_380 = tpu.memref_squeeze %dma_start3A_379 : memref<1x128xi32, #tpu.memory_space<vmem>> -> memref<128xi32, #tpu.memory_space<vmem>>
      %dma_start3A_381 = arith.constant 0 : i32
      %dma_start3A_382 = arith.constant 0 : i32
      %dma_start3A_383 = tpu.memref_slice %arg9[%dma_start3A_381, %dma_start3A_382] : memref<10000x128xf32, #tpu.memory_space<vmem_shared>> -> memref<10000x128xf32, #tpu.memory_space<vmem_shared>>
      tpu.enqueue_indirect_dma source(%arg8 : memref<128x128xf32, #tpu.memory_space<vmem>>) target(%dma_start3A_383 : memref<10000x128xf32, #tpu.memory_space<vmem_shared>>) offsets(%dma_start3A_380 : memref<128xi32, #tpu.memory_space<vmem>>) semaphore(%arg12 : memref<!tpu.dma_semaphore, #tpu.memory_space<semaphore_mem>>) {add = true}
      %dma_wait3A_384 = arith.constant 1 : i32
      %dma_wait3A_385 = arith.constant 0 : i32
      %dma_wait3A_386 = tpu.memref_slice %arg5[%dma_wait3A_384, %dma_wait3A_385] : memref<2x128xi32, #tpu.memory_space<vmem>> -> memref<1x128xi32, #tpu.memory_space<vmem>>
      %dma_wait3A_387 = tpu.memref_squeeze %dma_wait3A_386 : memref<1x128xi32, #tpu.memory_space<vmem>> -> memref<128xi32, #tpu.memory_space<vmem>>
      %dma_wait3A_388 = arith.constant 0 : i32
      %dma_wait3A_389 = arith.constant 0 : i32
      %dma_wait3A_390 = tpu.memref_slice %arg9[%dma_wait3A_388, %dma_wait3A_389] : memref<10000x128xf32, #tpu.memory_space<vmem_shared>> -> memref<10000x128xf32, #tpu.memory_space<vmem_shared>>
      tpu.wait_indirect_dma semaphore(%arg11 : memref<!tpu.dma_semaphore, #tpu.memory_space<semaphore_mem>>) src(%arg7 : memref<128x128xf32, #tpu.memory_space<vmem>>) dst(%dma_wait3A_390 : memref<10000x128xf32, #tpu.memory_space<vmem_shared>>)
      %dma_wait3A_391 = arith.constant 1 : i32
      %dma_wait3A_392 = arith.constant 0 : i32
      %dma_wait3A_393 = tpu.memref_slice %arg6[%dma_wait3A_391, %dma_wait3A_392] : memref<2x128xi32, #tpu.memory_space<vmem>> -> memref<1x128xi32, #tpu.memory_space<vmem>>
      %dma_wait3A_394 = tpu.memref_squeeze %dma_wait3A_393 : memref<1x128xi32, #tpu.memory_space<vmem>> -> memref<128xi32, #tpu.memory_space<vmem>>
      %dma_wait3A_395 = arith.constant 0 : i32
      %dma_wait3A_396 = arith.constant 0 : i32
      %dma_wait3A_397 = tpu.memref_slice %arg9[%dma_wait3A_395, %dma_wait3A_396] : memref<10000x128xf32, #tpu.memory_space<vmem_shared>> -> memref<10000x128xf32, #tpu.memory_space<vmem_shared>>
      tpu.wait_indirect_dma semaphore(%arg12 : memref<!tpu.dma_semaphore, #tpu.memory_space<semaphore_mem>>) src(%arg8 : memref<128x128xf32, #tpu.memory_space<vmem>>) dst(%dma_wait3A_397 : memref<10000x128xf32, #tpu.memory_space<vmem_shared>>)
      %scan3A_398 = arith.constant 0 : i32
      scf.yield %scan3A_398 : i32
    }
    %scan3A_125 = arith.constant 40 : i32
    %barrier3A_126 = arith.constant 0 : index
    tpu.barrier barrier_id(%barrier3A_126)
    %add3A_127 = arith.constant 0 : i32
    %add3A_128 = arith.addi %arg1, %add3A_127 : i32
    %rem3A_129 = arith.constant 125 : i32
    %rem3A_130 = arith.remsi %add3A_128, %rem3A_129 : i32
    %mul3A_131 = arith.constant 80 : i32
    %mul3A_132 = arith.muli %rem3A_130, %mul3A_131 : i32
    %dma_start3A_133 = arith.constant 0 : i32
    %dma_start3A_134 = arith.constant 0 : i32
    %dma_start3A_135 = tpu.memref_slice %arg4[%arg0, %dma_start3A_133, %dma_start3A_134] : memref<2x10000x128xf32, #tpu.memory_space<hbm>> -> memref<1x10000x128xf32, #tpu.memory_space<hbm>>
    %dma_start3A_136 = tpu.memref_squeeze %dma_start3A_135 : memref<1x10000x128xf32, #tpu.memory_space<hbm>> -> memref<10000x128xf32, #tpu.memory_space<hbm>>
    %dma_start3A_137 = arith.constant 0 : i32
    %dma_start3A_138 = tpu.memref_slice %dma_start3A_136[%mul3A_132, %dma_start3A_137] : memref<10000x128xf32, #tpu.memory_space<hbm>> -> memref<80x128xf32, #tpu.memory_space<hbm>>
    %dma_start3A_139 = arith.constant 0 : i32
    %dma_start3A_140 = tpu.memref_slice %arg9[%mul3A_132, %dma_start3A_139] : memref<10000x128xf32, #tpu.memory_space<vmem_shared>> -> memref<80x128xf32, #tpu.memory_space<vmem_shared>>
    tpu.enqueue_dma source(%dma_start3A_140 : memref<80x128xf32, #tpu.memory_space<vmem_shared>>) target(%dma_start3A_138 : memref<80x128xf32, #tpu.memory_space<hbm>>) target_semaphore(%arg12 : memref<!tpu.dma_semaphore, #tpu.memory_space<semaphore_mem>>)
    %add3A_141 = arith.constant 16 : i32
    %add3A_142 = arith.addi %arg1, %add3A_141 : i32
    %rem3A_143 = arith.constant 125 : i32
    %rem3A_144 = arith.remsi %add3A_142, %rem3A_143 : i32
    %mul3A_145 = arith.constant 80 : i32
    %mul3A_146 = arith.muli %rem3A_144, %mul3A_145 : i32
    %dma_start3A_147 = arith.constant 0 : i32
    %dma_start3A_148 = arith.constant 0 : i32
    %dma_start3A_149 = tpu.memref_slice %arg4[%arg0, %dma_start3A_147, %dma_start3A_148] : memref<2x10000x128xf32, #tpu.memory_space<hbm>> -> memref<1x10000x128xf32, #tpu.memory_space<hbm>>
    %dma_start3A_150 = tpu.memref_squeeze %dma_start3A_149 : memref<1x10000x128xf32, #tpu.memory_space<hbm>> -> memref<10000x128xf32, #tpu.memory_space<hbm>>
    %dma_start3A_151 = arith.constant 0 : i32
    %dma_start3A_152 = tpu.memref_slice %dma_start3A_150[%mul3A_146, %dma_start3A_151] : memref<10000x128xf32, #tpu.memory_space<hbm>> -> memref<80x128xf32, #tpu.memory_space<hbm>>
    %dma_start3A_153 = arith.constant 0 : i32
    %dma_start3A_154 = tpu.memref_slice %arg9[%mul3A_146, %dma_start3A_153] : memref<10000x128xf32, #tpu.memory_space<vmem_shared>> -> memref<80x128xf32, #tpu.memory_space<vmem_shared>>
    tpu.enqueue_dma source(%dma_start3A_154 : memref<80x128xf32, #tpu.memory_space<vmem_shared>>) target(%dma_start3A_152 : memref<80x128xf32, #tpu.memory_space<hbm>>) target_semaphore(%arg12 : memref<!tpu.dma_semaphore, #tpu.memory_space<semaphore_mem>>)
    %add3A_155 = arith.constant 32 : i32
    %add3A_156 = arith.addi %arg1, %add3A_155 : i32
    %rem3A_157 = arith.constant 125 : i32
    %rem3A_158 = arith.remsi %add3A_156, %rem3A_157 : i32
    %mul3A_159 = arith.constant 80 : i32
    %mul3A_160 = arith.muli %rem3A_158, %mul3A_159 : i32
    %dma_start3A_161 = arith.constant 0 : i32
    %dma_start3A_162 = arith.constant 0 : i32
    %dma_start3A_163 = tpu.memref_slice %arg4[%arg0, %dma_start3A_161, %dma_start3A_162] : memref<2x10000x128xf32, #tpu.memory_space<hbm>> -> memref<1x10000x128xf32, #tpu.memory_space<hbm>>
    %dma_start3A_164 = tpu.memref_squeeze %dma_start3A_163 : memref<1x10000x128xf32, #tpu.memory_space<hbm>> -> memref<10000x128xf32, #tpu.memory_space<hbm>>
    %dma_start3A_165 = arith.constant 0 : i32
    %dma_start3A_166 = tpu.memref_slice %dma_start3A_164[%mul3A_160, %dma_start3A_165] : memref<10000x128xf32, #tpu.memory_space<hbm>> -> memref<80x128xf32, #tpu.memory_space<hbm>>
    %dma_start3A_167 = arith.constant 0 : i32
    %dma_start3A_168 = tpu.memref_slice %arg9[%mul3A_160, %dma_start3A_167] : memref<10000x128xf32, #tpu.memory_space<vmem_shared>> -> memref<80x128xf32, #tpu.memory_space<vmem_shared>>
    tpu.enqueue_dma source(%dma_start3A_168 : memref<80x128xf32, #tpu.memory_space<vmem_shared>>) target(%dma_start3A_166 : memref<80x128xf32, #tpu.memory_space<hbm>>) target_semaphore(%arg12 : memref<!tpu.dma_semaphore, #tpu.memory_space<semaphore_mem>>)
    %add3A_169 = arith.constant 48 : i32
    %add3A_170 = arith.addi %arg1, %add3A_169 : i32
    %rem3A_171 = arith.constant 125 : i32
    %rem3A_172 = arith.remsi %add3A_170, %rem3A_171 : i32
    %mul3A_173 = arith.constant 80 : i32
    %mul3A_174 = arith.muli %rem3A_172, %mul3A_173 : i32
    %dma_start3A_175 = arith.constant 0 : i32
    %dma_start3A_176 = arith.constant 0 : i32
    %dma_start3A_177 = tpu.memref_slice %arg4[%arg0, %dma_start3A_175, %dma_start3A_176] : memref<2x10000x128xf32, #tpu.memory_space<hbm>> -> memref<1x10000x128xf32, #tpu.memory_space<hbm>>
    %dma_start3A_178 = tpu.memref_squeeze %dma_start3A_177 : memref<1x10000x128xf32, #tpu.memory_space<hbm>> -> memref<10000x128xf32, #tpu.memory_space<hbm>>
    %dma_start3A_179 = arith.constant 0 : i32
    %dma_start3A_180 = tpu.memref_slice %dma_start3A_178[%mul3A_174, %dma_start3A_179] : memref<10000x128xf32, #tpu.memory_space<hbm>> -> memref<80x128xf32, #tpu.memory_space<hbm>>
    %dma_start3A_181 = arith.constant 0 : i32
    %dma_start3A_182 = tpu.memref_slice %arg9[%mul3A_174, %dma_start3A_181] : memref<10000x128xf32, #tpu.memory_space<vmem_shared>> -> memref<80x128xf32, #tpu.memory_space<vmem_shared>>
    tpu.enqueue_dma source(%dma_start3A_182 : memref<80x128xf32, #tpu.memory_space<vmem_shared>>) target(%dma_start3A_180 : memref<80x128xf32, #tpu.memory_space<hbm>>) target_semaphore(%arg12 : memref<!tpu.dma_semaphore, #tpu.memory_space<semaphore_mem>>)
    %add3A_183 = arith.constant 64 : i32
    %add3A_184 = arith.addi %arg1, %add3A_183 : i32
    %rem3A_185 = arith.constant 125 : i32
    %rem3A_186 = arith.remsi %add3A_184, %rem3A_185 : i32
    %mul3A_187 = arith.constant 80 : i32
    %mul3A_188 = arith.muli %rem3A_186, %mul3A_187 : i32
    %dma_start3A_189 = arith.constant 0 : i32
    %dma_start3A_190 = arith.constant 0 : i32
    %dma_start3A_191 = tpu.memref_slice %arg4[%arg0, %dma_start3A_189, %dma_start3A_190] : memref<2x10000x128xf32, #tpu.memory_space<hbm>> -> memref<1x10000x128xf32, #tpu.memory_space<hbm>>
    %dma_start3A_192 = tpu.memref_squeeze %dma_start3A_191 : memref<1x10000x128xf32, #tpu.memory_space<hbm>> -> memref<10000x128xf32, #tpu.memory_space<hbm>>
    %dma_start3A_193 = arith.constant 0 : i32
    %dma_start3A_194 = tpu.memref_slice %dma_start3A_192[%mul3A_188, %dma_start3A_193] : memref<10000x128xf32, #tpu.memory_space<hbm>> -> memref<80x128xf32, #tpu.memory_space<hbm>>
    %dma_start3A_195 = arith.constant 0 : i32
    %dma_start3A_196 = tpu.memref_slice %arg9[%mul3A_188, %dma_start3A_195] : memref<10000x128xf32, #tpu.memory_space<vmem_shared>> -> memref<80x128xf32, #tpu.memory_space<vmem_shared>>
    tpu.enqueue_dma source(%dma_start3A_196 : memref<80x128xf32, #tpu.memory_space<vmem_shared>>) target(%dma_start3A_194 : memref<80x128xf32, #tpu.memory_space<hbm>>) target_semaphore(%arg12 : memref<!tpu.dma_semaphore, #tpu.memory_space<semaphore_mem>>)
    %add3A_197 = arith.constant 80 : i32
    %add3A_198 = arith.addi %arg1, %add3A_197 : i32
    %rem3A_199 = arith.constant 125 : i32
    %rem3A_200 = arith.remsi %add3A_198, %rem3A_199 : i32
    %mul3A_201 = arith.constant 80 : i32
    %mul3A_202 = arith.muli %rem3A_200, %mul3A_201 : i32
    %dma_start3A_203 = arith.constant 0 : i32
    %dma_start3A_204 = arith.constant 0 : i32
    %dma_start3A_205 = tpu.memref_slice %arg4[%arg0, %dma_start3A_203, %dma_start3A_204] : memref<2x10000x128xf32, #tpu.memory_space<hbm>> -> memref<1x10000x128xf32, #tpu.memory_space<hbm>>
    %dma_start3A_206 = tpu.memref_squeeze %dma_start3A_205 : memref<1x10000x128xf32, #tpu.memory_space<hbm>> -> memref<10000x128xf32, #tpu.memory_space<hbm>>
    %dma_start3A_207 = arith.constant 0 : i32
    %dma_start3A_208 = tpu.memref_slice %dma_start3A_206[%mul3A_202, %dma_start3A_207] : memref<10000x128xf32, #tpu.memory_space<hbm>> -> memref<80x128xf32, #tpu.memory_space<hbm>>
    %dma_start3A_209 = arith.constant 0 : i32
    %dma_start3A_210 = tpu.memref_slice %arg9[%mul3A_202, %dma_start3A_209] : memref<10000x128xf32, #tpu.memory_space<vmem_shared>> -> memref<80x128xf32, #tpu.memory_space<vmem_shared>>
    tpu.enqueue_dma source(%dma_start3A_210 : memref<80x128xf32, #tpu.memory_space<vmem_shared>>) target(%dma_start3A_208 : memref<80x128xf32, #tpu.memory_space<hbm>>) target_semaphore(%arg12 : memref<!tpu.dma_semaphore, #tpu.memory_space<semaphore_mem>>)
    %add3A_211 = arith.constant 96 : i32
    %add3A_212 = arith.addi %arg1, %add3A_211 : i32
    %rem3A_213 = arith.constant 125 : i32
    %rem3A_214 = arith.remsi %add3A_212, %rem3A_213 : i32
    %mul3A_215 = arith.constant 80 : i32
    %mul3A_216 = arith.muli %rem3A_214, %mul3A_215 : i32
    %dma_start3A_217 = arith.constant 0 : i32
    %dma_start3A_218 = arith.constant 0 : i32
    %dma_start3A_219 = tpu.memref_slice %arg4[%arg0, %dma_start3A_217, %dma_start3A_218] : memref<2x10000x128xf32, #tpu.memory_space<hbm>> -> memref<1x10000x128xf32, #tpu.memory_space<hbm>>
    %dma_start3A_220 = tpu.memref_squeeze %dma_start3A_219 : memref<1x10000x128xf32, #tpu.memory_space<hbm>> -> memref<10000x128xf32, #tpu.memory_space<hbm>>
    %dma_start3A_221 = arith.constant 0 : i32
    %dma_start3A_222 = tpu.memref_slice %dma_start3A_220[%mul3A_216, %dma_start3A_221] : memref<10000x128xf32, #tpu.memory_space<hbm>> -> memref<80x128xf32, #tpu.memory_space<hbm>>
    %dma_start3A_223 = arith.constant 0 : i32
    %dma_start3A_224 = tpu.memref_slice %arg9[%mul3A_216, %dma_start3A_223] : memref<10000x128xf32, #tpu.memory_space<vmem_shared>> -> memref<80x128xf32, #tpu.memory_space<vmem_shared>>
    tpu.enqueue_dma source(%dma_start3A_224 : memref<80x128xf32, #tpu.memory_space<vmem_shared>>) target(%dma_start3A_222 : memref<80x128xf32, #tpu.memory_space<hbm>>) target_semaphore(%arg12 : memref<!tpu.dma_semaphore, #tpu.memory_space<semaphore_mem>>)
    %add3A_225 = arith.constant 112 : i32
    %add3A_226 = arith.addi %arg1, %add3A_225 : i32
    %rem3A_227 = arith.constant 125 : i32
    %rem3A_228 = arith.remsi %add3A_226, %rem3A_227 : i32
    %mul3A_229 = arith.constant 80 : i32
    %mul3A_230 = arith.muli %rem3A_228, %mul3A_229 : i32
    %dma_start3A_231 = arith.constant 0 : i32
    %dma_start3A_232 = arith.constant 0 : i32
    %dma_start3A_233 = tpu.memref_slice %arg4[%arg0, %dma_start3A_231, %dma_start3A_232] : memref<2x10000x128xf32, #tpu.memory_space<hbm>> -> memref<1x10000x128xf32, #tpu.memory_space<hbm>>
    %dma_start3A_234 = tpu.memref_squeeze %dma_start3A_233 : memref<1x10000x128xf32, #tpu.memory_space<hbm>> -> memref<10000x128xf32, #tpu.memory_space<hbm>>
    %dma_start3A_235 = arith.constant 0 : i32
    %dma_start3A_236 = tpu.memref_slice %dma_start3A_234[%mul3A_230, %dma_start3A_235] : memref<10000x128xf32, #tpu.memory_space<hbm>> -> memref<80x128xf32, #tpu.memory_space<hbm>>
    %dma_start3A_237 = arith.constant 0 : i32
    %dma_start3A_238 = tpu.memref_slice %arg9[%mul3A_230, %dma_start3A_237] : memref<10000x128xf32, #tpu.memory_space<vmem_shared>> -> memref<80x128xf32, #tpu.memory_space<vmem_shared>>
    tpu.enqueue_dma source(%dma_start3A_238 : memref<80x128xf32, #tpu.memory_space<vmem_shared>>) target(%dma_start3A_236 : memref<80x128xf32, #tpu.memory_space<hbm>>) target_semaphore(%arg12 : memref<!tpu.dma_semaphore, #tpu.memory_space<semaphore_mem>>)
    %dma_wait3A_239 = arith.constant 0 : i32
    %dma_wait3A_240 = arith.constant 0 : i32
    %dma_wait3A_241 = tpu.memref_slice %arg4[%arg0, %dma_wait3A_239, %dma_wait3A_240] : memref<2x10000x128xf32, #tpu.memory_space<hbm>> -> memref<1x10000x128xf32, #tpu.memory_space<hbm>>
    %dma_wait3A_242 = tpu.memref_squeeze %dma_wait3A_241 : memref<1x10000x128xf32, #tpu.memory_space<hbm>> -> memref<10000x128xf32, #tpu.memory_space<hbm>>
    %dma_wait3A_243 = arith.constant 0 : i32
    %dma_wait3A_244 = tpu.memref_slice %dma_wait3A_242[%mul3A_132, %dma_wait3A_243] : memref<10000x128xf32, #tpu.memory_space<hbm>> -> memref<80x128xf32, #tpu.memory_space<hbm>>
    %dma_wait3A_245 = arith.constant 0 : i32
    %dma_wait3A_246 = tpu.memref_slice %arg9[%mul3A_132, %dma_wait3A_245] : memref<10000x128xf32, #tpu.memory_space<vmem_shared>> -> memref<80x128xf32, #tpu.memory_space<vmem_shared>>
    tpu.wait_dma2 semaphore(%arg12 : memref<!tpu.dma_semaphore, #tpu.memory_space<semaphore_mem>>) src(%dma_wait3A_246 : memref<80x128xf32, #tpu.memory_space<vmem_shared>>) dst(%dma_wait3A_244 : memref<80x128xf32, #tpu.memory_space<hbm>>)
    %dma_wait3A_247 = arith.constant 0 : i32
    %dma_wait3A_248 = arith.constant 0 : i32
    %dma_wait3A_249 = tpu.memref_slice %arg4[%arg0, %dma_wait3A_247, %dma_wait3A_248] : memref<2x10000x128xf32, #tpu.memory_space<hbm>> -> memref<1x10000x128xf32, #tpu.memory_space<hbm>>
    %dma_wait3A_250 = tpu.memref_squeeze %dma_wait3A_249 : memref<1x10000x128xf32, #tpu.memory_space<hbm>> -> memref<10000x128xf32, #tpu.memory_space<hbm>>
    %dma_wait3A_251 = arith.constant 0 : i32
    %dma_wait3A_252 = tpu.memref_slice %dma_wait3A_250[%mul3A_146, %dma_wait3A_251] : memref<10000x128xf32, #tpu.memory_space<hbm>> -> memref<80x128xf32, #tpu.memory_space<hbm>>
    %dma_wait3A_253 = arith.constant 0 : i32
    %dma_wait3A_254 = tpu.memref_slice %arg9[%mul3A_146, %dma_wait3A_253] : memref<10000x128xf32, #tpu.memory_space<vmem_shared>> -> memref<80x128xf32, #tpu.memory_space<vmem_shared>>
    tpu.wait_dma2 semaphore(%arg12 : memref<!tpu.dma_semaphore, #tpu.memory_space<semaphore_mem>>) src(%dma_wait3A_254 : memref<80x128xf32, #tpu.memory_space<vmem_shared>>) dst(%dma_wait3A_252 : memref<80x128xf32, #tpu.memory_space<hbm>>)
    %dma_wait3A_255 = arith.constant 0 : i32
    %dma_wait3A_256 = arith.constant 0 : i32
    %dma_wait3A_257 = tpu.memref_slice %arg4[%arg0, %dma_wait3A_255, %dma_wait3A_256] : memref<2x10000x128xf32, #tpu.memory_space<hbm>> -> memref<1x10000x128xf32, #tpu.memory_space<hbm>>
    %dma_wait3A_258 = tpu.memref_squeeze %dma_wait3A_257 : memref<1x10000x128xf32, #tpu.memory_space<hbm>> -> memref<10000x128xf32, #tpu.memory_space<hbm>>
    %dma_wait3A_259 = arith.constant 0 : i32
    %dma_wait3A_260 = tpu.memref_slice %dma_wait3A_258[%mul3A_160, %dma_wait3A_259] : memref<10000x128xf32, #tpu.memory_space<hbm>> -> memref<80x128xf32, #tpu.memory_space<hbm>>
    %dma_wait3A_261 = arith.constant 0 : i32
    %dma_wait3A_262 = tpu.memref_slice %arg9[%mul3A_160, %dma_wait3A_261] : memref<10000x128xf32, #tpu.memory_space<vmem_shared>> -> memref<80x128xf32, #tpu.memory_space<vmem_shared>>
    tpu.wait_dma2 semaphore(%arg12 : memref<!tpu.dma_semaphore, #tpu.memory_space<semaphore_mem>>) src(%dma_wait3A_262 : memref<80x128xf32, #tpu.memory_space<vmem_shared>>) dst(%dma_wait3A_260 : memref<80x128xf32, #tpu.memory_space<hbm>>)
    %dma_wait3A_263 = arith.constant 0 : i32
    %dma_wait3A_264 = arith.constant 0 : i32
    %dma_wait3A_265 = tpu.memref_slice %arg4[%arg0, %dma_wait3A_263, %dma_wait3A_264] : memref<2x10000x128xf32, #tpu.memory_space<hbm>> -> memref<1x10000x128xf32, #tpu.memory_space<hbm>>
    %dma_wait3A_266 = tpu.memref_squeeze %dma_wait3A_265 : memref<1x10000x128xf32, #tpu.memory_space<hbm>> -> memref<10000x128xf32, #tpu.memory_space<hbm>>
    %dma_wait3A_267 = arith.constant 0 : i32
    %dma_wait3A_268 = tpu.memref_slice %dma_wait3A_266[%mul3A_174, %dma_wait3A_267] : memref<10000x128xf32, #tpu.memory_space<hbm>> -> memref<80x128xf32, #tpu.memory_space<hbm>>
    %dma_wait3A_269 = arith.constant 0 : i32
    %dma_wait3A_270 = tpu.memref_slice %arg9[%mul3A_174, %dma_wait3A_269] : memref<10000x128xf32, #tpu.memory_space<vmem_shared>> -> memref<80x128xf32, #tpu.memory_space<vmem_shared>>
    tpu.wait_dma2 semaphore(%arg12 : memref<!tpu.dma_semaphore, #tpu.memory_space<semaphore_mem>>) src(%dma_wait3A_270 : memref<80x128xf32, #tpu.memory_space<vmem_shared>>) dst(%dma_wait3A_268 : memref<80x128xf32, #tpu.memory_space<hbm>>)
    %dma_wait3A_271 = arith.constant 0 : i32
    %dma_wait3A_272 = arith.constant 0 : i32
    %dma_wait3A_273 = tpu.memref_slice %arg4[%arg0, %dma_wait3A_271, %dma_wait3A_272] : memref<2x10000x128xf32, #tpu.memory_space<hbm>> -> memref<1x10000x128xf32, #tpu.memory_space<hbm>>
    %dma_wait3A_274 = tpu.memref_squeeze %dma_wait3A_273 : memref<1x10000x128xf32, #tpu.memory_space<hbm>> -> memref<10000x128xf32, #tpu.memory_space<hbm>>
    %dma_wait3A_275 = arith.constant 0 : i32
    %dma_wait3A_276 = tpu.memref_slice %dma_wait3A_274[%mul3A_188, %dma_wait3A_275] : memref<10000x128xf32, #tpu.memory_space<hbm>> -> memref<80x128xf32, #tpu.memory_space<hbm>>
    %dma_wait3A_277 = arith.constant 0 : i32
    %dma_wait3A_278 = tpu.memref_slice %arg9[%mul3A_188, %dma_wait3A_277] : memref<10000x128xf32, #tpu.memory_space<vmem_shared>> -> memref<80x128xf32, #tpu.memory_space<vmem_shared>>
    tpu.wait_dma2 semaphore(%arg12 : memref<!tpu.dma_semaphore, #tpu.memory_space<semaphore_mem>>) src(%dma_wait3A_278 : memref<80x128xf32, #tpu.memory_space<vmem_shared>>) dst(%dma_wait3A_276 : memref<80x128xf32, #tpu.memory_space<hbm>>)
    %dma_wait3A_279 = arith.constant 0 : i32
    %dma_wait3A_280 = arith.constant 0 : i32
    %dma_wait3A_281 = tpu.memref_slice %arg4[%arg0, %dma_wait3A_279, %dma_wait3A_280] : memref<2x10000x128xf32, #tpu.memory_space<hbm>> -> memref<1x10000x128xf32, #tpu.memory_space<hbm>>
    %dma_wait3A_282 = tpu.memref_squeeze %dma_wait3A_281 : memref<1x10000x128xf32, #tpu.memory_space<hbm>> -> memref<10000x128xf32, #tpu.memory_space<hbm>>
    %dma_wait3A_283 = arith.constant 0 : i32
    %dma_wait3A_284 = tpu.memref_slice %dma_wait3A_282[%mul3A_202, %dma_wait3A_283] : memref<10000x128xf32, #tpu.memory_space<hbm>> -> memref<80x128xf32, #tpu.memory_space<hbm>>
    %dma_wait3A_285 = arith.constant 0 : i32
    %dma_wait3A_286 = tpu.memref_slice %arg9[%mul3A_202, %dma_wait3A_285] : memref<10000x128xf32, #tpu.memory_space<vmem_shared>> -> memref<80x128xf32, #tpu.memory_space<vmem_shared>>
    tpu.wait_dma2 semaphore(%arg12 : memref<!tpu.dma_semaphore, #tpu.memory_space<semaphore_mem>>) src(%dma_wait3A_286 : memref<80x128xf32, #tpu.memory_space<vmem_shared>>) dst(%dma_wait3A_284 : memref<80x128xf32, #tpu.memory_space<hbm>>)
    %dma_wait3A_287 = arith.constant 0 : i32
    %dma_wait3A_288 = arith.constant 0 : i32
    %dma_wait3A_289 = tpu.memref_slice %arg4[%arg0, %dma_wait3A_287, %dma_wait3A_288] : memref<2x10000x128xf32, #tpu.memory_space<hbm>> -> memref<1x10000x128xf32, #tpu.memory_space<hbm>>
    %dma_wait3A_290 = tpu.memref_squeeze %dma_wait3A_289 : memref<1x10000x128xf32, #tpu.memory_space<hbm>> -> memref<10000x128xf32, #tpu.memory_space<hbm>>
    %dma_wait3A_291 = arith.constant 0 : i32
    %dma_wait3A_292 = tpu.memref_slice %dma_wait3A_290[%mul3A_216, %dma_wait3A_291] : memref<10000x128xf32, #tpu.memory_space<hbm>> -> memref<80x128xf32, #tpu.memory_space<hbm>>
    %dma_wait3A_293 = arith.constant 0 : i32
    %dma_wait3A_294 = tpu.memref_slice %arg9[%mul3A_216, %dma_wait3A_293] : memref<10000x128xf32, #tpu.memory_space<vmem_shared>> -> memref<80x128xf32, #tpu.memory_space<vmem_shared>>
    tpu.wait_dma2 semaphore(%arg12 : memref<!tpu.dma_semaphore, #tpu.memory_space<semaphore_mem>>) src(%dma_wait3A_294 : memref<80x128xf32, #tpu.memory_space<vmem_shared>>) dst(%dma_wait3A_292 : memref<80x128xf32, #tpu.memory_space<hbm>>)
    %dma_wait3A_295 = arith.constant 0 : i32
    %dma_wait3A_296 = arith.constant 0 : i32
    %dma_wait3A_297 = tpu.memref_slice %arg4[%arg0, %dma_wait3A_295, %dma_wait3A_296] : memref<2x10000x128xf32, #tpu.memory_space<hbm>> -> memref<1x10000x128xf32, #tpu.memory_space<hbm>>
    %dma_wait3A_298 = tpu.memref_squeeze %dma_wait3A_297 : memref<1x10000x128xf32, #tpu.memory_space<hbm>> -> memref<10000x128xf32, #tpu.memory_space<hbm>>
    %dma_wait3A_299 = arith.constant 0 : i32
    %dma_wait3A_300 = tpu.memref_slice %dma_wait3A_298[%mul3A_230, %dma_wait3A_299] : memref<10000x128xf32, #tpu.memory_space<hbm>> -> memref<80x128xf32, #tpu.memory_space<hbm>>
    %dma_wait3A_301 = arith.constant 0 : i32
    %dma_wait3A_302 = tpu.memref_slice %arg9[%mul3A_230, %dma_wait3A_301] : memref<10000x128xf32, #tpu.memory_space<vmem_shared>> -> memref<80x128xf32, #tpu.memory_space<vmem_shared>>
    tpu.wait_dma2 semaphore(%arg12 : memref<!tpu.dma_semaphore, #tpu.memory_space<semaphore_mem>>) src(%dma_wait3A_302 : memref<80x128xf32, #tpu.memory_space<vmem_shared>>) dst(%dma_wait3A_300 : memref<80x128xf32, #tpu.memory_space<hbm>>)
    return
  }
}

#map = affine_map<(d0, d1) -> (0, 0)>
#map1 = affine_map<(d0, d1) -> (0, 0, 0)>
module attributes {stable_mosaic.version = 14 : i64} {
  func.func @body(%arg0: i32, %arg1: i32, %arg2: memref<10008x128xf32, #tpu.memory_space<hbm>>, %arg3: memref<2560x2x128xi32, #tpu.memory_space<hbm>>, %arg4: memref<2x10000x128xf32, #tpu.memory_space<hbm>>, %arg5: memref<2x128xi32, #tpu.memory_space<vmem>>, %arg6: memref<2x128xi32, #tpu.memory_space<vmem>>, %arg7: memref<128x128xf32, #tpu.memory_space<vmem>>, %arg8: memref<128x128xf32, #tpu.memory_space<vmem>>, %arg9: memref<10000x128xf32, #tpu.memory_space<vmem_shared>>, %arg10: memref<80x128xf32, #tpu.memory_space<vmem>>, %arg11: memref<!tpu.dma_semaphore, #tpu.memory_space<semaphore_mem>>, %arg12: memref<!tpu.dma_semaphore, #tpu.memory_space<semaphore_mem>>) attributes {dimension_semantics = [#tpu.dimension_semantics<core_parallel>, #tpu.dimension_semantics<subcore_parallel>], iteration_bounds = array<i64: 2, 16>, scalar_prefetch = 0 : i64, scratch_operands = 8 : i64, tpu.core_type = #tpu.core_type<sc_vector_subcore>, window_params = [{transform_indices = #map}, {transform_indices = #map1}, {transform_indices = #map1}]} {
    %mul3A = arith.constant 16 : i32
    %mul3A_0 = arith.muli %arg0, %mul3A : i32
    %add3A = arith.addi %mul3A_0, %arg1 : i32
    %broadcast_in_dim3A = arith.constant 0.000000e+00 : f32
    %broadcast_in_dim3A_1 = vector.broadcast %broadcast_in_dim3A : f32 to vector<16xf32>
    %scan3A = arith.constant 0 : i32
    %scan3A_2 = arith.constant 0 : i32
    %scan3A_3 = arith.constant 80 : i32
    %scan3A_4 = arith.addi %scan3A_2, %scan3A_3 : i32
    %scan3A_5 = arith.constant 1 : i32
    %scan3A_6 = scf.for %scan3A_303 = %scan3A_2 to %scan3A_4 step %scan3A_5 iter_args(%scan3A_304 = %scan3A) -> (i32)  : i32 {
      %swap3A = arith.index_cast %scan3A_303 : i32 to index
      %swap3A_305 = arith.constant 0 : index
      %swap3A_306 = tpu.vector_load %arg10[%swap3A, %swap3A_305] {strides = array<i32>} : memref<80x128xf32, #tpu.memory_space<vmem>>, vector<1x16xf32>,
      %swap3A_307 = vector.shape_cast %swap3A_306 : vector<1x16xf32> to vector<16xf32>
      %swap3A_308 = vector.shape_cast %broadcast_in_dim3A_1 : vector<16xf32> to vector<1x16xf32>
      tpu.vector_store %arg10[%swap3A, %swap3A_305], %swap3A_308 {strides = array<i32>} : memref<80x128xf32, #tpu.memory_space<vmem>>, vector<1x16xf32>,
      %swap3A_309 = arith.index_cast %scan3A_303 : i32 to index
      %swap3A_310 = arith.constant 16 : index
      %swap3A_311 = tpu.vector_load %arg10[%swap3A_309, %swap3A_310] {strides = array<i32>} : memref<80x128xf32, #tpu.memory_space<vmem>>, vector<1x16xf32>,
      %swap3A_312 = vector.shape_cast %swap3A_311 : vector<1x16xf32> to vector<16xf32>
      %swap3A_313 = vector.shape_cast %broadcast_in_dim3A_1 : vector<16xf32> to vector<1x16xf32>
      tpu.vector_store %arg10[%swap3A_309, %swap3A_310], %swap3A_313 {strides = array<i32>} : memref<80x128xf32, #tpu.memory_space<vmem>>, vector<1x16xf32>,
      %swap3A_314 = arith.index_cast %scan3A_303 : i32 to index
      %swap3A_315 = arith.constant 32 : index
      %swap3A_316 = tpu.vector_load %arg10[%swap3A_314, %swap3A_315] {strides = array<i32>} : memref<80x128xf32, #tpu.memory_space<vmem>>, vector<1x16xf32>,
      %swap3A_317 = vector.shape_cast %swap3A_316 : vector<1x16xf32> to vector<16xf32>
      %swap3A_318 = vector.shape_cast %broadcast_in_dim3A_1 : vector<16xf32> to vector<1x16xf32>
      tpu.vector_store %arg10[%swap3A_314, %swap3A_315], %swap3A_318 {strides = array<i32>} : memref<80x128xf32, #tpu.memory_space<vmem>>, vector<1x16xf32>,
      %swap3A_319 = arith.index_cast %scan3A_303 : i32 to index
      %swap3A_320 = arith.constant 48 : index
      %swap3A_321 = tpu.vector_load %arg10[%swap3A_319, %swap3A_320] {strides = array<i32>} : memref<80x128xf32, #tpu.memory_space<vmem>>, vector<1x16xf32>,
      %swap3A_322 = vector.shape_cast %swap3A_321 : vector<1x16xf32> to vector<16xf32>
      %swap3A_323 = vector.shape_cast %broadcast_in_dim3A_1 : vector<16xf32> to vector<1x16xf32>
      tpu.vector_store %arg10[%swap3A_319, %swap3A_320], %swap3A_323 {strides = array<i32>} : memref<80x128xf32, #tpu.memory_space<vmem>>, vector<1x16xf32>,
      %swap3A_324 = arith.index_cast %scan3A_303 : i32 to index
      %swap3A_325 = arith.constant 64 : index
      %swap3A_326 = tpu.vector_load %arg10[%swap3A_324, %swap3A_325] {strides = array<i32>} : memref<80x128xf32, #tpu.memory_space<vmem>>, vector<1x16xf32>,
      %swap3A_327 = vector.shape_cast %swap3A_326 : vector<1x16xf32> to vector<16xf32>
      %swap3A_328 = vector.shape_cast %broadcast_in_dim3A_1 : vector<16xf32> to vector<1x16xf32>
      tpu.vector_store %arg10[%swap3A_324, %swap3A_325], %swap3A_328 {strides = array<i32>} : memref<80x128xf32, #tpu.memory_space<vmem>>, vector<1x16xf32>,
      %swap3A_329 = arith.index_cast %scan3A_303 : i32 to index
      %swap3A_330 = arith.constant 80 : index
      %swap3A_331 = tpu.vector_load %arg10[%swap3A_329, %swap3A_330] {strides = array<i32>} : memref<80x128xf32, #tpu.memory_space<vmem>>, vector<1x16xf32>,
      %swap3A_332 = vector.shape_cast %swap3A_331 : vector<1x16xf32> to vector<16xf32>
      %swap3A_333 = vector.shape_cast %broadcast_in_dim3A_1 : vector<16xf32> to vector<1x16xf32>
      tpu.vector_store %arg10[%swap3A_329, %swap3A_330], %swap3A_333 {strides = array<i32>} : memref<80x128xf32, #tpu.memory_space<vmem>>, vector<1x16xf32>,
      %swap3A_334 = arith.index_cast %scan3A_303 : i32 to index
      %swap3A_335 = arith.constant 96 : index
      %swap3A_336 = tpu.vector_load %arg10[%swap3A_334, %swap3A_335] {strides = array<i32>} : memref<80x128xf32, #tpu.memory_space<vmem>>, vector<1x16xf32>,
      %swap3A_337 = vector.shape_cast %swap3A_336 : vector<1x16xf32> to vector<16xf32>
      %swap3A_338 = vector.shape_cast %broadcast_in_dim3A_1 : vector<16xf32> to vector<1x16xf32>
      tpu.vector_store %arg10[%swap3A_334, %swap3A_335], %swap3A_338 {strides = array<i32>} : memref<80x128xf32, #tpu.memory_space<vmem>>, vector<1x16xf32>,
      %swap3A_339 = arith.index_cast %scan3A_303 : i32 to index
      %swap3A_340 = arith.constant 112 : index
      %swap3A_341 = tpu.vector_load %arg10[%swap3A_339, %swap3A_340] {strides = array<i32>} : memref<80x128xf32, #tpu.memory_space<vmem>>, vector<1x16xf32>,
      %swap3A_342 = vector.shape_cast %swap3A_341 : vector<1x16xf32> to vector<16xf32>
      %swap3A_343 = vector.shape_cast %broadcast_in_dim3A_1 : vector<16xf32> to vector<1x16xf32>
      tpu.vector_store %arg10[%swap3A_339, %swap3A_340], %swap3A_343 {strides = array<i32>} : memref<80x128xf32, #tpu.memory_space<vmem>>, vector<1x16xf32>,
      %scan3A_344 = arith.constant 0 : i32
      scf.yield %scan3A_344 : i32
    }
    %scan3A_7 = arith.constant 80 : i32
    %add3A_8 = arith.constant 0 : i32
    %add3A_9 = arith.addi %arg1, %add3A_8 : i32
    %rem3A = arith.constant 125 : i32
    %rem3A_10 = arith.remsi %add3A_9, %rem3A : i32
    %mul3A_11 = arith.constant 80 : i32
    %mul3A_12 = arith.muli %rem3A_10, %mul3A_11 : i32
    %dma_start3A = arith.constant 0 : i32
    %dma_start3A_13 = tpu.memref_slice %arg9[%mul3A_12, %dma_start3A] : memref<10000x128xf32, #tpu.memory_space<vmem_shared>> -> memref<80x128xf32, #tpu.memory_space<vmem_shared>>
    %dma_start3A_14 = arith.constant 0 : i32
    %dma_start3A_15 = tpu.memref_slice %arg9[%mul3A_12, %dma_start3A_14] : memref<10000x128xf32, #tpu.memory_space<vmem_shared>> -> memref<80x128xf32, #tpu.memory_space<vmem_shared>>
    tpu.enqueue_dma source(%arg10 : memref<80x128xf32, #tpu.memory_space<vmem>>) target(%dma_start3A_15 : memref<80x128xf32, #tpu.memory_space<vmem_shared>>) target_semaphore(%arg11 : memref<!tpu.dma_semaphore, #tpu.memory_space<semaphore_mem>>)
    %add3A_16 = arith.constant 16 : i32
    %add3A_17 = arith.addi %arg1, %add3A_16 : i32
    %rem3A_18 = arith.constant 125 : i32
    %rem3A_19 = arith.remsi %add3A_17, %rem3A_18 : i32
    %mul3A_20 = arith.constant 80 : i32
    %mul3A_21 = arith.muli %rem3A_19, %mul3A_20 : i32
    %dma_start3A_22 = arith.constant 0 : i32
    %dma_start3A_23 = tpu.memref_slice %arg9[%mul3A_21, %dma_start3A_22] : memref<10000x128xf32, #tpu.memory_space<vmem_shared>> -> memref<80x128xf32, #tpu.memory_space<vmem_shared>>
    %dma_start3A_24 = arith.constant 0 : i32
    %dma_start3A_25 = tpu.memref_slice %arg9[%mul3A_21, %dma_start3A_24] : memref<10000x128xf32, #tpu.memory_space<vmem_shared>> -> memref<80x128xf32, #tpu.memory_space<vmem_shared>>
    tpu.enqueue_dma source(%arg10 : memref<80x128xf32, #tpu.memory_space<vmem>>) target(%dma_start3A_25 : memref<80x128xf32, #tpu.memory_space<vmem_shared>>) target_semaphore(%arg11 : memref<!tpu.dma_semaphore, #tpu.memory_space<semaphore_mem>>)
    %add3A_26 = arith.constant 32 : i32
    %add3A_27 = arith.addi %arg1, %add3A_26 : i32
    %rem3A_28 = arith.constant 125 : i32
    %rem3A_29 = arith.remsi %add3A_27, %rem3A_28 : i32
    %mul3A_30 = arith.constant 80 : i32
    %mul3A_31 = arith.muli %rem3A_29, %mul3A_30 : i32
    %dma_start3A_32 = arith.constant 0 : i32
    %dma_start3A_33 = tpu.memref_slice %arg9[%mul3A_31, %dma_start3A_32] : memref<10000x128xf32, #tpu.memory_space<vmem_shared>> -> memref<80x128xf32, #tpu.memory_space<vmem_shared>>
    %dma_start3A_34 = arith.constant 0 : i32
    %dma_start3A_35 = tpu.memref_slice %arg9[%mul3A_31, %dma_start3A_34] : memref<10000x128xf32, #tpu.memory_space<vmem_shared>> -> memref<80x128xf32, #tpu.memory_space<vmem_shared>>
    tpu.enqueue_dma source(%arg10 : memref<80x128xf32, #tpu.memory_space<vmem>>) target(%dma_start3A_35 : memref<80x128xf32, #tpu.memory_space<vmem_shared>>) target_semaphore(%arg11 : memref<!tpu.dma_semaphore, #tpu.memory_space<semaphore_mem>>)
    %add3A_36 = arith.constant 48 : i32
    %add3A_37 = arith.addi %arg1, %add3A_36 : i32
    %rem3A_38 = arith.constant 125 : i32
    %rem3A_39 = arith.remsi %add3A_37, %rem3A_38 : i32
    %mul3A_40 = arith.constant 80 : i32
    %mul3A_41 = arith.muli %rem3A_39, %mul3A_40 : i32
    %dma_start3A_42 = arith.constant 0 : i32
    %dma_start3A_43 = tpu.memref_slice %arg9[%mul3A_41, %dma_start3A_42] : memref<10000x128xf32, #tpu.memory_space<vmem_shared>> -> memref<80x128xf32, #tpu.memory_space<vmem_shared>>
    %dma_start3A_44 = arith.constant 0 : i32
    %dma_start3A_45 = tpu.memref_slice %arg9[%mul3A_41, %dma_start3A_44] : memref<10000x128xf32, #tpu.memory_space<vmem_shared>> -> memref<80x128xf32, #tpu.memory_space<vmem_shared>>
    tpu.enqueue_dma source(%arg10 : memref<80x128xf32, #tpu.memory_space<vmem>>) target(%dma_start3A_45 : memref<80x128xf32, #tpu.memory_space<vmem_shared>>) target_semaphore(%arg11 : memref<!tpu.dma_semaphore, #tpu.memory_space<semaphore_mem>>)
    %add3A_46 = arith.constant 64 : i32
    %add3A_47 = arith.addi %arg1, %add3A_46 : i32
    %rem3A_48 = arith.constant 125 : i32
    %rem3A_49 = arith.remsi %add3A_47, %rem3A_48 : i32
    %mul3A_50 = arith.constant 80 : i32
    %mul3A_51 = arith.muli %rem3A_49, %mul3A_50 : i32
    %dma_start3A_52 = arith.constant 0 : i32
    %dma_start3A_53 = tpu.memref_slice %arg9[%mul3A_51, %dma_start3A_52] : memref<10000x128xf32, #tpu.memory_space<vmem_shared>> -> memref<80x128xf32, #tpu.memory_space<vmem_shared>>
    %dma_start3A_54 = arith.constant 0 : i32
    %dma_start3A_55 = tpu.memref_slice %arg9[%mul3A_51, %dma_start3A_54] : memref<10000x128xf32, #tpu.memory_space<vmem_shared>> -> memref<80x128xf32, #tpu.memory_space<vmem_shared>>
    tpu.enqueue_dma source(%arg10 : memref<80x128xf32, #tpu.memory_space<vmem>>) target(%dma_start3A_55 : memref<80x128xf32, #tpu.memory_space<vmem_shared>>) target_semaphore(%arg11 : memref<!tpu.dma_semaphore, #tpu.memory_space<semaphore_mem>>)
    %add3A_56 = arith.constant 80 : i32
    %add3A_57 = arith.addi %arg1, %add3A_56 : i32
    %rem3A_58 = arith.constant 125 : i32
    %rem3A_59 = arith.remsi %add3A_57, %rem3A_58 : i32
    %mul3A_60 = arith.constant 80 : i32
    %mul3A_61 = arith.muli %rem3A_59, %mul3A_60 : i32
    %dma_start3A_62 = arith.constant 0 : i32
    %dma_start3A_63 = tpu.memref_slice %arg9[%mul3A_61, %dma_start3A_62] : memref<10000x128xf32, #tpu.memory_space<vmem_shared>> -> memref<80x128xf32, #tpu.memory_space<vmem_shared>>
    %dma_start3A_64 = arith.constant 0 : i32
    %dma_start3A_65 = tpu.memref_slice %arg9[%mul3A_61, %dma_start3A_64] : memref<10000x128xf32, #tpu.memory_space<vmem_shared>> -> memref<80x128xf32, #tpu.memory_space<vmem_shared>>
    tpu.enqueue_dma source(%arg10 : memref<80x128xf32, #tpu.memory_space<vmem>>) target(%dma_start3A_65 : memref<80x128xf32, #tpu.memory_space<vmem_shared>>) target_semaphore(%arg11 : memref<!tpu.dma_semaphore, #tpu.memory_space<semaphore_mem>>)
    %add3A_66 = arith.constant 96 : i32
    %add3A_67 = arith.addi %arg1, %add3A_66 : i32
    %rem3A_68 = arith.constant 125 : i32
    %rem3A_69 = arith.remsi %add3A_67, %rem3A_68 : i32
    %mul3A_70 = arith.constant 80 : i32
    %mul3A_71 = arith.muli %rem3A_69, %mul3A_70 : i32
    %dma_start3A_72 = arith.constant 0 : i32
    %dma_start3A_73 = tpu.memref_slice %arg9[%mul3A_71, %dma_start3A_72] : memref<10000x128xf32, #tpu.memory_space<vmem_shared>> -> memref<80x128xf32, #tpu.memory_space<vmem_shared>>
    %dma_start3A_74 = arith.constant 0 : i32
    %dma_start3A_75 = tpu.memref_slice %arg9[%mul3A_71, %dma_start3A_74] : memref<10000x128xf32, #tpu.memory_space<vmem_shared>> -> memref<80x128xf32, #tpu.memory_space<vmem_shared>>
    tpu.enqueue_dma source(%arg10 : memref<80x128xf32, #tpu.memory_space<vmem>>) target(%dma_start3A_75 : memref<80x128xf32, #tpu.memory_space<vmem_shared>>) target_semaphore(%arg11 : memref<!tpu.dma_semaphore, #tpu.memory_space<semaphore_mem>>)
    %add3A_76 = arith.constant 112 : i32
    %add3A_77 = arith.addi %arg1, %add3A_76 : i32
    %rem3A_78 = arith.constant 125 : i32
    %rem3A_79 = arith.remsi %add3A_77, %rem3A_78 : i32
    %mul3A_80 = arith.constant 80 : i32
    %mul3A_81 = arith.muli %rem3A_79, %mul3A_80 : i32
    %dma_start3A_82 = arith.constant 0 : i32
    %dma_start3A_83 = tpu.memref_slice %arg9[%mul3A_81, %dma_start3A_82] : memref<10000x128xf32, #tpu.memory_space<vmem_shared>> -> memref<80x128xf32, #tpu.memory_space<vmem_shared>>
    %dma_start3A_84 = arith.constant 0 : i32
    %dma_start3A_85 = tpu.memref_slice %arg9[%mul3A_81, %dma_start3A_84] : memref<10000x128xf32, #tpu.memory_space<vmem_shared>> -> memref<80x128xf32, #tpu.memory_space<vmem_shared>>
    tpu.enqueue_dma source(%arg10 : memref<80x128xf32, #tpu.memory_space<vmem>>) target(%dma_start3A_85 : memref<80x128xf32, #tpu.memory_space<vmem_shared>>) target_semaphore(%arg11 : memref<!tpu.dma_semaphore, #tpu.memory_space<semaphore_mem>>)
    %dma_wait3A = arith.constant 0 : i32
    %dma_wait3A_86 = tpu.memref_slice %arg9[%mul3A_12, %dma_wait3A] : memref<10000x128xf32, #tpu.memory_space<vmem_shared>> -> memref<80x128xf32, #tpu.memory_space<vmem_shared>>
    %dma_wait3A_87 = arith.constant 0 : i32
    %dma_wait3A_88 = tpu.memref_slice %arg9[%mul3A_12, %dma_wait3A_87] : memref<10000x128xf32, #tpu.memory_space<vmem_shared>> -> memref<80x128xf32, #tpu.memory_space<vmem_shared>>
    tpu.wait_dma2 semaphore(%arg11 : memref<!tpu.dma_semaphore, #tpu.memory_space<semaphore_mem>>) src(%arg10 : memref<80x128xf32, #tpu.memory_space<vmem>>) dst(%dma_wait3A_88 : memref<80x128xf32, #tpu.memory_space<vmem_shared>>)
    %dma_wait3A_89 = arith.constant 0 : i32
    %dma_wait3A_90 = tpu.memref_slice %arg9[%mul3A_21, %dma_wait3A_89] : memref<10000x128xf32, #tpu.memory_space<vmem_shared>> -> memref<80x128xf32, #tpu.memory_space<vmem_shared>>
    %dma_wait3A_91 = arith.constant 0 : i32
    %dma_wait3A_92 = tpu.memref_slice %arg9[%mul3A_21, %dma_wait3A_91] : memref<10000x128xf32, #tpu.memory_space<vmem_shared>> -> memref<80x128xf32, #tpu.memory_space<vmem_shared>>
    tpu.wait_dma2 semaphore(%arg11 : memref<!tpu.dma_semaphore, #tpu.memory_space<semaphore_mem>>) src(%arg10 : memref<80x128xf32, #tpu.memory_space<vmem>>) dst(%dma_wait3A_92 : memref<80x128xf32, #tpu.memory_space<vmem_shared>>)
    %dma_wait3A_93 = arith.constant 0 : i32
    %dma_wait3A_94 = tpu.memref_slice %arg9[%mul3A_31, %dma_wait3A_93] : memref<10000x128xf32, #tpu.memory_space<vmem_shared>> -> memref<80x128xf32, #tpu.memory_space<vmem_shared>>
    %dma_wait3A_95 = arith.constant 0 : i32
    %dma_wait3A_96 = tpu.memref_slice %arg9[%mul3A_31, %dma_wait3A_95] : memref<10000x128xf32, #tpu.memory_space<vmem_shared>> -> memref<80x128xf32, #tpu.memory_space<vmem_shared>>
    tpu.wait_dma2 semaphore(%arg11 : memref<!tpu.dma_semaphore, #tpu.memory_space<semaphore_mem>>) src(%arg10 : memref<80x128xf32, #tpu.memory_space<vmem>>) dst(%dma_wait3A_96 : memref<80x128xf32, #tpu.memory_space<vmem_shared>>)
    %dma_wait3A_97 = arith.constant 0 : i32
    %dma_wait3A_98 = tpu.memref_slice %arg9[%mul3A_41, %dma_wait3A_97] : memref<10000x128xf32, #tpu.memory_space<vmem_shared>> -> memref<80x128xf32, #tpu.memory_space<vmem_shared>>
    %dma_wait3A_99 = arith.constant 0 : i32
    %dma_wait3A_100 = tpu.memref_slice %arg9[%mul3A_41, %dma_wait3A_99] : memref<10000x128xf32, #tpu.memory_space<vmem_shared>> -> memref<80x128xf32, #tpu.memory_space<vmem_shared>>
    tpu.wait_dma2 semaphore(%arg11 : memref<!tpu.dma_semaphore, #tpu.memory_space<semaphore_mem>>) src(%arg10 : memref<80x128xf32, #tpu.memory_space<vmem>>) dst(%dma_wait3A_100 : memref<80x128xf32, #tpu.memory_space<vmem_shared>>)
    %dma_wait3A_101 = arith.constant 0 : i32
    %dma_wait3A_102 = tpu.memref_slice %arg9[%mul3A_51, %dma_wait3A_101] : memref<10000x128xf32, #tpu.memory_space<vmem_shared>> -> memref<80x128xf32, #tpu.memory_space<vmem_shared>>
    %dma_wait3A_103 = arith.constant 0 : i32
    %dma_wait3A_104 = tpu.memref_slice %arg9[%mul3A_51, %dma_wait3A_103] : memref<10000x128xf32, #tpu.memory_space<vmem_shared>> -> memref<80x128xf32, #tpu.memory_space<vmem_shared>>
    tpu.wait_dma2 semaphore(%arg11 : memref<!tpu.dma_semaphore, #tpu.memory_space<semaphore_mem>>) src(%arg10 : memref<80x128xf32, #tpu.memory_space<vmem>>) dst(%dma_wait3A_104 : memref<80x128xf32, #tpu.memory_space<vmem_shared>>)
    %dma_wait3A_105 = arith.constant 0 : i32
    %dma_wait3A_106 = tpu.memref_slice %arg9[%mul3A_61, %dma_wait3A_105] : memref<10000x128xf32, #tpu.memory_space<vmem_shared>> -> memref<80x128xf32, #tpu.memory_space<vmem_shared>>
    %dma_wait3A_107 = arith.constant 0 : i32
    %dma_wait3A_108 = tpu.memref_slice %arg9[%mul3A_61, %dma_wait3A_107] : memref<10000x128xf32, #tpu.memory_space<vmem_shared>> -> memref<80x128xf32, #tpu.memory_space<vmem_shared>>
    tpu.wait_dma2 semaphore(%arg11 : memref<!tpu.dma_semaphore, #tpu.memory_space<semaphore_mem>>) src(%arg10 : memref<80x128xf32, #tpu.memory_space<vmem>>) dst(%dma_wait3A_108 : memref<80x128xf32, #tpu.memory_space<vmem_shared>>)
    %dma_wait3A_109 = arith.constant 0 : i32
    %dma_wait3A_110 = tpu.memref_slice %arg9[%mul3A_71, %dma_wait3A_109] : memref<10000x128xf32, #tpu.memory_space<vmem_shared>> -> memref<80x128xf32, #tpu.memory_space<vmem_shared>>
    %dma_wait3A_111 = arith.constant 0 : i32
    %dma_wait3A_112 = tpu.memref_slice %arg9[%mul3A_71, %dma_wait3A_111] : memref<10000x128xf32, #tpu.memory_space<vmem_shared>> -> memref<80x128xf32, #tpu.memory_space<vmem_shared>>
    tpu.wait_dma2 semaphore(%arg11 : memref<!tpu.dma_semaphore, #tpu.memory_space<semaphore_mem>>) src(%arg10 : memref<80x128xf32, #tpu.memory_space<vmem>>) dst(%dma_wait3A_112 : memref<80x128xf32, #tpu.memory_space<vmem_shared>>)
    %dma_wait3A_113 = arith.constant 0 : i32
    %dma_wait3A_114 = tpu.memref_slice %arg9[%mul3A_81, %dma_wait3A_113] : memref<10000x128xf32, #tpu.memory_space<vmem_shared>> -> memref<80x128xf32, #tpu.memory_space<vmem_shared>>
    %dma_wait3A_115 = arith.constant 0 : i32
    %dma_wait3A_116 = tpu.memref_slice %arg9[%mul3A_81, %dma_wait3A_115] : memref<10000x128xf32, #tpu.memory_space<vmem_shared>> -> memref<80x128xf32, #tpu.memory_space<vmem_shared>>
    tpu.wait_dma2 semaphore(%arg11 : memref<!tpu.dma_semaphore, #tpu.memory_space<semaphore_mem>>) src(%arg10 : memref<80x128xf32, #tpu.memory_space<vmem>>) dst(%dma_wait3A_116 : memref<80x128xf32, #tpu.memory_space<vmem_shared>>)
    %barrier3A = arith.constant 0 : index
    tpu.barrier barrier_id(%barrier3A)
    %mul3A_117 = arith.constant 80 : i32
    %mul3A_118 = arith.muli %add3A, %mul3A_117 : i32
    %scan3A_119 = arith.constant 0 : i32
    %scan3A_120 = arith.constant 0 : i32
    %scan3A_121 = arith.constant 40 : i32
    %scan3A_122 = arith.addi %scan3A_120, %scan3A_121 : i32
    %scan3A_123 = arith.constant 1 : i32
    %scan3A_124 = scf.for %scan3A_303 = %scan3A_120 to %scan3A_122 step %scan3A_123 iter_args(%scan3A_304 = %scan3A_119) -> (i32)  : i32 {
      %mul3A_305 = arith.constant 2 : i32
      %mul3A_306 = arith.muli %mul3A_305, %scan3A_303 : i32
      %add3A_307 = arith.addi %mul3A_118, %mul3A_306 : i32
      %dma_start3A_308 = arith.constant 0 : i32
      %dma_start3A_309 = arith.constant 0 : i32
      %dma_start3A_310 = tpu.memref_slice %arg3[%add3A_307, %dma_start3A_308, %dma_start3A_309] : memref<2560x2x128xi32, #tpu.memory_space<hbm>> -> memref<1x2x128xi32, #tpu.memory_space<hbm>>
      %dma_start3A_311 = tpu.memref_squeeze %dma_start3A_310 : memref<1x2x128xi32, #tpu.memory_space<hbm>> -> memref<2x128xi32, #tpu.memory_space<hbm>>
      %dma_start3A_312 = arith.constant 0 : i32
      %dma_start3A_313 = arith.constant 0 : i32
      %dma_start3A_314 = tpu.memref_slice %arg3[%add3A_307, %dma_start3A_312, %dma_start3A_313] : memref<2560x2x128xi32, #tpu.memory_space<hbm>> -> memref<1x2x128xi32, #tpu.memory_space<hbm>>
      %dma_start3A_315 = tpu.memref_squeeze %dma_start3A_314 : memref<1x2x128xi32, #tpu.memory_space<hbm>> -> memref<2x128xi32, #tpu.memory_space<hbm>>
      tpu.enqueue_dma source(%dma_start3A_315 : memref<2x128xi32, #tpu.memory_space<hbm>>) target(%arg5 : memref<2x128xi32, #tpu.memory_space<vmem>>) target_semaphore(%arg11 : memref<!tpu.dma_semaphore, #tpu.memory_space<semaphore_mem>>)
      %add3A_316 = arith.constant 1 : i32
      %add3A_317 = arith.addi %add3A_307, %add3A_316 : i32
      %dma_start3A_318 = arith.constant 0 : i32
      %dma_start3A_319 = arith.constant 0 : i32
      %dma_start3A_320 = tpu.memref_slice %arg3[%add3A_317, %dma_start3A_318, %dma_start3A_319] : memref<2560x2x128xi32, #tpu.memory_space<hbm>> -> memref<1x2x128xi32, #tpu.memory_space<hbm>>
      %dma_start3A_321 = tpu.memref_squeeze %dma_start3A_320 : memref<1x2x128xi32, #tpu.memory_space<hbm>> -> memref<2x128xi32, #tpu.memory_space<hbm>>
      %dma_start3A_322 = arith.constant 0 : i32
      %dma_start3A_323 = arith.constant 0 : i32
      %dma_start3A_324 = tpu.memref_slice %arg3[%add3A_317, %dma_start3A_322, %dma_start3A_323] : memref<2560x2x128xi32, #tpu.memory_space<hbm>> -> memref<1x2x128xi32, #tpu.memory_space<hbm>>
      %dma_start3A_325 = tpu.memref_squeeze %dma_start3A_324 : memref<1x2x128xi32, #tpu.memory_space<hbm>> -> memref<2x128xi32, #tpu.memory_space<hbm>>
      tpu.enqueue_dma source(%dma_start3A_325 : memref<2x128xi32, #tpu.memory_space<hbm>>) target(%arg6 : memref<2x128xi32, #tpu.memory_space<vmem>>) target_semaphore(%arg12 : memref<!tpu.dma_semaphore, #tpu.memory_space<semaphore_mem>>)
      %dma_wait3A_326 = arith.constant 0 : i32
      %dma_wait3A_327 = arith.constant 0 : i32
      %dma_wait3A_328 = tpu.memref_slice %arg3[%add3A_307, %dma_wait3A_326, %dma_wait3A_327] : memref<2560x2x128xi32, #tpu.memory_space<hbm>> -> memref<1x2x128xi32, #tpu.memory_space<hbm>>
      %dma_wait3A_329 = tpu.memref_squeeze %dma_wait3A_328 : memref<1x2x128xi32, #tpu.memory_space<hbm>> -> memref<2x128xi32, #tpu.memory_space<hbm>>
      %dma_wait3A_330 = arith.constant 0 : i32
      %dma_wait3A_331 = arith.constant 0 : i32
      %dma_wait3A_332 = tpu.memref_slice %arg3[%add3A_307, %dma_wait3A_330, %dma_wait3A_331] : memref<2560x2x128xi32, #tpu.memory_space<hbm>> -> memref<1x2x128xi32, #tpu.memory_space<hbm>>
      %dma_wait3A_333 = tpu.memref_squeeze %dma_wait3A_332 : memref<1x2x128xi32, #tpu.memory_space<hbm>> -> memref<2x128xi32, #tpu.memory_space<hbm>>
      tpu.wait_dma2 semaphore(%arg11 : memref<!tpu.dma_semaphore, #tpu.memory_space<semaphore_mem>>) src(%dma_wait3A_333 : memref<2x128xi32, #tpu.memory_space<hbm>>) dst(%arg5 : memref<2x128xi32, #tpu.memory_space<vmem>>)
      %dma_start3A_334 = arith.constant 0 : i32
      %dma_start3A_335 = arith.constant 0 : i32
      %dma_start3A_336 = tpu.memref_slice %arg5[%dma_start3A_334, %dma_start3A_335] : memref<2x128xi32, #tpu.memory_space<vmem>> -> memref<1x128xi32, #tpu.memory_space<vmem>>
      %dma_start3A_337 = tpu.memref_squeeze %dma_start3A_336 : memref<1x128xi32, #tpu.memory_space<vmem>> -> memref<128xi32, #tpu.memory_space<vmem>>
      %dma_start3A_338 = arith.constant 0 : i32
      %dma_start3A_339 = arith.constant 0 : i32
      %dma_start3A_340 = tpu.memref_slice %arg2[%dma_start3A_338, %dma_start3A_339] : memref<10008x128xf32, #tpu.memory_space<hbm>> -> memref<10008x128xf32, #tpu.memory_space<hbm>>
      tpu.enqueue_indirect_dma source(%dma_start3A_340 : memref<10008x128xf32, #tpu.memory_space<hbm>>) target(%arg7 : memref<128x128xf32, #tpu.memory_space<vmem>>) offsets(%dma_start3A_337 : memref<128xi32, #tpu.memory_space<vmem>>) semaphore(%arg11 : memref<!tpu.dma_semaphore, #tpu.memory_space<semaphore_mem>>)
      %dma_wait3A_341 = arith.constant 0 : i32
      %dma_wait3A_342 = arith.constant 0 : i32
      %dma_wait3A_343 = tpu.memref_slice %arg3[%add3A_317, %dma_wait3A_341, %dma_wait3A_342] : memref<2560x2x128xi32, #tpu.memory_space<hbm>> -> memref<1x2x128xi32, #tpu.memory_space<hbm>>
      %dma_wait3A_344 = tpu.memref_squeeze %dma_wait3A_343 : memref<1x2x128xi32, #tpu.memory_space<hbm>> -> memref<2x128xi32, #tpu.memory_space<hbm>>
      %dma_wait3A_345 = arith.constant 0 : i32
      %dma_wait3A_346 = arith.constant 0 : i32
      %dma_wait3A_347 = tpu.memref_slice %arg3[%add3A_317, %dma_wait3A_345, %dma_wait3A_346] : memref<2560x2x128xi32, #tpu.memory_space<hbm>> -> memref<1x2x128xi32, #tpu.memory_space<hbm>>
      %dma_wait3A_348 = tpu.memref_squeeze %dma_wait3A_347 : memref<1x2x128xi32, #tpu.memory_space<hbm>> -> memref<2x128xi32, #tpu.memory_space<hbm>>
      tpu.wait_dma2 semaphore(%arg12 : memref<!tpu.dma_semaphore, #tpu.memory_space<semaphore_mem>>) src(%dma_wait3A_348 : memref<2x128xi32, #tpu.memory_space<hbm>>) dst(%arg6 : memref<2x128xi32, #tpu.memory_space<vmem>>)
      %dma_start3A_349 = arith.constant 0 : i32
      %dma_start3A_350 = arith.constant 0 : i32
      %dma_start3A_351 = tpu.memref_slice %arg6[%dma_start3A_349, %dma_start3A_350] : memref<2x128xi32, #tpu.memory_space<vmem>> -> memref<1x128xi32, #tpu.memory_space<vmem>>
      %dma_start3A_352 = tpu.memref_squeeze %dma_start3A_351 : memref<1x128xi32, #tpu.memory_space<vmem>> -> memref<128xi32, #tpu.memory_space<vmem>>
      %dma_start3A_353 = arith.constant 0 : i32
      %dma_start3A_354 = arith.constant 0 : i32
      %dma_start3A_355 = tpu.memref_slice %arg2[%dma_start3A_353, %dma_start3A_354] : memref<10008x128xf32, #tpu.memory_space<hbm>> -> memref<10008x128xf32, #tpu.memory_space<hbm>>
      tpu.enqueue_indirect_dma source(%dma_start3A_355 : memref<10008x128xf32, #tpu.memory_space<hbm>>) target(%arg8 : memref<128x128xf32, #tpu.memory_space<vmem>>) offsets(%dma_start3A_352 : memref<128xi32, #tpu.memory_space<vmem>>) semaphore(%arg12 : memref<!tpu.dma_semaphore, #tpu.memory_space<semaphore_mem>>)
      %dma_wait3A_356 = arith.constant 0 : i32
      %dma_wait3A_357 = arith.constant 0 : i32
      %dma_wait3A_358 = tpu.memref_slice %arg5[%dma_wait3A_356, %dma_wait3A_357] : memref<2x128xi32, #tpu.memory_space<vmem>> -> memref<1x128xi32, #tpu.memory_space<vmem>>
      %dma_wait3A_359 = tpu.memref_squeeze %dma_wait3A_358 : memref<1x128xi32, #tpu.memory_space<vmem>> -> memref<128xi32, #tpu.memory_space<vmem>>
      %dma_wait3A_360 = arith.constant 0 : i32
      %dma_wait3A_361 = arith.constant 0 : i32
      %dma_wait3A_362 = tpu.memref_slice %arg2[%dma_wait3A_360, %dma_wait3A_361] : memref<10008x128xf32, #tpu.memory_space<hbm>> -> memref<10008x128xf32, #tpu.memory_space<hbm>>
      tpu.wait_indirect_dma semaphore(%arg11 : memref<!tpu.dma_semaphore, #tpu.memory_space<semaphore_mem>>) src(%dma_wait3A_362 : memref<10008x128xf32, #tpu.memory_space<hbm>>) dst(%arg7 : memref<128x128xf32, #tpu.memory_space<vmem>>)
      %dma_start3A_363 = arith.constant 1 : i32
      %dma_start3A_364 = arith.constant 0 : i32
      %dma_start3A_365 = tpu.memref_slice %arg5[%dma_start3A_363, %dma_start3A_364] : memref<2x128xi32, #tpu.memory_space<vmem>> -> memref<1x128xi32, #tpu.memory_space<vmem>>
      %dma_start3A_366 = tpu.memref_squeeze %dma_start3A_365 : memref<1x128xi32, #tpu.memory_space<vmem>> -> memref<128xi32, #tpu.memory_space<vmem>>
      %dma_start3A_367 = arith.constant 0 : i32
      %dma_start3A_368 = arith.constant 0 : i32
      %dma_start3A_369 = tpu.memref_slice %arg9[%dma_start3A_367, %dma_start3A_368] : memref<10000x128xf32, #tpu.memory_space<vmem_shared>> -> memref<10000x128xf32, #tpu.memory_space<vmem_shared>>
      tpu.enqueue_indirect_dma source(%arg7 : memref<128x128xf32, #tpu.memory_space<vmem>>) target(%dma_start3A_369 : memref<10000x128xf32, #tpu.memory_space<vmem_shared>>) offsets(%dma_start3A_366 : memref<128xi32, #tpu.memory_space<vmem>>) semaphore(%arg11 : memref<!tpu.dma_semaphore, #tpu.memory_space<semaphore_mem>>) {add = true}
      %dma_wait3A_370 = arith.constant 0 : i32
      %dma_wait3A_371 = arith.constant 0 : i32
      %dma_wait3A_372 = tpu.memref_slice %arg6[%dma_wait3A_370, %dma_wait3A_371] : memref<2x128xi32, #tpu.memory_space<vmem>> -> memref<1x128xi32, #tpu.memory_space<vmem>>
      %dma_wait3A_373 = tpu.memref_squeeze %dma_wait3A_372 : memref<1x128xi32, #tpu.memory_space<vmem>> -> memref<128xi32, #tpu.memory_space<vmem>>
      %dma_wait3A_374 = arith.constant 0 : i32
      %dma_wait3A_375 = arith.constant 0 : i32
      %dma_wait3A_376 = tpu.memref_slice %arg2[%dma_wait3A_374, %dma_wait3A_375] : memref<10008x128xf32, #tpu.memory_space<hbm>> -> memref<10008x128xf32, #tpu.memory_space<hbm>>
      tpu.wait_indirect_dma semaphore(%arg12 : memref<!tpu.dma_semaphore, #tpu.memory_space<semaphore_mem>>) src(%dma_wait3A_376 : memref<10008x128xf32, #tpu.memory_space<hbm>>) dst(%arg8 : memref<128x128xf32, #tpu.memory_space<vmem>>)
      %dma_start3A_377 = arith.constant 1 : i32
      %dma_start3A_378 = arith.constant 0 : i32
      %dma_start3A_379 = tpu.memref_slice %arg6[%dma_start3A_377, %dma_start3A_378] : memref<2x128xi32, #tpu.memory_space<vmem>> -> memref<1x128xi32, #tpu.memory_space<vmem>>
      %dma_start3A_380 = tpu.memref_squeeze %dma_start3A_379 : memref<1x128xi32, #tpu.memory_space<vmem>> -> memref<128xi32, #tpu.memory_space<vmem>>
      %dma_start3A_381 = arith.constant 0 : i32
      %dma_start3A_382 = arith.constant 0 : i32
      %dma_start3A_383 = tpu.memref_slice %arg9[%dma_start3A_381, %dma_start3A_382] : memref<10000x128xf32, #tpu.memory_space<vmem_shared>> -> memref<10000x128xf32, #tpu.memory_space<vmem_shared>>
      tpu.enqueue_indirect_dma source(%arg8 : memref<128x128xf32, #tpu.memory_space<vmem>>) target(%dma_start3A_383 : memref<10000x128xf32, #tpu.memory_space<vmem_shared>>) offsets(%dma_start3A_380 : memref<128xi32, #tpu.memory_space<vmem>>) semaphore(%arg12 : memref<!tpu.dma_semaphore, #tpu.memory_space<semaphore_mem>>) {add = true}
      %dma_wait3A_384 = arith.constant 1 : i32
      %dma_wait3A_385 = arith.constant 0 : i32
      %dma_wait3A_386 = tpu.memref_slice %arg5[%dma_wait3A_384, %dma_wait3A_385] : memref<2x128xi32, #tpu.memory_space<vmem>> -> memref<1x128xi32, #tpu.memory_space<vmem>>
      %dma_wait3A_387 = tpu.memref_squeeze %dma_wait3A_386 : memref<1x128xi32, #tpu.memory_space<vmem>> -> memref<128xi32, #tpu.memory_space<vmem>>
      %dma_wait3A_388 = arith.constant 0 : i32
      %dma_wait3A_389 = arith.constant 0 : i32
      %dma_wait3A_390 = tpu.memref_slice %arg9[%dma_wait3A_388, %dma_wait3A_389] : memref<10000x128xf32, #tpu.memory_space<vmem_shared>> -> memref<10000x128xf32, #tpu.memory_space<vmem_shared>>
      tpu.wait_indirect_dma semaphore(%arg11 : memref<!tpu.dma_semaphore, #tpu.memory_space<semaphore_mem>>) src(%arg7 : memref<128x128xf32, #tpu.memory_space<vmem>>) dst(%dma_wait3A_390 : memref<10000x128xf32, #tpu.memory_space<vmem_shared>>)
      %dma_wait3A_391 = arith.constant 1 : i32
      %dma_wait3A_392 = arith.constant 0 : i32
      %dma_wait3A_393 = tpu.memref_slice %arg6[%dma_wait3A_391, %dma_wait3A_392] : memref<2x128xi32, #tpu.memory_space<vmem>> -> memref<1x128xi32, #tpu.memory_space<vmem>>
      %dma_wait3A_394 = tpu.memref_squeeze %dma_wait3A_393 : memref<1x128xi32, #tpu.memory_space<vmem>> -> memref<128xi32, #tpu.memory_space<vmem>>
      %dma_wait3A_395 = arith.constant 0 : i32
      %dma_wait3A_396 = arith.constant 0 : i32
      %dma_wait3A_397 = tpu.memref_slice %arg9[%dma_wait3A_395, %dma_wait3A_396] : memref<10000x128xf32, #tpu.memory_space<vmem_shared>> -> memref<10000x128xf32, #tpu.memory_space<vmem_shared>>
      tpu.wait_indirect_dma semaphore(%arg12 : memref<!tpu.dma_semaphore, #tpu.memory_space<semaphore_mem>>) src(%arg8 : memref<128x128xf32, #tpu.memory_space<vmem>>) dst(%dma_wait3A_397 : memref<10000x128xf32, #tpu.memory_space<vmem_shared>>)
      %scan3A_398 = arith.constant 0 : i32
      scf.yield %scan3A_398 : i32
    }
    %scan3A_125 = arith.constant 40 : i32
    %barrier3A_126 = arith.constant 0 : index
    tpu.barrier barrier_id(%barrier3A_126)
    %add3A_127 = arith.constant 0 : i32
    %add3A_128 = arith.addi %arg1, %add3A_127 : i32
    %rem3A_129 = arith.constant 125 : i32
    %rem3A_130 = arith.remsi %add3A_128, %rem3A_129 : i32
    %mul3A_131 = arith.constant 80 : i32
    %mul3A_132 = arith.muli %rem3A_130, %mul3A_131 : i32
    %dma_start3A_133 = arith.constant 0 : i32
    %dma_start3A_134 = arith.constant 0 : i32
    %dma_start3A_135 = tpu.memref_slice %arg4[%arg0, %dma_start3A_133, %dma_start3A_134] : memref<2x10000x128xf32, #tpu.memory_space<hbm>> -> memref<1x10000x128xf32, #tpu.memory_space<hbm>>
    %dma_start3A_136 = tpu.memref_squeeze %dma_start3A_135 : memref<1x10000x128xf32, #tpu.memory_space<hbm>> -> memref<10000x128xf32, #tpu.memory_space<hbm>>
    %dma_start3A_137 = arith.constant 0 : i32
    %dma_start3A_138 = tpu.memref_slice %dma_start3A_136[%mul3A_132, %dma_start3A_137] : memref<10000x128xf32, #tpu.memory_space<hbm>> -> memref<80x128xf32, #tpu.memory_space<hbm>>
    %dma_start3A_139 = arith.constant 0 : i32
    %dma_start3A_140 = tpu.memref_slice %arg9[%mul3A_132, %dma_start3A_139] : memref<10000x128xf32, #tpu.memory_space<vmem_shared>> -> memref<80x128xf32, #tpu.memory_space<vmem_shared>>
    tpu.enqueue_dma source(%dma_start3A_140 : memref<80x128xf32, #tpu.memory_space<vmem_shared>>) target(%dma_start3A_138 : memref<80x128xf32, #tpu.memory_space<hbm>>) target_semaphore(%arg12 : memref<!tpu.dma_semaphore, #tpu.memory_space<semaphore_mem>>)
    %add3A_141 = arith.constant 16 : i32
    %add3A_142 = arith.addi %arg1, %add3A_141 : i32
    %rem3A_143 = arith.constant 125 : i32
    %rem3A_144 = arith.remsi %add3A_142, %rem3A_143 : i32
    %mul3A_145 = arith.constant 80 : i32
    %mul3A_146 = arith.muli %rem3A_144, %mul3A_145 : i32
    %dma_start3A_147 = arith.constant 0 : i32
    %dma_start3A_148 = arith.constant 0 : i32
    %dma_start3A_149 = tpu.memref_slice %arg4[%arg0, %dma_start3A_147, %dma_start3A_148] : memref<2x10000x128xf32, #tpu.memory_space<hbm>> -> memref<1x10000x128xf32, #tpu.memory_space<hbm>>
    %dma_start3A_150 = tpu.memref_squeeze %dma_start3A_149 : memref<1x10000x128xf32, #tpu.memory_space<hbm>> -> memref<10000x128xf32, #tpu.memory_space<hbm>>
    %dma_start3A_151 = arith.constant 0 : i32
    %dma_start3A_152 = tpu.memref_slice %dma_start3A_150[%mul3A_146, %dma_start3A_151] : memref<10000x128xf32, #tpu.memory_space<hbm>> -> memref<80x128xf32, #tpu.memory_space<hbm>>
    %dma_start3A_153 = arith.constant 0 : i32
    %dma_start3A_154 = tpu.memref_slice %arg9[%mul3A_146, %dma_start3A_153] : memref<10000x128xf32, #tpu.memory_space<vmem_shared>> -> memref<80x128xf32, #tpu.memory_space<vmem_shared>>
    tpu.enqueue_dma source(%dma_start3A_154 : memref<80x128xf32, #tpu.memory_space<vmem_shared>>) target(%dma_start3A_152 : memref<80x128xf32, #tpu.memory_space<hbm>>) target_semaphore(%arg12 : memref<!tpu.dma_semaphore, #tpu.memory_space<semaphore_mem>>)
    %add3A_155 = arith.constant 32 : i32
    %add3A_156 = arith.addi %arg1, %add3A_155 : i32
    %rem3A_157 = arith.constant 125 : i32
    %rem3A_158 = arith.remsi %add3A_156, %rem3A_157 : i32
    %mul3A_159 = arith.constant 80 : i32
    %mul3A_160 = arith.muli %rem3A_158, %mul3A_159 : i32
    %dma_start3A_161 = arith.constant 0 : i32
    %dma_start3A_162 = arith.constant 0 : i32
    %dma_start3A_163 = tpu.memref_slice %arg4[%arg0, %dma_start3A_161, %dma_start3A_162] : memref<2x10000x128xf32, #tpu.memory_space<hbm>> -> memref<1x10000x128xf32, #tpu.memory_space<hbm>>
    %dma_start3A_164 = tpu.memref_squeeze %dma_start3A_163 : memref<1x10000x128xf32, #tpu.memory_space<hbm>> -> memref<10000x128xf32, #tpu.memory_space<hbm>>
    %dma_start3A_165 = arith.constant 0 : i32
    %dma_start3A_166 = tpu.memref_slice %dma_start3A_164[%mul3A_160, %dma_start3A_165] : memref<10000x128xf32, #tpu.memory_space<hbm>> -> memref<80x128xf32, #tpu.memory_space<hbm>>
    %dma_start3A_167 = arith.constant 0 : i32
    %dma_start3A_168 = tpu.memref_slice %arg9[%mul3A_160, %dma_start3A_167] : memref<10000x128xf32, #tpu.memory_space<vmem_shared>> -> memref<80x128xf32, #tpu.memory_space<vmem_shared>>
    tpu.enqueue_dma source(%dma_start3A_168 : memref<80x128xf32, #tpu.memory_space<vmem_shared>>) target(%dma_start3A_166 : memref<80x128xf32, #tpu.memory_space<hbm>>) target_semaphore(%arg12 : memref<!tpu.dma_semaphore, #tpu.memory_space<semaphore_mem>>)
    %add3A_169 = arith.constant 48 : i32
    %add3A_170 = arith.addi %arg1, %add3A_169 : i32
    %rem3A_171 = arith.constant 125 : i32
    %rem3A_172 = arith.remsi %add3A_170, %rem3A_171 : i32
    %mul3A_173 = arith.constant 80 : i32
    %mul3A_174 = arith.muli %rem3A_172, %mul3A_173 : i32
    %dma_start3A_175 = arith.constant 0 : i32
    %dma_start3A_176 = arith.constant 0 : i32
    %dma_start3A_177 = tpu.memref_slice %arg4[%arg0, %dma_start3A_175, %dma_start3A_176] : memref<2x10000x128xf32, #tpu.memory_space<hbm>> -> memref<1x10000x128xf32, #tpu.memory_space<hbm>>
    %dma_start3A_178 = tpu.memref_squeeze %dma_start3A_177 : memref<1x10000x128xf32, #tpu.memory_space<hbm>> -> memref<10000x128xf32, #tpu.memory_space<hbm>>
    %dma_start3A_179 = arith.constant 0 : i32
    %dma_start3A_180 = tpu.memref_slice %dma_start3A_178[%mul3A_174, %dma_start3A_179] : memref<10000x128xf32, #tpu.memory_space<hbm>> -> memref<80x128xf32, #tpu.memory_space<hbm>>
    %dma_start3A_181 = arith.constant 0 : i32
    %dma_start3A_182 = tpu.memref_slice %arg9[%mul3A_174, %dma_start3A_181] : memref<10000x128xf32, #tpu.memory_space<vmem_shared>> -> memref<80x128xf32, #tpu.memory_space<vmem_shared>>
    tpu.enqueue_dma source(%dma_start3A_182 : memref<80x128xf32, #tpu.memory_space<vmem_shared>>) target(%dma_start3A_180 : memref<80x128xf32, #tpu.memory_space<hbm>>) target_semaphore(%arg12 : memref<!tpu.dma_semaphore, #tpu.memory_space<semaphore_mem>>)
    %add3A_183 = arith.constant 64 : i32
    %add3A_184 = arith.addi %arg1, %add3A_183 : i32
    %rem3A_185 = arith.constant 125 : i32
    %rem3A_186 = arith.remsi %add3A_184, %rem3A_185 : i32
    %mul3A_187 = arith.constant 80 : i32
    %mul3A_188 = arith.muli %rem3A_186, %mul3A_187 : i32
    %dma_start3A_189 = arith.constant 0 : i32
    %dma_start3A_190 = arith.constant 0 : i32
    %dma_start3A_191 = tpu.memref_slice %arg4[%arg0, %dma_start3A_189, %dma_start3A_190] : memref<2x10000x128xf32, #tpu.memory_space<hbm>> -> memref<1x10000x128xf32, #tpu.memory_space<hbm>>
    %dma_start3A_192 = tpu.memref_squeeze %dma_start3A_191 : memref<1x10000x128xf32, #tpu.memory_space<hbm>> -> memref<10000x128xf32, #tpu.memory_space<hbm>>
    %dma_start3A_193 = arith.constant 0 : i32
    %dma_start3A_194 = tpu.memref_slice %dma_start3A_192[%mul3A_188, %dma_start3A_193] : memref<10000x128xf32, #tpu.memory_space<hbm>> -> memref<80x128xf32, #tpu.memory_space<hbm>>
    %dma_start3A_195 = arith.constant 0 : i32
    %dma_start3A_196 = tpu.memref_slice %arg9[%mul3A_188, %dma_start3A_195] : memref<10000x128xf32, #tpu.memory_space<vmem_shared>> -> memref<80x128xf32, #tpu.memory_space<vmem_shared>>
    tpu.enqueue_dma source(%dma_start3A_196 : memref<80x128xf32, #tpu.memory_space<vmem_shared>>) target(%dma_start3A_194 : memref<80x128xf32, #tpu.memory_space<hbm>>) target_semaphore(%arg12 : memref<!tpu.dma_semaphore, #tpu.memory_space<semaphore_mem>>)
    %add3A_197 = arith.constant 80 : i32
    %add3A_198 = arith.addi %arg1, %add3A_197 : i32
    %rem3A_199 = arith.constant 125 : i32
    %rem3A_200 = arith.remsi %add3A_198, %rem3A_199 : i32
    %mul3A_201 = arith.constant 80 : i32
    %mul3A_202 = arith.muli %rem3A_200, %mul3A_201 : i32
    %dma_start3A_203 = arith.constant 0 : i32
    %dma_start3A_204 = arith.constant 0 : i32
    %dma_start3A_205 = tpu.memref_slice %arg4[%arg0, %dma_start3A_203, %dma_start3A_204] : memref<2x10000x128xf32, #tpu.memory_space<hbm>> -> memref<1x10000x128xf32, #tpu.memory_space<hbm>>
    %dma_start3A_206 = tpu.memref_squeeze %dma_start3A_205 : memref<1x10000x128xf32, #tpu.memory_space<hbm>> -> memref<10000x128xf32, #tpu.memory_space<hbm>>
    %dma_start3A_207 = arith.constant 0 : i32
    %dma_start3A_208 = tpu.memref_slice %dma_start3A_206[%mul3A_202, %dma_start3A_207] : memref<10000x128xf32, #tpu.memory_space<hbm>> -> memref<80x128xf32, #tpu.memory_space<hbm>>
    %dma_start3A_209 = arith.constant 0 : i32
    %dma_start3A_210 = tpu.memref_slice %arg9[%mul3A_202, %dma_start3A_209] : memref<10000x128xf32, #tpu.memory_space<vmem_shared>> -> memref<80x128xf32, #tpu.memory_space<vmem_shared>>
    tpu.enqueue_dma source(%dma_start3A_210 : memref<80x128xf32, #tpu.memory_space<vmem_shared>>) target(%dma_start3A_208 : memref<80x128xf32, #tpu.memory_space<hbm>>) target_semaphore(%arg12 : memref<!tpu.dma_semaphore, #tpu.memory_space<semaphore_mem>>)
    %add3A_211 = arith.constant 96 : i32
    %add3A_212 = arith.addi %arg1, %add3A_211 : i32
    %rem3A_213 = arith.constant 125 : i32
    %rem3A_214 = arith.remsi %add3A_212, %rem3A_213 : i32
    %mul3A_215 = arith.constant 80 : i32
    %mul3A_216 = arith.muli %rem3A_214, %mul3A_215 : i32
    %dma_start3A_217 = arith.constant 0 : i32
    %dma_start3A_218 = arith.constant 0 : i32
    %dma_start3A_219 = tpu.memref_slice %arg4[%arg0, %dma_start3A_217, %dma_start3A_218] : memref<2x10000x128xf32, #tpu.memory_space<hbm>> -> memref<1x10000x128xf32, #tpu.memory_space<hbm>>
    %dma_start3A_220 = tpu.memref_squeeze %dma_start3A_219 : memref<1x10000x128xf32, #tpu.memory_space<hbm>> -> memref<10000x128xf32, #tpu.memory_space<hbm>>
    %dma_start3A_221 = arith.constant 0 : i32
    %dma_start3A_222 = tpu.memref_slice %dma_start3A_220[%mul3A_216, %dma_start3A_221] : memref<10000x128xf32, #tpu.memory_space<hbm>> -> memref<80x128xf32, #tpu.memory_space<hbm>>
    %dma_start3A_223 = arith.constant 0 : i32
    %dma_start3A_224 = tpu.memref_slice %arg9[%mul3A_216, %dma_start3A_223] : memref<10000x128xf32, #tpu.memory_space<vmem_shared>> -> memref<80x128xf32, #tpu.memory_space<vmem_shared>>
    tpu.enqueue_dma source(%dma_start3A_224 : memref<80x128xf32, #tpu.memory_space<vmem_shared>>) target(%dma_start3A_222 : memref<80x128xf32, #tpu.memory_space<hbm>>) target_semaphore(%arg12 : memref<!tpu.dma_semaphore, #tpu.memory_space<semaphore_mem>>)
    %add3A_225 = arith.constant 112 : i32
    %add3A_226 = arith.addi %arg1, %add3A_225 : i32
    %rem3A_227 = arith.constant 125 : i32
    %rem3A_228 = arith.remsi %add3A_226, %rem3A_227 : i32
    %mul3A_229 = arith.constant 80 : i32
    %mul3A_230 = arith.muli %rem3A_228, %mul3A_229 : i32
    %dma_start3A_231 = arith.constant 0 : i32
    %dma_start3A_232 = arith.constant 0 : i32
    %dma_start3A_233 = tpu.memref_slice %arg4[%arg0, %dma_start3A_231, %dma_start3A_232] : memref<2x10000x128xf32, #tpu.memory_space<hbm>> -> memref<1x10000x128xf32, #tpu.memory_space<hbm>>
    %dma_start3A_234 = tpu.memref_squeeze %dma_start3A_233 : memref<1x10000x128xf32, #tpu.memory_space<hbm>> -> memref<10000x128xf32, #tpu.memory_space<hbm>>
    %dma_start3A_235 = arith.constant 0 : i32
    %dma_start3A_236 = tpu.memref_slice %dma_start3A_234[%mul3A_230, %dma_start3A_235] : memref<10000x128xf32, #tpu.memory_space<hbm>> -> memref<80x128xf32, #tpu.memory_space<hbm>>
    %dma_start3A_237 = arith.constant 0 : i32
    %dma_start3A_238 = tpu.memref_slice %arg9[%mul3A_230, %dma_start3A_237] : memref<10000x128xf32, #tpu.memory_space<vmem_shared>> -> memref<80x128xf32, #tpu.memory_space<vmem_shared>>
    tpu.enqueue_dma source(%dma_start3A_238 : memref<80x128xf32, #tpu.memory_space<vmem_shared>>) target(%dma_start3A_236 : memref<80x128xf32, #tpu.memory_space<hbm>>) target_semaphore(%arg12 : memref<!tpu.dma_semaphore, #tpu.memory_space<semaphore_mem>>)
    %dma_wait3A_239 = arith.constant 0 : i32
    %dma_wait3A_240 = arith.constant 0 : i32
    %dma_wait3A_241 = tpu.memref_slice %arg4[%arg0, %dma_wait3A_239, %dma_wait3A_240] : memref<2x10000x128xf32, #tpu.memory_space<hbm>> -> memref<1x10000x128xf32, #tpu.memory_space<hbm>>
    %dma_wait3A_242 = tpu.memref_squeeze %dma_wait3A_241 : memref<1x10000x128xf32, #tpu.memory_space<hbm>> -> memref<10000x128xf32, #tpu.memory_space<hbm>>
    %dma_wait3A_243 = arith.constant 0 : i32
    %dma_wait3A_244 = tpu.memref_slice %dma_wait3A_242[%mul3A_132, %dma_wait3A_243] : memref<10000x128xf32, #tpu.memory_space<hbm>> -> memref<80x128xf32, #tpu.memory_space<hbm>>
    %dma_wait3A_245 = arith.constant 0 : i32
    %dma_wait3A_246 = tpu.memref_slice %arg9[%mul3A_132, %dma_wait3A_245] : memref<10000x128xf32, #tpu.memory_space<vmem_shared>> -> memref<80x128xf32, #tpu.memory_space<vmem_shared>>
    tpu.wait_dma2 semaphore(%arg12 : memref<!tpu.dma_semaphore, #tpu.memory_space<semaphore_mem>>) src(%dma_wait3A_246 : memref<80x128xf32, #tpu.memory_space<vmem_shared>>) dst(%dma_wait3A_244 : memref<80x128xf32, #tpu.memory_space<hbm>>)
    %dma_wait3A_247 = arith.constant 0 : i32
    %dma_wait3A_248 = arith.constant 0 : i32
    %dma_wait3A_249 = tpu.memref_slice %arg4[%arg0, %dma_wait3A_247, %dma_wait3A_248] : memref<2x10000x128xf32, #tpu.memory_space<hbm>> -> memref<1x10000x128xf32, #tpu.memory_space<hbm>>
    %dma_wait3A_250 = tpu.memref_squeeze %dma_wait3A_249 : memref<1x10000x128xf32, #tpu.memory_space<hbm>> -> memref<10000x128xf32, #tpu.memory_space<hbm>>
    %dma_wait3A_251 = arith.constant 0 : i32
    %dma_wait3A_252 = tpu.memref_slice %dma_wait3A_250[%mul3A_146, %dma_wait3A_251] : memref<10000x128xf32, #tpu.memory_space<hbm>> -> memref<80x128xf32, #tpu.memory_space<hbm>>
    %dma_wait3A_253 = arith.constant 0 : i32
    %dma_wait3A_254 = tpu.memref_slice %arg9[%mul3A_146, %dma_wait3A_253] : memref<10000x128xf32, #tpu.memory_space<vmem_shared>> -> memref<80x128xf32, #tpu.memory_space<vmem_shared>>
    tpu.wait_dma2 semaphore(%arg12 : memref<!tpu.dma_semaphore, #tpu.memory_space<semaphore_mem>>) src(%dma_wait3A_254 : memref<80x128xf32, #tpu.memory_space<vmem_shared>>) dst(%dma_wait3A_252 : memref<80x128xf32, #tpu.memory_space<hbm>>)
    %dma_wait3A_255 = arith.constant 0 : i32
    %dma_wait3A_256 = arith.constant 0 : i32
    %dma_wait3A_257 = tpu.memref_slice %arg4[%arg0, %dma_wait3A_255, %dma_wait3A_256] : memref<2x10000x128xf32, #tpu.memory_space<hbm>> -> memref<1x10000x128xf32, #tpu.memory_space<hbm>>
    %dma_wait3A_258 = tpu.memref_squeeze %dma_wait3A_257 : memref<1x10000x128xf32, #tpu.memory_space<hbm>> -> memref<10000x128xf32, #tpu.memory_space<hbm>>
    %dma_wait3A_259 = arith.constant 0 : i32
    %dma_wait3A_260 = tpu.memref_slice %dma_wait3A_258[%mul3A_160, %dma_wait3A_259] : memref<10000x128xf32, #tpu.memory_space<hbm>> -> memref<80x128xf32, #tpu.memory_space<hbm>>
    %dma_wait3A_261 = arith.constant 0 : i32
    %dma_wait3A_262 = tpu.memref_slice %arg9[%mul3A_160, %dma_wait3A_261] : memref<10000x128xf32, #tpu.memory_space<vmem_shared>> -> memref<80x128xf32, #tpu.memory_space<vmem_shared>>
    tpu.wait_dma2 semaphore(%arg12 : memref<!tpu.dma_semaphore, #tpu.memory_space<semaphore_mem>>) src(%dma_wait3A_262 : memref<80x128xf32, #tpu.memory_space<vmem_shared>>) dst(%dma_wait3A_260 : memref<80x128xf32, #tpu.memory_space<hbm>>)
    %dma_wait3A_263 = arith.constant 0 : i32
    %dma_wait3A_264 = arith.constant 0 : i32
    %dma_wait3A_265 = tpu.memref_slice %arg4[%arg0, %dma_wait3A_263, %dma_wait3A_264] : memref<2x10000x128xf32, #tpu.memory_space<hbm>> -> memref<1x10000x128xf32, #tpu.memory_space<hbm>>
    %dma_wait3A_266 = tpu.memref_squeeze %dma_wait3A_265 : memref<1x10000x128xf32, #tpu.memory_space<hbm>> -> memref<10000x128xf32, #tpu.memory_space<hbm>>
    %dma_wait3A_267 = arith.constant 0 : i32
    %dma_wait3A_268 = tpu.memref_slice %dma_wait3A_266[%mul3A_174, %dma_wait3A_267] : memref<10000x128xf32, #tpu.memory_space<hbm>> -> memref<80x128xf32, #tpu.memory_space<hbm>>
    %dma_wait3A_269 = arith.constant 0 : i32
    %dma_wait3A_270 = tpu.memref_slice %arg9[%mul3A_174, %dma_wait3A_269] : memref<10000x128xf32, #tpu.memory_space<vmem_shared>> -> memref<80x128xf32, #tpu.memory_space<vmem_shared>>
    tpu.wait_dma2 semaphore(%arg12 : memref<!tpu.dma_semaphore, #tpu.memory_space<semaphore_mem>>) src(%dma_wait3A_270 : memref<80x128xf32, #tpu.memory_space<vmem_shared>>) dst(%dma_wait3A_268 : memref<80x128xf32, #tpu.memory_space<hbm>>)
    %dma_wait3A_271 = arith.constant 0 : i32
    %dma_wait3A_272 = arith.constant 0 : i32
    %dma_wait3A_273 = tpu.memref_slice %arg4[%arg0, %dma_wait3A_271, %dma_wait3A_272] : memref<2x10000x128xf32, #tpu.memory_space<hbm>> -> memref<1x10000x128xf32, #tpu.memory_space<hbm>>
    %dma_wait3A_274 = tpu.memref_squeeze %dma_wait3A_273 : memref<1x10000x128xf32, #tpu.memory_space<hbm>> -> memref<10000x128xf32, #tpu.memory_space<hbm>>
    %dma_wait3A_275 = arith.constant 0 : i32
    %dma_wait3A_276 = tpu.memref_slice %dma_wait3A_274[%mul3A_188, %dma_wait3A_275] : memref<10000x128xf32, #tpu.memory_space<hbm>> -> memref<80x128xf32, #tpu.memory_space<hbm>>
    %dma_wait3A_277 = arith.constant 0 : i32
    %dma_wait3A_278 = tpu.memref_slice %arg9[%mul3A_188, %dma_wait3A_277] : memref<10000x128xf32, #tpu.memory_space<vmem_shared>> -> memref<80x128xf32, #tpu.memory_space<vmem_shared>>
    tpu.wait_dma2 semaphore(%arg12 : memref<!tpu.dma_semaphore, #tpu.memory_space<semaphore_mem>>) src(%dma_wait3A_278 : memref<80x128xf32, #tpu.memory_space<vmem_shared>>) dst(%dma_wait3A_276 : memref<80x128xf32, #tpu.memory_space<hbm>>)
    %dma_wait3A_279 = arith.constant 0 : i32
    %dma_wait3A_280 = arith.constant 0 : i32
    %dma_wait3A_281 = tpu.memref_slice %arg4[%arg0, %dma_wait3A_279, %dma_wait3A_280] : memref<2x10000x128xf32, #tpu.memory_space<hbm>> -> memref<1x10000x128xf32, #tpu.memory_space<hbm>>
    %dma_wait3A_282 = tpu.memref_squeeze %dma_wait3A_281 : memref<1x10000x128xf32, #tpu.memory_space<hbm>> -> memref<10000x128xf32, #tpu.memory_space<hbm>>
    %dma_wait3A_283 = arith.constant 0 : i32
    %dma_wait3A_284 = tpu.memref_slice %dma_wait3A_282[%mul3A_202, %dma_wait3A_283] : memref<10000x128xf32, #tpu.memory_space<hbm>> -> memref<80x128xf32, #tpu.memory_space<hbm>>
    %dma_wait3A_285 = arith.constant 0 : i32
    %dma_wait3A_286 = tpu.memref_slice %arg9[%mul3A_202, %dma_wait3A_285] : memref<10000x128xf32, #tpu.memory_space<vmem_shared>> -> memref<80x128xf32, #tpu.memory_space<vmem_shared>>
    tpu.wait_dma2 semaphore(%arg12 : memref<!tpu.dma_semaphore, #tpu.memory_space<semaphore_mem>>) src(%dma_wait3A_286 : memref<80x128xf32, #tpu.memory_space<vmem_shared>>) dst(%dma_wait3A_284 : memref<80x128xf32, #tpu.memory_space<hbm>>)
    %dma_wait3A_287 = arith.constant 0 : i32
    %dma_wait3A_288 = arith.constant 0 : i32
    %dma_wait3A_289 = tpu.memref_slice %arg4[%arg0, %dma_wait3A_287, %dma_wait3A_288] : memref<2x10000x128xf32, #tpu.memory_space<hbm>> -> memref<1x10000x128xf32, #tpu.memory_space<hbm>>
    %dma_wait3A_290 = tpu.memref_squeeze %dma_wait3A_289 : memref<1x10000x128xf32, #tpu.memory_space<hbm>> -> memref<10000x128xf32, #tpu.memory_space<hbm>>
    %dma_wait3A_291 = arith.constant 0 : i32
    %dma_wait3A_292 = tpu.memref_slice %dma_wait3A_290[%mul3A_216, %dma_wait3A_291] : memref<10000x128xf32, #tpu.memory_space<hbm>> -> memref<80x128xf32, #tpu.memory_space<hbm>>
    %dma_wait3A_293 = arith.constant 0 : i32
    %dma_wait3A_294 = tpu.memref_slice %arg9[%mul3A_216, %dma_wait3A_293] : memref<10000x128xf32, #tpu.memory_space<vmem_shared>> -> memref<80x128xf32, #tpu.memory_space<vmem_shared>>
    tpu.wait_dma2 semaphore(%arg12 : memref<!tpu.dma_semaphore, #tpu.memory_space<semaphore_mem>>) src(%dma_wait3A_294 : memref<80x128xf32, #tpu.memory_space<vmem_shared>>) dst(%dma_wait3A_292 : memref<80x128xf32, #tpu.memory_space<hbm>>)
    %dma_wait3A_295 = arith.constant 0 : i32
    %dma_wait3A_296 = arith.constant 0 : i32
    %dma_wait3A_297 = tpu.memref_slice %arg4[%arg0, %dma_wait3A_295, %dma_wait3A_296] : memref<2x10000x128xf32, #tpu.memory_space<hbm>> -> memref<1x10000x128xf32, #tpu.memory_space<hbm>>
    %dma_wait3A_298 = tpu.memref_squeeze %dma_wait3A_297 : memref<1x10000x128xf32, #tpu.memory_space<hbm>> -> memref<10000x128xf32, #tpu.memory_space<hbm>>
    %dma_wait3A_299 = arith.constant 0 : i32
    %dma_wait3A_300 = tpu.memref_slice %dma_wait3A_298[%mul3A_230, %dma_wait3A_299] : memref<10000x128xf32, #tpu.memory_space<hbm>> -> memref<80x128xf32, #tpu.memory_space<hbm>>
    %dma_wait3A_301 = arith.constant 0 : i32
    %dma_wait3A_302 = tpu.memref_slice %arg9[%mul3A_230, %dma_wait3A_301] : memref<10000x128xf32, #tpu.memory_space<vmem_shared>> -> memref<80x128xf32, #tpu.memory_space<vmem_shared>>
    tpu.wait_dma2 semaphore(%arg12 : memref<!tpu.dma_semaphore, #tpu.memory_space<semaphore_mem>>) src(%dma_wait3A_302 : memref<80x128xf32, #tpu.memory_space<vmem_shared>>) dst(%dma_wait3A_300 : memref<80x128xf32, #tpu.memory_space<hbm>>)
    return
  }
}

module attributes {stable_mosaic.version = 14 : i64} {
  func.func @_linear_pad_body(%arg0: i32, %arg1: memref<1000x128xf32, #tpu.memory_space<vmem>>, %arg2: memref<128x128xf32, #tpu.memory_space<vmem>>, %arg3: memref<1x128xf32, #tpu.memory_space<vmem>>, %arg4: memref<1000x128xf32, #tpu.memory_space<vmem>>) attributes {dimension_semantics = [#tpu.dimension_semantics<arbitrary>], iteration_bounds = array<i64: 11>, scalar_prefetch = 0 : i64, scratch_operands = 0 : i64, tpu.core_type = #tpu.core_type<tc>, window_params = [{transform_indices = @transform_0, window_bounds = array<i64: 1000, 128>}, {pipeline_mode = #tpu.pipeline_mode<synchronous>, transform_indices = @transform_1, window_bounds = array<i64: 128, 128>}, {pipeline_mode = #tpu.pipeline_mode<synchronous>, transform_indices = @transform_2, window_bounds = array<i64: 1, 128>}, {transform_indices = @transform_3, window_bounds = array<i64: 1000, 128>}]} {
    %lt3A = arith.constant 10 : i32
    %lt3A_0 = arith.cmpi slt, %arg0, %lt3A : i32
    %convert_element_type3A = arith.extui %lt3A_0 : i1 to i32
    %cond3A = arith.constant 0 : i32
    %cond3A_1 = arith.cmpi ne, %convert_element_type3A, %cond3A : i32
    scf.if %cond3A_1 {
      %get3A = arith.constant 0 : index
      %get3A_6 = arith.constant 0 : index
      %get3A_7 = vector.load %arg1[%get3A, %get3A_6] : memref<1000x128xf32, #tpu.memory_space<vmem>>, vector<1000x128xf32>
      %get3A_8 = arith.constant 0 : index
      %get3A_9 = arith.constant 0 : index
      %get3A_10 = vector.load %arg2[%get3A_8, %get3A_9] : memref<128x128xf32, #tpu.memory_space<vmem>>, vector<128x128xf32>
      %dot_general3A = arith.constant dense<0.000000e+00> : vector<1000x128xf32>
      %dot_general3A_11 = tpu.matmul %get3A_7, %get3A_10, %dot_general3A {dimension_numbers = #tpu.dot_dimension_numbers<[1], [0], [0], [1], [0, 0, 1, 1], [], []>, transpose_lhs_hint = false} : vector<1000x128xf32>, vector<128x128xf32>, vector<1000x128xf32> -> vector<1000x128xf32>
      %get3A_12 = arith.constant 0 : index
      %get3A_13 = arith.constant 0 : index
      %get3A_14 = vector.load %arg3[%get3A_12, %get3A_13] : memref<1x128xf32, #tpu.memory_space<vmem>>, vector<1x128xf32>
      %add3A = vector.broadcast %get3A_14 : vector<1x128xf32> to vector<1000x128xf32>
      %add3A_15 = arith.addf %dot_general3A_11, %add3A : vector<1000x128xf32>
      %swap3A = arith.constant 0 : index
      %swap3A_16 = arith.constant 0 : index
      %swap3A_17 = vector.load %arg4[%swap3A, %swap3A_16] : memref<1000x128xf32, #tpu.memory_space<vmem>>, vector<1000x128xf32>
      tpu.vector_store %arg4[%swap3A, %swap3A_16], %add3A_15 {strides = array<i32>} : memref<1000x128xf32, #tpu.memory_space<vmem>>, vector<1000x128xf32>,
    } else {
    }
    %ge3A = arith.constant 10 : i32
    %ge3A_2 = arith.cmpi sge, %arg0, %ge3A : i32
    %convert_element_type3A_3 = arith.extui %ge3A_2 : i1 to i32
    %cond3A_4 = arith.constant 0 : i32
    %cond3A_5 = arith.cmpi ne, %convert_element_type3A_3, %cond3A_4 : i32
    scf.if %cond3A_5 {
      %broadcast_in_dim3A = arith.constant 0.000000e+00 : f32
      %broadcast_in_dim3A_6 = vector.broadcast %broadcast_in_dim3A : f32 to vector<1000x128xf32>
      %swap3A = arith.constant 0 : index
      %swap3A_7 = arith.constant 0 : index
      %swap3A_8 = vector.load %arg4[%swap3A, %swap3A_7] : memref<1000x128xf32, #tpu.memory_space<vmem>>, vector<1000x128xf32>
      tpu.vector_store %arg4[%swap3A, %swap3A_7], %broadcast_in_dim3A_6 {strides = array<i32>} : memref<1000x128xf32, #tpu.memory_space<vmem>>, vector<1000x128xf32>,
    } else {
    }
    return
  }
  func.func @transform_0(%arg0: i32) -> (i32, i32) {
    %min3A = arith.constant 9 : i32
    %min3A_0 = arith.minsi %arg0, %min3A : i32
    %c0_i32 = arith.constant 0 : i32
    %c0_i32_1 = arith.constant 0 : i32
    return %min3A_0, %c0_i32 : i32, i32
  }
  func.func @transform_1(%arg0: i32) -> (i32, i32) {
    %c0_i32 = arith.constant 0 : i32
    %c0_i32_0 = arith.constant 0 : i32
    %c0_i32_1 = arith.constant 0 : i32
    return %c0_i32, %c0_i32_0 : i32, i32
  }
  func.func @transform_2(%arg0: i32) -> (i32, i32) {
    %c0_i32 = arith.constant 0 : i32
    %c0_i32_0 = arith.constant 0 : i32
    %c0_i32_1 = arith.constant 0 : i32
    return %c0_i32, %c0_i32_0 : i32, i32
  }
  func.func @transform_3(%arg0: i32) -> (i32, i32) {
    %c0_i32 = arith.constant 0 : i32
    %c0_i32_0 = arith.constant 0 : i32
    return %arg0, %c0_i32 : i32, i32
  }
}

module attributes {stable_mosaic.version = 14 : i64} {
  func.func @_boundary_body(%arg0: i32, %arg1: memref<2x1000x128xf32, #tpu.memory_space<vmem>>, %arg2: memref<1000x128xf32, #tpu.memory_space<vmem>>, %arg3: memref<128x384xf32, #tpu.memory_space<vmem>>, %arg4: memref<128x384xf32, #tpu.memory_space<vmem>>, %arg5: memref<1x384xf32, #tpu.memory_space<vmem>>, %arg6: memref<1x384xf32, #tpu.memory_space<vmem>>, %arg7: memref<128x128xf32, #tpu.memory_space<vmem>>, %arg8: memref<1x128xf32, #tpu.memory_space<vmem>>, %arg9: memref<1000x128xf32, #tpu.memory_space<vmem>>, %arg10: memref<1000x128xf32, #tpu.memory_space<vmem>>) attributes {dimension_semantics = [#tpu.dimension_semantics<arbitrary>], iteration_bounds = array<i64: 11>, scalar_prefetch = 0 : i64, scratch_operands = 0 : i64, tpu.core_type = #tpu.core_type<tc>, window_params = [{transform_indices = @transform_0, window_bounds = array<i64: 2, 1000, 128>}, {transform_indices = @transform_1, window_bounds = array<i64: 1000, 128>}, {pipeline_mode = #tpu.pipeline_mode<synchronous>, transform_indices = @transform_2, window_bounds = array<i64: 128, 384>}, {pipeline_mode = #tpu.pipeline_mode<synchronous>, transform_indices = @transform_3, window_bounds = array<i64: 128, 384>}, {pipeline_mode = #tpu.pipeline_mode<synchronous>, transform_indices = @transform_4, window_bounds = array<i64: 1, 384>}, {pipeline_mode = #tpu.pipeline_mode<synchronous>, transform_indices = @transform_5, window_bounds = array<i64: 1, 384>}, {pipeline_mode = #tpu.pipeline_mode<synchronous>, transform_indices = @transform_6, window_bounds = array<i64: 128, 128>}, {pipeline_mode = #tpu.pipeline_mode<synchronous>, transform_indices = @transform_7, window_bounds = array<i64: 1, 128>}, {transform_indices = @transform_8, window_bounds = array<i64: 1000, 128>}, {transform_indices = @transform_9, window_bounds = array<i64: 1000, 128>}]} {
    %get3A = arith.constant 0 : index
    %get3A_0 = arith.constant 0 : index
    %get3A_1 = vector.load %arg2[%get3A, %get3A_0] : memref<1000x128xf32, #tpu.memory_space<vmem>>, vector<1000x128xf32>
    %get3A_2 = arith.constant 0 : index
    %get3A_3 = arith.constant 0 : index
    %get3A_4 = arith.constant 0 : index
    %get3A_5 = vector.load %arg1[%get3A_2, %get3A_3, %get3A_4] : memref<2x1000x128xf32, #tpu.memory_space<vmem>>, vector<1x1000x128xf32>
    %get3A_6 = vector.shape_cast %get3A_5 : vector<1x1000x128xf32> to vector<1000x128xf32>
    %get3A_7 = arith.constant 1 : index
    %get3A_8 = arith.constant 0 : index
    %get3A_9 = arith.constant 0 : index
    %get3A_10 = vector.load %arg1[%get3A_7, %get3A_8, %get3A_9] : memref<2x1000x128xf32, #tpu.memory_space<vmem>>, vector<1x1000x128xf32>
    %get3A_11 = vector.shape_cast %get3A_10 : vector<1x1000x128xf32> to vector<1000x128xf32>
    %add3A = arith.addf %get3A_6, %get3A_11 : vector<1000x128xf32>
    %get3A_12 = arith.constant 0 : index
    %get3A_13 = arith.constant 0 : index
    %get3A_14 = vector.load %arg3[%get3A_12, %get3A_13] : memref<128x384xf32, #tpu.memory_space<vmem>>, vector<128x384xf32>
    %dot_general3A = arith.constant dense<0.000000e+00> : vector<1000x384xf32>
    %dot_general3A_15 = tpu.matmul %add3A, %get3A_14, %dot_general3A {dimension_numbers = #tpu.dot_dimension_numbers<[1], [0], [0], [1], [0, 0, 1, 1], [], []>, transpose_lhs_hint = false} : vector<1000x128xf32>, vector<128x384xf32>, vector<1000x384xf32> -> vector<1000x384xf32>
    %get3A_16 = arith.constant 0 : index
    %get3A_17 = arith.constant 0 : index
    %get3A_18 = vector.load %arg5[%get3A_16, %get3A_17] : memref<1x384xf32, #tpu.memory_space<vmem>>, vector<1x384xf32>
    %add3A_19 = vector.broadcast %get3A_18 : vector<1x384xf32> to vector<1000x384xf32>
    %add3A_20 = arith.addf %dot_general3A_15, %add3A_19 : vector<1000x384xf32>
    %get3A_21 = arith.constant 0 : index
    %get3A_22 = arith.constant 0 : index
    %get3A_23 = vector.load %arg4[%get3A_21, %get3A_22] : memref<128x384xf32, #tpu.memory_space<vmem>>, vector<128x384xf32>
    %dot_general3A_24 = arith.constant dense<0.000000e+00> : vector<1000x384xf32>
    %dot_general3A_25 = tpu.matmul %get3A_1, %get3A_23, %dot_general3A_24 {dimension_numbers = #tpu.dot_dimension_numbers<[1], [0], [0], [1], [0, 0, 1, 1], [], []>, transpose_lhs_hint = false} : vector<1000x128xf32>, vector<128x384xf32>, vector<1000x384xf32> -> vector<1000x384xf32>
    %get3A_26 = arith.constant 0 : index
    %get3A_27 = arith.constant 0 : index
    %get3A_28 = vector.load %arg6[%get3A_26, %get3A_27] : memref<1x384xf32, #tpu.memory_space<vmem>>, vector<1x384xf32>
    %add3A_29 = vector.broadcast %get3A_28 : vector<1x384xf32> to vector<1000x384xf32>
    %add3A_30 = arith.addf %dot_general3A_25, %add3A_29 : vector<1000x384xf32>
    %slice3A = vector.extract_strided_slice %add3A_20 {offsets = [0, 0], sizes = [1000, 128], strides = [1, 1]} : vector<1000x384xf32> to vector<1000x128xf32>
    %slice3A_31 = vector.extract_strided_slice %add3A_30 {offsets = [0, 0], sizes = [1000, 128], strides = [1, 1]} : vector<1000x384xf32> to vector<1000x128xf32>
    %add3A_32 = arith.addf %slice3A, %slice3A_31 : vector<1000x128xf32>
    %logistic3A = arith.negf %add3A_32 : vector<1000x128xf32>
    %logistic3A_33 = math.exp %logistic3A : vector<1000x128xf32>
    %logistic3A_34 = arith.constant 1.000000e+00 : f32
    %logistic3A_35 = vector.broadcast %logistic3A_34 : f32 to vector<1000x128xf32>
    %logistic3A_36 = arith.addf %logistic3A_35, %logistic3A_33 : vector<1000x128xf32>
    %logistic3A_37 = arith.divf %logistic3A_35, %logistic3A_36 : vector<1000x128xf32>
    %slice3A_38 = vector.extract_strided_slice %add3A_20 {offsets = [0, 128], sizes = [1000, 128], strides = [1, 1]} : vector<1000x384xf32> to vector<1000x128xf32>
    %slice3A_39 = vector.extract_strided_slice %add3A_30 {offsets = [0, 128], sizes = [1000, 128], strides = [1, 1]} : vector<1000x384xf32> to vector<1000x128xf32>
    %add3A_40 = arith.addf %slice3A_38, %slice3A_39 : vector<1000x128xf32>
    %logistic3A_41 = arith.negf %add3A_40 : vector<1000x128xf32>
    %logistic3A_42 = math.exp %logistic3A_41 : vector<1000x128xf32>
    %logistic3A_43 = arith.constant 1.000000e+00 : f32
    %logistic3A_44 = vector.broadcast %logistic3A_43 : f32 to vector<1000x128xf32>
    %logistic3A_45 = arith.addf %logistic3A_44, %logistic3A_42 : vector<1000x128xf32>
    %logistic3A_46 = arith.divf %logistic3A_44, %logistic3A_45 : vector<1000x128xf32>
    %slice3A_47 = vector.extract_strided_slice %add3A_20 {offsets = [0, 256], sizes = [1000, 128], strides = [1, 1]} : vector<1000x384xf32> to vector<1000x128xf32>
    %slice3A_48 = vector.extract_strided_slice %add3A_30 {offsets = [0, 256], sizes = [1000, 128], strides = [1, 1]} : vector<1000x384xf32> to vector<1000x128xf32>
    %mul3A = arith.mulf %logistic3A_37, %slice3A_48 : vector<1000x128xf32>
    %add3A_49 = arith.addf %slice3A_47, %mul3A : vector<1000x128xf32>
    %tanh3A = math.tanh %add3A_49 : vector<1000x128xf32>
    %sub3A = arith.constant 1.000000e+00 : f32
    %sub3A_50 = vector.broadcast %sub3A : f32 to vector<1000x128xf32>
    %sub3A_51 = arith.subf %sub3A_50, %logistic3A_46 : vector<1000x128xf32>
    %mul3A_52 = arith.mulf %sub3A_51, %tanh3A : vector<1000x128xf32>
    %mul3A_53 = arith.mulf %logistic3A_46, %get3A_1 : vector<1000x128xf32>
    %add3A_54 = arith.addf %mul3A_52, %mul3A_53 : vector<1000x128xf32>
    %swap3A = arith.constant 0 : index
    %swap3A_55 = arith.constant 0 : index
    %swap3A_56 = vector.load %arg9[%swap3A, %swap3A_55] : memref<1000x128xf32, #tpu.memory_space<vmem>>, vector<1000x128xf32>
    tpu.vector_store %arg9[%swap3A, %swap3A_55], %add3A_54 {strides = array<i32>} : memref<1000x128xf32, #tpu.memory_space<vmem>>, vector<1000x128xf32>,
    %lt3A = arith.constant 10 : i32
    %lt3A_57 = arith.cmpi slt, %arg0, %lt3A : i32
    %convert_element_type3A = arith.extui %lt3A_57 : i1 to i32
    %cond3A = arith.constant 0 : i32
    %cond3A_58 = arith.cmpi ne, %convert_element_type3A, %cond3A : i32
    scf.if %cond3A_58 {
      %get3A_63 = arith.constant 0 : index
      %get3A_64 = arith.constant 0 : index
      %get3A_65 = vector.load %arg7[%get3A_63, %get3A_64] : memref<128x128xf32, #tpu.memory_space<vmem>>, vector<128x128xf32>
      %dot_general3A_66 = arith.constant dense<0.000000e+00> : vector<1000x128xf32>
      %dot_general3A_67 = tpu.matmul %add3A_54, %get3A_65, %dot_general3A_66 {dimension_numbers = #tpu.dot_dimension_numbers<[1], [0], [0], [1], [0, 0, 1, 1], [], []>, transpose_lhs_hint = false} : vector<1000x128xf32>, vector<128x128xf32>, vector<1000x128xf32> -> vector<1000x128xf32>
      %get3A_68 = arith.constant 0 : index
      %get3A_69 = arith.constant 0 : index
      %get3A_70 = vector.load %arg8[%get3A_68, %get3A_69] : memref<1x128xf32, #tpu.memory_space<vmem>>, vector<1x128xf32>
      %add3A_71 = vector.broadcast %get3A_70 : vector<1x128xf32> to vector<1000x128xf32>
      %add3A_72 = arith.addf %dot_general3A_67, %add3A_71 : vector<1000x128xf32>
      %swap3A_73 = arith.constant 0 : index
      %swap3A_74 = arith.constant 0 : index
      %swap3A_75 = vector.load %arg10[%swap3A_73, %swap3A_74] : memref<1000x128xf32, #tpu.memory_space<vmem>>, vector<1000x128xf32>
      tpu.vector_store %arg10[%swap3A_73, %swap3A_74], %add3A_72 {strides = array<i32>} : memref<1000x128xf32, #tpu.memory_space<vmem>>, vector<1000x128xf32>,
    } else {
    }
    %ge3A = arith.constant 10 : i32
    %ge3A_59 = arith.cmpi sge, %arg0, %ge3A : i32
    %convert_element_type3A_60 = arith.extui %ge3A_59 : i1 to i32
    %cond3A_61 = arith.constant 0 : i32
    %cond3A_62 = arith.cmpi ne, %convert_element_type3A_60, %cond3A_61 : i32
    scf.if %cond3A_62 {
      %broadcast_in_dim3A = arith.constant 0.000000e+00 : f32
      %broadcast_in_dim3A_63 = vector.broadcast %broadcast_in_dim3A : f32 to vector<1000x128xf32>
      %swap3A_64 = arith.constant 0 : index
      %swap3A_65 = arith.constant 0 : index
      %swap3A_66 = vector.load %arg10[%swap3A_64, %swap3A_65] : memref<1000x128xf32, #tpu.memory_space<vmem>>, vector<1000x128xf32>
      tpu.vector_store %arg10[%swap3A_64, %swap3A_65], %broadcast_in_dim3A_63 {strides = array<i32>} : memref<1000x128xf32, #tpu.memory_space<vmem>>, vector<1000x128xf32>,
    } else {
    }
    return
  }
  func.func @transform_0(%arg0: i32) -> (i32, i32, i32) {
    %min3A = arith.constant 9 : i32
    %min3A_0 = arith.minsi %arg0, %min3A : i32
    %c0_i32 = arith.constant 0 : i32
    %c0_i32_1 = arith.constant 0 : i32
    %c0_i32_2 = arith.constant 0 : i32
    return %c0_i32, %min3A_0, %c0_i32_1 : i32, i32, i32
  }
  func.func @transform_1(%arg0: i32) -> (i32, i32) {
    %min3A = arith.constant 9 : i32
    %min3A_0 = arith.minsi %arg0, %min3A : i32
    %c0_i32 = arith.constant 0 : i32
    %c0_i32_1 = arith.constant 0 : i32
    return %min3A_0, %c0_i32 : i32, i32
  }
  func.func @transform_2(%arg0: i32) -> (i32, i32) {
    %c0_i32 = arith.constant 0 : i32
    %c0_i32_0 = arith.constant 0 : i32
    %c0_i32_1 = arith.constant 0 : i32
    return %c0_i32, %c0_i32_0 : i32, i32
  }
  func.func @transform_3(%arg0: i32) -> (i32, i32) {
    %c0_i32 = arith.constant 0 : i32
    %c0_i32_0 = arith.constant 0 : i32
    %c0_i32_1 = arith.constant 0 : i32
    return %c0_i32, %c0_i32_0 : i32, i32
  }
  func.func @transform_4(%arg0: i32) -> (i32, i32) {
    %c0_i32 = arith.constant 0 : i32
    %c0_i32_0 = arith.constant 0 : i32
    %c0_i32_1 = arith.constant 0 : i32
    return %c0_i32, %c0_i32_0 : i32, i32
  }
  func.func @transform_5(%arg0: i32) -> (i32, i32) {
    %c0_i32 = arith.constant 0 : i32
    %c0_i32_0 = arith.constant 0 : i32
    %c0_i32_1 = arith.constant 0 : i32
    return %c0_i32, %c0_i32_0 : i32, i32
  }
  func.func @transform_6(%arg0: i32) -> (i32, i32) {
    %c0_i32 = arith.constant 0 : i32
    %c0_i32_0 = arith.constant 0 : i32
    %c0_i32_1 = arith.constant 0 : i32
    return %c0_i32, %c0_i32_0 : i32, i32
  }
  func.func @transform_7(%arg0: i32) -> (i32, i32) {
    %c0_i32 = arith.constant 0 : i32
    %c0_i32_0 = arith.constant 0 : i32
    %c0_i32_1 = arith.constant 0 : i32
    return %c0_i32, %c0_i32_0 : i32, i32
  }
  func.func @transform_8(%arg0: i32) -> (i32, i32) {
    %min3A = arith.constant 9 : i32
    %min3A_0 = arith.minsi %arg0, %min3A : i32
    %c0_i32 = arith.constant 0 : i32
    %c0_i32_1 = arith.constant 0 : i32
    return %min3A_0, %c0_i32 : i32, i32
  }
  func.func @transform_9(%arg0: i32) -> (i32, i32) {
    %c0_i32 = arith.constant 0 : i32
    %c0_i32_0 = arith.constant 0 : i32
    return %arg0, %c0_i32 : i32, i32
  }
}

module attributes {stable_mosaic.version = 14 : i64} {
  func.func @_gru_body(%arg0: i32, %arg1: memref<2x1000x128xf32, #tpu.memory_space<vmem>>, %arg2: memref<1000x128xf32, #tpu.memory_space<vmem>>, %arg3: memref<128x384xf32, #tpu.memory_space<vmem>>, %arg4: memref<128x384xf32, #tpu.memory_space<vmem>>, %arg5: memref<1x384xf32, #tpu.memory_space<vmem>>, %arg6: memref<1x384xf32, #tpu.memory_space<vmem>>, %arg7: memref<1000x128xf32, #tpu.memory_space<vmem>>) attributes {dimension_semantics = [#tpu.dimension_semantics<arbitrary>], iteration_bounds = array<i64: 10>, scalar_prefetch = 0 : i64, scratch_operands = 0 : i64, tpu.core_type = #tpu.core_type<tc>, window_params = [{transform_indices = @transform_0, window_bounds = array<i64: 2, 1000, 128>}, {transform_indices = @transform_1, window_bounds = array<i64: 1000, 128>}, {pipeline_mode = #tpu.pipeline_mode<synchronous>, transform_indices = @transform_2, window_bounds = array<i64: 128, 384>}, {pipeline_mode = #tpu.pipeline_mode<synchronous>, transform_indices = @transform_3, window_bounds = array<i64: 128, 384>}, {pipeline_mode = #tpu.pipeline_mode<synchronous>, transform_indices = @transform_4, window_bounds = array<i64: 1, 384>}, {pipeline_mode = #tpu.pipeline_mode<synchronous>, transform_indices = @transform_5, window_bounds = array<i64: 1, 384>}, {transform_indices = @transform_6, window_bounds = array<i64: 1000, 128>}]} {
    %get3A = arith.constant 0 : index
    %get3A_0 = arith.constant 0 : index
    %get3A_1 = vector.load %arg2[%get3A, %get3A_0] : memref<1000x128xf32, #tpu.memory_space<vmem>>, vector<1000x128xf32>
    %get3A_2 = arith.constant 0 : index
    %get3A_3 = arith.constant 0 : index
    %get3A_4 = arith.constant 0 : index
    %get3A_5 = vector.load %arg1[%get3A_2, %get3A_3, %get3A_4] : memref<2x1000x128xf32, #tpu.memory_space<vmem>>, vector<1x1000x128xf32>
    %get3A_6 = vector.shape_cast %get3A_5 : vector<1x1000x128xf32> to vector<1000x128xf32>
    %get3A_7 = arith.constant 1 : index
    %get3A_8 = arith.constant 0 : index
    %get3A_9 = arith.constant 0 : index
    %get3A_10 = vector.load %arg1[%get3A_7, %get3A_8, %get3A_9] : memref<2x1000x128xf32, #tpu.memory_space<vmem>>, vector<1x1000x128xf32>
    %get3A_11 = vector.shape_cast %get3A_10 : vector<1x1000x128xf32> to vector<1000x128xf32>
    %add3A = arith.addf %get3A_6, %get3A_11 : vector<1000x128xf32>
    %get3A_12 = arith.constant 0 : index
    %get3A_13 = arith.constant 0 : index
    %get3A_14 = vector.load %arg3[%get3A_12, %get3A_13] : memref<128x384xf32, #tpu.memory_space<vmem>>, vector<128x384xf32>
    %dot_general3A = arith.constant dense<0.000000e+00> : vector<1000x384xf32>
    %dot_general3A_15 = tpu.matmul %add3A, %get3A_14, %dot_general3A {dimension_numbers = #tpu.dot_dimension_numbers<[1], [0], [0], [1], [0, 0, 1, 1], [], []>, transpose_lhs_hint = false} : vector<1000x128xf32>, vector<128x384xf32>, vector<1000x384xf32> -> vector<1000x384xf32>
    %get3A_16 = arith.constant 0 : index
    %get3A_17 = arith.constant 0 : index
    %get3A_18 = vector.load %arg5[%get3A_16, %get3A_17] : memref<1x384xf32, #tpu.memory_space<vmem>>, vector<1x384xf32>
    %add3A_19 = vector.broadcast %get3A_18 : vector<1x384xf32> to vector<1000x384xf32>
    %add3A_20 = arith.addf %dot_general3A_15, %add3A_19 : vector<1000x384xf32>
    %get3A_21 = arith.constant 0 : index
    %get3A_22 = arith.constant 0 : index
    %get3A_23 = vector.load %arg4[%get3A_21, %get3A_22] : memref<128x384xf32, #tpu.memory_space<vmem>>, vector<128x384xf32>
    %dot_general3A_24 = arith.constant dense<0.000000e+00> : vector<1000x384xf32>
    %dot_general3A_25 = tpu.matmul %get3A_1, %get3A_23, %dot_general3A_24 {dimension_numbers = #tpu.dot_dimension_numbers<[1], [0], [0], [1], [0, 0, 1, 1], [], []>, transpose_lhs_hint = false} : vector<1000x128xf32>, vector<128x384xf32>, vector<1000x384xf32> -> vector<1000x384xf32>
    %get3A_26 = arith.constant 0 : index
    %get3A_27 = arith.constant 0 : index
    %get3A_28 = vector.load %arg6[%get3A_26, %get3A_27] : memref<1x384xf32, #tpu.memory_space<vmem>>, vector<1x384xf32>
    %add3A_29 = vector.broadcast %get3A_28 : vector<1x384xf32> to vector<1000x384xf32>
    %add3A_30 = arith.addf %dot_general3A_25, %add3A_29 : vector<1000x384xf32>
    %slice3A = vector.extract_strided_slice %add3A_20 {offsets = [0, 0], sizes = [1000, 128], strides = [1, 1]} : vector<1000x384xf32> to vector<1000x128xf32>
    %slice3A_31 = vector.extract_strided_slice %add3A_30 {offsets = [0, 0], sizes = [1000, 128], strides = [1, 1]} : vector<1000x384xf32> to vector<1000x128xf32>
    %add3A_32 = arith.addf %slice3A, %slice3A_31 : vector<1000x128xf32>
    %logistic3A = arith.negf %add3A_32 : vector<1000x128xf32>
    %logistic3A_33 = math.exp %logistic3A : vector<1000x128xf32>
    %logistic3A_34 = arith.constant 1.000000e+00 : f32
    %logistic3A_35 = vector.broadcast %logistic3A_34 : f32 to vector<1000x128xf32>
    %logistic3A_36 = arith.addf %logistic3A_35, %logistic3A_33 : vector<1000x128xf32>
    %logistic3A_37 = arith.divf %logistic3A_35, %logistic3A_36 : vector<1000x128xf32>
    %slice3A_38 = vector.extract_strided_slice %add3A_20 {offsets = [0, 128], sizes = [1000, 128], strides = [1, 1]} : vector<1000x384xf32> to vector<1000x128xf32>
    %slice3A_39 = vector.extract_strided_slice %add3A_30 {offsets = [0, 128], sizes = [1000, 128], strides = [1, 1]} : vector<1000x384xf32> to vector<1000x128xf32>
    %add3A_40 = arith.addf %slice3A_38, %slice3A_39 : vector<1000x128xf32>
    %logistic3A_41 = arith.negf %add3A_40 : vector<1000x128xf32>
    %logistic3A_42 = math.exp %logistic3A_41 : vector<1000x128xf32>
    %logistic3A_43 = arith.constant 1.000000e+00 : f32
    %logistic3A_44 = vector.broadcast %logistic3A_43 : f32 to vector<1000x128xf32>
    %logistic3A_45 = arith.addf %logistic3A_44, %logistic3A_42 : vector<1000x128xf32>
    %logistic3A_46 = arith.divf %logistic3A_44, %logistic3A_45 : vector<1000x128xf32>
    %slice3A_47 = vector.extract_strided_slice %add3A_20 {offsets = [0, 256], sizes = [1000, 128], strides = [1, 1]} : vector<1000x384xf32> to vector<1000x128xf32>
    %slice3A_48 = vector.extract_strided_slice %add3A_30 {offsets = [0, 256], sizes = [1000, 128], strides = [1, 1]} : vector<1000x384xf32> to vector<1000x128xf32>
    %mul3A = arith.mulf %logistic3A_37, %slice3A_48 : vector<1000x128xf32>
    %add3A_49 = arith.addf %slice3A_47, %mul3A : vector<1000x128xf32>
    %tanh3A = math.tanh %add3A_49 : vector<1000x128xf32>
    %sub3A = arith.constant 1.000000e+00 : f32
    %sub3A_50 = vector.broadcast %sub3A : f32 to vector<1000x128xf32>
    %sub3A_51 = arith.subf %sub3A_50, %logistic3A_46 : vector<1000x128xf32>
    %mul3A_52 = arith.mulf %sub3A_51, %tanh3A : vector<1000x128xf32>
    %mul3A_53 = arith.mulf %logistic3A_46, %get3A_1 : vector<1000x128xf32>
    %add3A_54 = arith.addf %mul3A_52, %mul3A_53 : vector<1000x128xf32>
    %swap3A = arith.constant 0 : index
    %swap3A_55 = arith.constant 0 : index
    %swap3A_56 = vector.load %arg7[%swap3A, %swap3A_55] : memref<1000x128xf32, #tpu.memory_space<vmem>>, vector<1000x128xf32>
    tpu.vector_store %arg7[%swap3A, %swap3A_55], %add3A_54 {strides = array<i32>} : memref<1000x128xf32, #tpu.memory_space<vmem>>, vector<1000x128xf32>,
    return
  }
  func.func @transform_0(%arg0: i32) -> (i32, i32, i32) {
    %c0_i32 = arith.constant 0 : i32
    %c0_i32_0 = arith.constant 0 : i32
    %c0_i32_1 = arith.constant 0 : i32
    return %c0_i32, %arg0, %c0_i32_0 : i32, i32, i32
  }
  func.func @transform_1(%arg0: i32) -> (i32, i32) {
    %c0_i32 = arith.constant 0 : i32
    %c0_i32_0 = arith.constant 0 : i32
    return %arg0, %c0_i32 : i32, i32
  }
  func.func @transform_2(%arg0: i32) -> (i32, i32) {
    %c0_i32 = arith.constant 0 : i32
    %c0_i32_0 = arith.constant 0 : i32
    %c0_i32_1 = arith.constant 0 : i32
    return %c0_i32, %c0_i32_0 : i32, i32
  }
  func.func @transform_3(%arg0: i32) -> (i32, i32) {
    %c0_i32 = arith.constant 0 : i32
    %c0_i32_0 = arith.constant 0 : i32
    %c0_i32_1 = arith.constant 0 : i32
    return %c0_i32, %c0_i32_0 : i32, i32
  }
  func.func @transform_4(%arg0: i32) -> (i32, i32) {
    %c0_i32 = arith.constant 0 : i32
    %c0_i32_0 = arith.constant 0 : i32
    %c0_i32_1 = arith.constant 0 : i32
    return %c0_i32, %c0_i32_0 : i32, i32
  }
  func.func @transform_5(%arg0: i32) -> (i32, i32) {
    %c0_i32 = arith.constant 0 : i32
    %c0_i32_0 = arith.constant 0 : i32
    %c0_i32_1 = arith.constant 0 : i32
    return %c0_i32, %c0_i32_0 : i32, i32
  }
  func.func @transform_6(%arg0: i32) -> (i32, i32) {
    %c0_i32 = arith.constant 0 : i32
    %c0_i32_0 = arith.constant 0 : i32
    return %arg0, %c0_i32 : i32, i32
  }
}

</mosaic_0001>

<sc_bundles>
// kernel: kernel.12.cloned.1.call-start
scs
__scs_entry_jumppad:
0x0: {  	(pc) =	sbr.rel $0x88, $3  }
0x1: {  	(tag) =	ssettag $0x0;
	lr =	simm.s32 $0x1  }
0x2: {  	[smem:$0x3F99] =	sst lr;
	_ =	strace $0xD0000000  }
0x3: {  	_ = 	snop  }
0x4: {  	_ = 	snop  }
0x5: {  	_ = 	snop  }
0x6: {  	_ = 	snop  }
0x7: {  	_ = 	snop  }
__scs_overlays_trampoline_lowered:
0x8: {  	[smem:$0x3FA8] =	sst s0  }
0x9: {  	[smem:$0x3FA9] =	sst s1  }
0xa: {  	[smem:$0x3FAA] =	sst s2  }
0xb: {  	[smem:$0x3FAB] =	sst s3  }
0xc: {  	[smem:$0x3FAC] =	sst s4  }
0xd: {  	[smem:$0x3FAD] =	sst s5  }
0xe: {  	[smem:$0x3FAE] =	sst s6  }
0xf: {  	[smem:$0x3FAF] =	sst s7  }
0x10: {  	[smem:$0x3FB0] =	sst s8  }
0x11: {  	[smem:$0x3FB1] =	sst s9;
	s0 =	simm.s32 @!p0 $0x0  }
0x12: {  	s1 =	sld [smem:$0x3F97];
	s0 =	simm.s32 @p0 $0x1  }
0x13: {  	[smem:$0x3FB2] =	sst s0;
	s0 =	simm.s32 @!p1 $0x0  }
0x14: {  	s2 =	sld [smem:$0x3F96];
	s0 =	simm.s32 @p1 $0x1  }
0x15: {  	[smem:$0x3FB3] =	sst s0;
	s0 =	simm.s32 @!p2 $0x0  }
0x16: {  	s3 =	sld [smem:$0x3FDB];
	s0 =	simm.s32 @p2 $0x1  }
0x17: {  	s4 =	simm.s32 $0x1BF5;
	[smem:$0x3FB5] =	sst s0  }
0x18: {  	s0 =	sld [smem:$0x3F98];
	_ =	swait.ge [sflag:s4], $0x0  }
0x19: {  	s7 =	sld [smem:$0x3F99]  }
0x1a: {  	s8 =	sadd.s32 $0xFFFFE003, lr  }
0x1b: {  	s9 =	sadd.s32 $0xFFFFFEF7, lr;
	s5 =	simm.s32 $0xFFFFFFFF;
	p2 =	slt.u32 s8, $0xFFFFF086  }
0x1c: {  	p1 =	slt.u32 s9, $0xF7A;
	s5 =	simm.s32 @!p2 $0x0  }
0x1d: {  	s5 =	simm.s32 @p1 $0x1;
	p0 =	seq.s32 s7, s2  }
0x1e: {  	s7 =	smul.u32 @!p0 $0xF7A, s2;
	p2 =	seq.s32 @!p0 s5, $0x0  }
0x1f: {  	s9 =	smul.u32 $0xF7A, s1;
	s8 =	simm.s32 @!p0 $0x1BF5;
	p2 =	por !p2, p0  }
0x20: {  	[sflag:s8] =	ssyncset.s32 @!p0 $0xFFFFF086;
	s6 =	sadd.s32 @!p0 s3, s7;
	s7 =	simm.s32 @!p0 $0x108  }
0x21: {  	s3 =	sadd.s32 s3, s9;
	s6 =	sadd.s32 @!p0 $0x88, s6;
	s7 =	simm.s32 @p2 $0x1082  }
0x22: {  	[simem:s7], [sflag:s8] =	dma.local @!p0 [hbm:s6], $0xF7A  }
0x23: {  	s9 =	sor.u32 $0xD0000000, s2;
	s6 =	simm.s32 $0x108;
	_ =	swait.ge @!p0 [sflag:s8], $0x0  }
0x24: {  	s3 =	sadd.s32 $0x88, s3;
	s6 =	simm.s32 @!p1 $0x1082;
	[sflag:s4] =	ssyncset.s32 $0xFFFFF086  }
0x25: {  	[simem:s6], [sflag:s4] =	dma.local [hbm:s3], $0xF7A  }
0x26: {  	[smem:$0x3F99] =	sst s1;
	(tag) =	ssettag s2;
	_ =	strace s9  }
0x27: {  	s1 =	sld [smem:$0x3FA9]  }
0x28: {  	s2 =	sld [smem:$0x3FAA]  }
0x29: {  	s4 =	sld [smem:$0x3FAC]  }
0x2a: {  	p0 =	seq.s32 s5, $0x0;
	s5 =	sld [smem:$0x3FAD]  }
0x2b: {  	s6 =	sld [smem:$0x3FAE]  }
0x2c: {  	s7 =	sld [smem:$0x3FAF]  }
0x2d: {  	s3 =	simm.s32 $0x108;
	s8 =	sld [smem:$0x3FB0]  }
0x2e: {  	s3 =	simm.s32 @!p0 $0x1082;
	s9 =	sld [smem:$0x3FB1]  }
0x2f: {  	lr =	sadd.s32 s0, s3;
	s0 =	sld [smem:$0x3FA8]  }
0x30: {  	s3 =	sld [smem:$0x3FAB]  }
0x31: {  	[smem:$0x3FB4] =	sst s10  }
0x32: {  	s10 =	sld [smem:$0x3FB2];
	_ =	sdelay $0x3  }
0x33: {  	p0 =	seq.s32 s10, $0x1;
	s10 =	sld [smem:$0x3FB4];
	_ =	sdelay $0x3  }
0x34: {  	[smem:$0x3FB4] =	sst s10  }
0x35: {  	s10 =	sld [smem:$0x3FB3];
	_ =	sdelay $0x3  }
0x36: {  	p1 =	seq.s32 s10, $0x1;
	s10 =	sld [smem:$0x3FB4];
	_ =	sdelay $0x3  }
0x37: {  	[smem:$0x3FB4] =	sst s10  }
0x38: {  	s10 =	sld [smem:$0x3FB5]  }
0x39: {  	_ = 	snop;
	(pc) =	sbr.ind lr, $3  }
0x3a: {  	_ = 	snop  }
0x3b: {  	_ = 	snop  }
0x3c: {  	p2 =	seq.s32 s10, $0x1;
	s10 =	sld [smem:$0x3FB4]  }
0x3d: {  	_ =	shalt  }
0x3e: {  	_ =	shalt  }
0x3f: {  	_ =	shalt  }
0x40: {  	_ =	shalt  }
0x41: {  	_ =	shalt  }
0x42: {  	_ =	shalt  }
0x43: {  	_ =	shalt  }
0x44: {  	_ =	shalt  }
0x45: {  	_ =	shalt  }
0x46: {  	_ =	shalt  }
0x47: {  	_ =	shalt  }
0x48: {  	_ =	shalt  }
0x49: {  	_ =	shalt  }
0x4a: {  	_ =	shalt  }
0x4b: {  	_ =	shalt  }
0x4c: {  	_ =	shalt  }
0x4d: {  	_ =	shalt  }
0x4e: {  	_ =	shalt  }
0x4f: {  	_ =	shalt  }
0x50: {  	_ =	shalt  }
0x51: {  	_ =	shalt  }
0x52: {  	_ =	shalt  }
0x53: {  	_ =	shalt  }
0x54: {  	_ =	shalt  }
0x55: {  	_ =	shalt  }
0x56: {  	_ =	shalt  }
0x57: {  	_ =	shalt  }
0x58: {  	_ =	shalt  }
0x59: {  	_ =	shalt  }
0x5a: {  	_ =	shalt  }
0x5b: {  	_ =	shalt  }
0x5c: {  	_ =	shalt  }
0x5d: {  	_ =	shalt  }
0x5e: {  	_ =	shalt  }
0x5f: {  	_ =	shalt  }
0x60: {  	_ =	shalt  }
0x61: {  	_ =	shalt  }
0x62: {  	_ =	shalt  }
0x63: {  	_ =	shalt  }
0x64: {  	_ =	shalt  }
0x65: {  	_ =	shalt  }
0x66: {  	_ =	shalt  }
0x67: {  	_ =	shalt  }
0x68: {  	_ =	shalt  }
0x69: {  	_ =	shalt  }
0x6a: {  	_ =	shalt  }
0x6b: {  	_ =	shalt  }
0x6c: {  	_ =	shalt  }
0x6d: {  	_ =	shalt  }
0x6e: {  	_ =	shalt  }
0x6f: {  	_ =	shalt  }
0x70: {  	_ =	shalt  }
0x71: {  	_ =	shalt  }
0x72: {  	_ =	shalt  }
0x73: {  	_ =	shalt  }
0x74: {  	_ =	shalt  }
0x75: {  	_ =	shalt  }
0x76: {  	_ =	shalt  }
0x77: {  	_ =	shalt  }
0x78: {  	_ =	shalt  }
0x79: {  	_ =	shalt  }
0x7a: {  	_ =	shalt  }
0x7b: {  	_ =	shalt  }
0x7c: {  	_ =	shalt  }
0x7d: {  	_ =	shalt  }
0x7e: {  	_ =	shalt  }
0x7f: {  	_ =	shalt  }
0x80: {  	_ =	shalt  }
0x81: {  	_ =	shalt  }
0x82: {  	_ =	shalt  }
0x83: {  	_ =	shalt  }
0x84: {  	_ =	shalt  }
0x85: {  	_ =	shalt  }
0x86: {  	_ =	shalt  }
0x87: {  	_ =	shalt  }
.Lfunc_end0:
.L_simem_size_0:
called_computation.1_lowered:
.L_overlay_start_0:
0x88: {  	s2 =	sld [smem:$0x3FD9]  }
0x89: {  	s3 =	sld [smem:$0x3FFE];
	_ =	sdelay $0x1  }
0x8a: {  	s1 =	srdreg.scid  }
0x8b: {  	s0 =	sand.u32 $0x1, s1  }
0x8c: {  	s17 =	sshll.u32 s0, $0xA;
	s2 =	sadd.s32 s3, s2  }
0x8d: {  	s2 =	sadd.s32 s2, s17  }
0x8e: {  	[smem:$0x3FC0] =	sst s2  }
0x8f: {  	_ = 	snop  }
0x90: {  	s2 =	sld [smem:$0x3FD0];
	(tm) =	ssettm $0x1  }
0x91: {  	s18 =	sld [smem:$0x3FFB];
	_ =	sdelay $0x3  }
0x92: {  	_ =	strace s18  }
0x93: {  	s3 =	sld [smem:$0x3FFC];
	_ =	sdelay $0x3  }
0x94: {  	_ =	strace s3  }
0x95: {  	s3 =	sld [smem:$0x3FFD];
	_ =	sdelay $0x3  }
0x96: {  	_ =	strace s3  }
0x97: {  	_ =	strace $0x8FFFFFFF  }
0x98: {  	s19 =	sld [smem:$0x3FDB];
	_ =	sdelay $0x1  }
0x99: {  	s4 =	simm.s32 $_scs_section_size  }
0x9a: {  	s5 =	simm.s32 $_size__tile_overlayer_lowered;
	s6 =	simm.s32 $_tile_overlayer_lowered  }
0x9b: {  	s22 =	simm.s32 $0x1BFF;
	s21 =	sshll.u32 s6, $0x1;
	s3 =	sadd.s32 s4, s19  }
0x9c: {  	s7 =	simm.s32 $0x0;
	s20 =	sshll.u32 s5, $0x1;
	s5 =	sadd.s32 s21, s3  }
0x9d: {  	[timem:s7], [sflag:s22] =	dma.local [hbm:s5], s20  }
0x9e: {  	_ =	swait.ge [sflag:s22], s20  }
0x9f: {  	s4 =	ssub.s32 $0x0, s20;
	[sflag:s22] =	ssyncset.done $0x0  }
0xa0: {  	[sflag:s22] =	ssyncadd.s32 s4;
	_ =	sdelay $0x1  }
0xa1: {  	s23 =	simm.s32 $0x1B8B  }
0xa2: {  	_ =	swait.ge [sflag:s23], $0x1  }
0xa3: {  	[sflag:s23] =	ssyncset.done $0x0  }
0xa4: {  	s25 =	simm.s32 $0x1B8E;
	s24 =	sld [smem:$0x3FFE];
	[sflag:s23] =	ssyncadd.s32 $0xFFFFFFFF  }
0xa5: {  	s26 =	simm.s32 $execute0_lowered;
	[smem:$0x3FD2] =	sst s25  }
0xa6: {  	s5 =	sshll.u32 s26, $0x1;
	_ =	strace $0x80000049;
	[dreg:$0x1] =	wrdreg $0xFFFFFFFF  }
0xa7: {  	s28 =	simm.s32 $_size_execute0_lowered;
	s3 =	sadd.s32 s3, s5;
	[dreg:$0x0] =	wrdreg $0x0  }
0xa8: {  	s5 =	sshll.u32 s28, $0x1;
	[dreg:$0x2] =	wrdreg s3  }
0xa9: {  	[dreg:$0x3] =	wrdreg s5  }
0xaa: {  	[dreg:$0x4] =	wrdreg $0xC0  }
0xab: {  	_ =	task [dreg:s7], $0x5FFFF  }
0xac: {  	[dreg:$0x1] =	wrdreg $0xFFFFFFFF  }
0xad: {  	[dreg:$0x0] =	wrdreg $0x60  }
0xae: {  	[dreg:$0x2] =	wrdreg s24  }
0xaf: {  	[dreg:$0x3] =	wrdreg s2  }
0xb0: {  	[dreg:$0x4] =	wrdreg $0x82000  }
0xb1: {  	[dreg:$0x5] =	wrdreg $0x9  }
0xb2: {  	_ =	task.clear_ibuf [dreg:s7], $0x6FFFF;
	_ =	strace $0x90000049  }
0xb3: {  	s29 =	simm.s32 $0x9;
	_ =	strace $0x8000004B  }
0xb4: {  	_ =	swait.ge [sflag:s29], $0x1  }
0xb5: {  	[sflag:s29] =	ssyncadd.s32 $0xFFFFFFFF  }
0xb6: {  	_ =	strace $0x9000004B  }
0xb7: {  	_ =	sfence  }
0xb8: {  	s30 =	sld [smem:$0x0];
	_ =	sdelay $0x2  }
0xb9: {  	s31 =	sshll.u32 s1, $0xD;
	s1 =	sshrl.u32 s1, $0x2  }
0xba: {  	s3 =	sand.u32 $0x4000, s31;
	s1 =	sadd.s32 s1, s30  }
0xbb: {  	s0 =	sor.u32 s3, s0;
	s1 =	sshll.u32 s1, $0x11  }
0xbc: {  	s0 =	sor.u32 s1, s0  }
0xbd: {  	s0 =	sadd.s32 $0x8F2B, s0  }
0xbe: {  	[sflag:s0] =	ssyncadd.remote.s32 $0x1  }
0xbf: {  	_ =	sfence.sel $0xFFFF  }
0xc0: {  	[dreg:$0x0] =	wrdreg $0xFFFFFFFF;
	(pc) =	sbr.abs _section_cstart, $3  }
0xc1: {  	[dreg:$0x1] =	wrdreg $0xFFFFFFFF  }
0xc2: {  	_ =	task.clear_ibuf [dreg:s7], $0x2FFFF;
	_ =	strace $0x9FFFFFFF  }
0xc3: {  	(tm) =	ssettm $0x7FFFFFFF  }
tec
execute0_lowered:
.L_overlay_start_1:
0x0: {  	(tag) =	ssettag $0x1  }
0x1: {  	s30 =	stileid.u32  }
0x2: {  	s3 =	srdreg.scid;
	s6 =	smul.u32 $0xA000, s30  }
0x3: {  	s12 =	sand.u32 $0x1, s3;
	s23 =	smul.u32 $0x500, s30  }
0x4: {  	s7 =	sor.u32 $0x10, s30;
	s5 =	smul.u32 $0x27100, s12  }
0x5: {  	s9 =	sor.u32 $0x20, s30;
	s8 =	smul.u32 $0xA000, s7  }
0x6: {  	s11 =	sor.u32 $0x30, s30;
	s10 =	smul.u32 $0xA000, s9  }
0x7: {  	s14 =	sor.u32 $0x40, s30;
	s13 =	smul.u32 $0xA000, s11  }
0x8: {  	s0 =	rddreg [dreg:$0x0];
	s16 =	sor.u32 $0x50, s30;
	s15 =	smul.u32 $0xA000, s14  }
0x9: {  	s2 =	rddreg [dreg:$0x1];
	s19 =	sor.u32 $0x60, s30;
	s18 =	smul.u32 $0xA000, s16  }
0xa: {  	s1 =	rddreg [dreg:$0x2];
	s31 =	simm.s32 $0x180;
	s22 =	smul.u32 $0xA000, s19  }
0xb: {  	s3 =	simm.s32 $0x0;
	s4 =	sadd.s32 $0x2400, s0;
	s28 =	smul.u32 $0x500, s16  }
0xc: {  	s17 =	sor.u32 $0x70, s30;
	[smem:$0x7FF] =	sst s3;
	s29 =	smul.u32 $0x500, s19  }
0xd: {  	s20 =	sadd.s32 $0xFFFFFF83, s17;
	s21 =	ssub.s32 $0x2, s12;
	s19 =	smul.u32 $0xA000, s12  }
0xe: {  	_ =	strace $0x8000004A;
	s17 =	smin.u32 s17, s20;
	s24 =	sshrl.u32 s21, $0x1  }
0xf: {  	s25 =	sshra.s32 s6, $0x2;
	s0 =	sadd.s32 s5, s0;
	s20 =	smul.u32 $0xA000, s17  }
0x10: {  	s21 =	ssub.s32 s21, s24;
	s5 =	sadd.s32 s25, s1;
	s24 =	smul.u32 $0x500, s7  }
0x11: {  	s26 =	sshra.s32 s8, $0x2;
	s8 =	sshra.s32 s10, $0x2;
	s25 =	smul.u32 $0x500, s9  }
0x12: {  	s10 =	sshra.s32 s13, $0x2;
	s13 =	smul.u32 $0x500, s11;
	s11 =	sshra.s32 s15, $0x2  }
0x13: {  	s15 =	sshra.s32 s18, $0x2;
	s16 =	sshra.s32 s22, $0x2;
	s2 =	sadd.s32 s19, s2  }
0x14: {  	s6 =	sadd.s32 s26, s1;
	s7 =	sadd.s32 s8, s1;
	s8 =	sadd.s32 s10, s1  }
0x15: {  	s26 =	smul.u32 $0x500, s14;
	s9 =	sadd.s32 s11, s1;
	s10 =	sadd.s32 s15, s1  }
0x16: {  	s11 =	sadd.s32 s16, s1;
	s0 =	sadd.s32 $0x29600, s0;
	s22 =	smax.u32 s21, $0x1  }
0x17: {  	s15 =	simm.s32 $0x1BA80;
	s18 =	sshra.s32 s20, $0x2;
	s20 =	smul.u32 $0xA00, s30  }
0x18: {  	s16 =	simm.s32 $0x1;
	s30 =	smul.u32 $0x500, s17;
	[dreg:$0x4] =	wrdreg s22  }
0x19: {  	s23 =	sadd.s32 s23, s0;
	s24 =	sadd.s32 s24, s0;
	s19 =	sadd.s32 s25, s0  }
0x1a: {  	s22 =	sadd.s32 s28, s0;
	s25 =	simm.s32 $0x100;
	[dreg:$0x5] =	wrdreg s23  }
0x1b: {  	s28 =	simm.s32 $0x200;
	s12 =	sadd.s32 s18, s1;
	[dreg:$0x6] =	wrdreg s24  }
0x1c: {  	s21 =	sadd.s32 s26, s0;
	s23 =	sadd.s32 s29, s0;
	s26 =	simm.s32 $0x80  }
0x1d: {  	s29 =	simm.s32 $0x2;
	s14 =	sadd.s32 s20, s2;
	s20 =	sadd.s32 s13, s0  }
0x1e: {  	v0 =	vimm.f32 $0.0e+00;
	s24 =	sadd.s32 s30, s0;
	s30 =	simm.s32 $0x4200;
	s0 =	simm.s32 $0x0  }
.LBB2_1:
0x1f: {  	s2 =	simm.s32 $0x0;
	s13 =	simm.s32 $0x200  }
.LBB2_2:
0x20: {  	p0 =	sne.s32 s13, $0x9E00;
	[tilespmem:s2+$0x1BAF0] =	vst v0  }
0x21: {  	[tilespmem:s2+$0x1BA80] =	vst v0  }
0x22: {  	[tilespmem:s2+$0x1BA90] =	vst v0  }
.Ltmp0:
0x23: {  	[tilespmem:s2+$0x1BAA0] =	vst v0;
	(pc) =	sbr.rel @p0 .LBB2_2-.Ltmp0, $4  }
0x24: {  	[tilespmem:s2+$0x1BAB0] =	vst v0  }
0x25: {  	[tilespmem:s2+$0x1BAC0] =	vst v0  }
0x26: {  	[tilespmem:s2+$0x1BAD0] =	vst v0  }
0x27: {  	[tilespmem:s2+$0x1BAE0] =	vst v0;
	s2 =	sshra.s32 s13, $0x2;
	s13 =	sadd.s32 $0x200, s13  }
0x28: {  	[tilespmem:s2+$0x1BAF0] =	vst v0  }
0x29: {  	[tilespmem:s2+$0x1BA80] =	vst v0  }
0x2a: {  	[tilespmem:s2+$0x1BA90] =	vst v0  }
0x2b: {  	[tilespmem:s2+$0x1BAA0] =	vst v0  }
0x2c: {  	[tilespmem:s2+$0x1BAB0] =	vst v0  }
0x2d: {  	[tilespmem:s2+$0x1BAC0] =	vst v0  }
0x2e: {  	[tilespmem:s2+$0x1BAD0] =	vst v0  }
0x2f: {  	[tilespmem:s2+$0x1BAE0] =	vst v0  }
0x30: {  	[spmem:s5] =	stream.linear.scatter [tilespmem:s15], [sflag:$0x1], $0x2800, $0x38;
	[tilespmem:$0x1E280] =	vst v63  }
0x31: {  	_ = 	snop  }
0x32: {  	[spmem:s6] =	stream.linear.scatter [tilespmem:s15], [sflag:$0x1], $0x2800, $0x38;
	[tilespmem:$0x1E280] =	vst v63  }
0x33: {  	_ = 	snop  }
0x34: {  	[spmem:s7] =	stream.linear.scatter [tilespmem:s15], [sflag:$0x1], $0x2800, $0x38;
	[tilespmem:$0x1E280] =	vst v63  }
0x35: {  	_ = 	snop  }
0x36: {  	[spmem:s8] =	stream.linear.scatter [tilespmem:s15], [sflag:$0x1], $0x2800, $0x38;
	[tilespmem:$0x1E280] =	vst v63  }
0x37: {  	_ = 	snop  }
0x38: {  	[spmem:s9] =	stream.linear.scatter [tilespmem:s15], [sflag:$0x1], $0x2800, $0x38;
	[tilespmem:$0x1E280] =	vst v63  }
0x39: {  	_ = 	snop  }
0x3a: {  	[spmem:s10] =	stream.linear.scatter [tilespmem:s15], [sflag:$0x1], $0x2800, $0x38;
	[tilespmem:$0x1E280] =	vst v63  }
0x3b: {  	_ = 	snop  }
0x3c: {  	[spmem:s11] =	stream.linear.scatter [tilespmem:s15], [sflag:$0x1], $0x2800, $0x38;
	[tilespmem:$0x1E280] =	vst v63  }
0x3d: {  	_ = 	snop  }
0x3e: {  	[spmem:s12] =	stream.linear.scatter [tilespmem:s15], [sflag:$0x1], $0x2800, $0x38;
	[tilespmem:$0x1E280] =	vst v63  }
0x3f: {  	_ =	swait.ge [sflag:s16], $0x2800  }
0x40: {  	[sflag:s16] =	ssyncset.done $0x0  }
0x41: {  	[sflag:s16] =	ssyncadd.s32 $0xFFFFD800  }
0x42: {  	_ =	swait.ge [sflag:s16], $0x2800  }
0x43: {  	[sflag:s16] =	ssyncset.done $0x0  }
0x44: {  	[sflag:s16] =	ssyncadd.s32 $0xFFFFD800  }
0x45: {  	_ =	swait.ge [sflag:s16], $0x2800  }
0x46: {  	[sflag:s16] =	ssyncset.done $0x0  }
0x47: {  	[sflag:s16] =	ssyncadd.s32 $0xFFFFD800  }
0x48: {  	_ =	swait.ge [sflag:s16], $0x2800  }
0x49: {  	[sflag:s16] =	ssyncset.done $0x0  }
0x4a: {  	[sflag:s16] =	ssyncadd.s32 $0xFFFFD800  }
0x4b: {  	_ =	swait.ge [sflag:s16], $0x2800  }
0x4c: {  	[sflag:s16] =	ssyncset.done $0x0  }
0x4d: {  	[sflag:s16] =	ssyncadd.s32 $0xFFFFD800  }
0x4e: {  	_ =	swait.ge [sflag:s16], $0x2800  }
0x4f: {  	[sflag:s16] =	ssyncset.done $0x0  }
0x50: {  	[sflag:s16] =	ssyncadd.s32 $0xFFFFD800  }
0x51: {  	_ =	swait.ge [sflag:s16], $0x2800  }
0x52: {  	[sflag:s16] =	ssyncset.done $0x0  }
0x53: {  	[sflag:s16] =	ssyncadd.s32 $0xFFFFD800  }
0x54: {  	_ =	swait.ge [sflag:s16], $0x2800  }
0x55: {  	[sflag:s16] =	ssyncset.done $0x0  }
0x56: {  	[sflag:s16] =	ssyncadd.s32 $0xFFFFD800  }
0x57: {  	s18 =	sadd.s32 $0x0, s14;
	[bflag:$0x0] =	sbarrier.arrive $0xFFFF  }
0x58: {  	[tilespmem:s3], [sflag:$0x1] =	stream.linear.gather [hbm4b:s18+s3], $0x100, $0x38;
	[tilespmem:$0x1E280] =	vst v63  }
0x59: {  	s2 =	sadd.s32 $0x20, s18  }
0x5a: {  	[tilespmem:s25], [sflag:$0x2] =	stream.linear.gather [hbm4b:s2+s3], $0x100, $0x38;
	[tilespmem:$0x1E280] =	vst v63  }
0x5b: {  	_ =	swait.ge [sflag:s16], $0x100  }
0x5c: {  	[sflag:s16] =	ssyncset.done $0x0  }
0x5d: {  	[sflag:s16] =	ssyncadd.s32 $0xFFFFFF00  }
0x5e: {  	[tilespmem:s28], [sflag:$0x1] =	stream.indirect.gather [hbm4b:s4+s26], $0x80, s3, s26, $0xb8;
	[tilespmem:$0x1E280] =	vst v63  }
0x5f: {  	_ =	swait.ge [sflag:s29], $0x100  }
0x60: {  	[sflag:s29] =	ssyncset.done $0x0  }
0x61: {  	[sflag:s29] =	ssyncadd.s32 $0xFFFFFF00  }
0x62: {  	[tilespmem:s30], [sflag:$0x2] =	stream.indirect.gather [hbm4b:s4+s26], $0x80, s25, s26, $0xb8;
	[tilespmem:$0x1E280] =	vst v63  }
0x63: {  	_ =	swait.ge [sflag:s16], $0x4000  }
0x64: {  	[sflag:s16] =	ssyncset.done $0x0  }
0x65: {  	[sflag:s16] =	ssyncadd.s32 $0xFFFFC000  }
0x66: {  	[spmem:s1] =	stream.indirect.scatter.add.f32 [tilespmem:s28], [sflag:$0x1], $0x80, s26, s26, $0xb8;
	[tilespmem:$0x1E280] =	vst v63  }
0x67: {  	_ =	swait.ge [sflag:s29], $0x4000  }
0x68: {  	[sflag:s29] =	ssyncset.done $0x0  }
0x69: {  	[sflag:s29] =	ssyncadd.s32 $0xFFFFC000  }
0x6a: {  	[spmem:s1] =	stream.indirect.scatter.add.f32 [tilespmem:s30], [sflag:$0x2], $0x80, s31, s26, $0xb8;
	[tilespmem:$0x1E280] =	vst v63  }
0x6b: {  	_ =	swait.ge [sflag:s16], $0x4000  }
0x6c: {  	[sflag:s16] =	ssyncset.done $0x0  }
0x6d: {  	[sflag:s16] =	ssyncadd.s32 $0xFFFFC000  }
0x6e: {  	_ =	swait.ge [sflag:s29], $0x4000  }
0x6f: {  	s13 =	simm.s32 $0x80;
	s2 =	simm.s32 $0x40;
	[sflag:s29] =	ssyncset.done $0x0  }
.LBB2_4:
0x70: {  	s17 =	sadd.s32 s2, s14  }
0x71: {  	[sflag:s29] =	ssyncadd.s32 $0xFFFFC000;
	s2 =	smov.u32 s13;
	s18 =	sadd.s32 $0x40, s13  }
0x72: {  	[tilespmem:s3], [sflag:$0x1] =	stream.linear.gather [hbm4b:s17+s3], $0x100, $0x38;
	[tilespmem:$0x1E280] =	vst v63  }
0x73: {  	p0 =	sne.s32 s13, $0x9C0;
	s13 =	sadd.s32 $0x20, s17  }
0x74: {  	[tilespmem:s25], [sflag:$0x2] =	stream.linear.gather [hbm4b:s13+s3], $0x100, $0x38;
	[tilespmem:$0x1E280] =	vst v63  }
0x75: {  	_ =	swait.ge [sflag:s16], $0x100  }
0x76: {  	[sflag:s16] =	ssyncset.done $0x0  }
0x77: {  	[sflag:s16] =	ssyncadd.s32 $0xFFFFFF00  }
0x78: {  	[tilespmem:s28], [sflag:$0x1] =	stream.indirect.gather [hbm4b:s4+s26], $0x80, s3, s26, $0xb8;
	[tilespmem:$0x1E280] =	vst v63  }
0x79: {  	_ =	swait.ge [sflag:s29], $0x100  }
0x7a: {  	[sflag:s29] =	ssyncset.done $0x0  }
0x7b: {  	[sflag:s29] =	ssyncadd.s32 $0xFFFFFF00  }
0x7c: {  	[tilespmem:s30], [sflag:$0x2] =	stream.indirect.gather [hbm4b:s4+s26], $0x80, s25, s26, $0xb8;
	[tilespmem:$0x1E280] =	vst v63  }
0x7d: {  	_ =	swait.ge [sflag:s16], $0x4000  }
0x7e: {  	[sflag:s16] =	ssyncset.done $0x0  }
0x7f: {  	[sflag:s16] =	ssyncadd.s32 $0xFFFFC000  }
0x80: {  	[spmem:s1] =	stream.indirect.scatter.add.f32 [tilespmem:s28], [sflag:$0x1], $0x80, s26, s26, $0xb8;
	[tilespmem:$0x1E280] =	vst v63  }
0x81: {  	_ =	swait.ge [sflag:s29], $0x4000  }
0x82: {  	[sflag:s29] =	ssyncset.done $0x0  }
0x83: {  	[sflag:s29] =	ssyncadd.s32 $0xFFFFC000  }
0x84: {  	[spmem:s1] =	stream.indirect.scatter.add.f32 [tilespmem:s30], [sflag:$0x2], $0x80, s31, s26, $0xb8;
	[tilespmem:$0x1E280] =	vst v63  }
.Ltmp1:
0x85: {  	_ =	swait.ge [sflag:s16], $0x4000;
	(pc) =	sbr.rel @p0 .LBB2_4-.Ltmp1, $4  }
0x86: {  	[sflag:s16] =	ssyncset.done $0x0  }
0x87: {  	[sflag:s16] =	ssyncadd.s32 $0xFFFFC000  }
0x88: {  	_ =	swait.ge [sflag:s29], $0x4000  }
0x89: {  	s13 =	smov.u32 s18;
	[sflag:s29] =	ssyncset.done $0x0  }
0x8a: {  	s2 =	sadd.s32 s2, s14;
	[sflag:s29] =	ssyncadd.s32 $0xFFFFC000  }
0x8b: {  	[tilespmem:s3], [sflag:$0x1] =	stream.linear.gather [hbm4b:s2+s3], $0x100, $0x38;
	[tilespmem:$0x1E280] =	vst v63  }
0x8c: {  	s2 =	sadd.s32 $0x20, s2  }
0x8d: {  	[tilespmem:s25], [sflag:$0x2] =	stream.linear.gather [hbm4b:s2+s3], $0x100, $0x38;
	[tilespmem:$0x1E280] =	vst v63  }
0x8e: {  	_ =	swait.ge [sflag:s16], $0x100  }
0x8f: {  	[sflag:s16] =	ssyncset.done $0x0  }
0x90: {  	[sflag:s16] =	ssyncadd.s32 $0xFFFFFF00  }
0x91: {  	[tilespmem:s28], [sflag:$0x1] =	stream.indirect.gather [hbm4b:s4+s26], $0x80, s3, s26, $0xb8;
	[tilespmem:$0x1E280] =	vst v63  }
0x92: {  	_ =	swait.ge [sflag:s29], $0x100  }
0x93: {  	[sflag:s29] =	ssyncset.done $0x0  }
0x94: {  	[sflag:s29] =	ssyncadd.s32 $0xFFFFFF00  }
0x95: {  	[tilespmem:s30], [sflag:$0x2] =	stream.indirect.gather [hbm4b:s4+s26], $0x80, s25, s26, $0xb8;
	[tilespmem:$0x1E280] =	vst v63  }
0x96: {  	_ =	swait.ge [sflag:s16], $0x4000  }
0x97: {  	[sflag:s16] =	ssyncset.done $0x0  }
0x98: {  	[sflag:s16] =	ssyncadd.s32 $0xFFFFC000  }
0x99: {  	[spmem:s1] =	stream.indirect.scatter.add.f32 [tilespmem:s28], [sflag:$0x1], $0x80, s26, s26, $0xb8;
	[tilespmem:$0x1E280] =	vst v63  }
0x9a: {  	_ =	swait.ge [sflag:s29], $0x4000  }
0x9b: {  	[sflag:s29] =	ssyncset.done $0x0  }
0x9c: {  	[sflag:s29] =	ssyncadd.s32 $0xFFFFC000  }
0x9d: {  	[spmem:s1] =	stream.indirect.scatter.add.f32 [tilespmem:s30], [sflag:$0x2], $0x80, s31, s26, $0xb8;
	[tilespmem:$0x1E280] =	vst v63  }
0x9e: {  	_ =	swait.ge [sflag:s16], $0x4000  }
0x9f: {  	[sflag:s16] =	ssyncset.done $0x0  }
0xa0: {  	[sflag:s16] =	ssyncadd.s32 $0xFFFFC000  }
0xa1: {  	_ =	swait.ge [sflag:s29], $0x4000  }
0xa2: {  	[sflag:s29] =	ssyncset.done $0x0  }
0xa3: {  	s17 =	stileid.u32;
	[sflag:s29] =	ssyncadd.s32 $0xFFFFC000  }
0xa4: {  	s2 =	sshll.u32 s17, $0x6;
	[bflag:$0x0] =	sbarrier.arrive $0xFFFF  }
0xa5: {  	s13 =	sshrl.u32 s5, $0x3;
	s2 =	sadd.s32 $0x1C02, s2;
	s17 =	rddreg [dreg:$0x5]  }
0xa6: {  	[hbm:s17], [sflag:s2] =	dma.local [spmem:s13], $0x500  }
0xa7: {  	s18 =	sshrl.u32 s6, $0x3;
	s17 =	rddreg [dreg:$0x6]  }
0xa8: {  	[hbm:s17], [sflag:s2] =	dma.local [spmem:s18], $0x500  }
0xa9: {  	s18 =	sshrl.u32 s7, $0x3;
	s17 =	sshrl.u32 s8, $0x3  }
0xaa: {  	[hbm:s19], [sflag:s2] =	dma.local [spmem:s18], $0x500  }
0xab: {  	[hbm:s20], [sflag:s2] =	dma.local [spmem:s17], $0x500  }
0xac: {  	s18 =	sshrl.u32 s9, $0x3;
	s17 =	sshrl.u32 s10, $0x3  }
0xad: {  	[hbm:s21], [sflag:s2] =	dma.local [spmem:s18], $0x500  }
0xae: {  	[hbm:s22], [sflag:s2] =	dma.local [spmem:s17], $0x500  }
0xaf: {  	s18 =	sshrl.u32 s11, $0x3;
	s17 =	sshrl.u32 s12, $0x3  }
0xb0: {  	[hbm:s23], [sflag:s2] =	dma.local [spmem:s18], $0x500  }
0xb1: {  	[hbm:s24], [sflag:s2] =	dma.local [spmem:s17], $0x500  }
0xb2: {  	_ =	swait.ge [sflag:s29], $0x500  }
0xb3: {  	[sflag:s29] =	ssyncset.done $0x0  }
0xb4: {  	[sflag:s29] =	ssyncadd.s32 $0xFFFFFB00  }
0xb5: {  	_ =	swait.ge [sflag:s29], $0x500  }
0xb6: {  	[sflag:s29] =	ssyncset.done $0x0  }
0xb7: {  	[sflag:s29] =	ssyncadd.s32 $0xFFFFFB00  }
0xb8: {  	_ =	swait.ge [sflag:s29], $0x500  }
0xb9: {  	[sflag:s29] =	ssyncset.done $0x0  }
0xba: {  	[sflag:s29] =	ssyncadd.s32 $0xFFFFFB00  }
0xbb: {  	_ =	swait.ge [sflag:s29], $0x500  }
0xbc: {  	[sflag:s29] =	ssyncset.done $0x0  }
0xbd: {  	[sflag:s29] =	ssyncadd.s32 $0xFFFFFB00  }
0xbe: {  	_ =	swait.ge [sflag:s29], $0x500  }
0xbf: {  	[sflag:s29] =	ssyncset.done $0x0  }
0xc0: {  	[sflag:s29] =	ssyncadd.s32 $0xFFFFFB00  }
0xc1: {  	_ =	swait.ge [sflag:s29], $0x500  }
0xc2: {  	[sflag:s29] =	ssyncset.done $0x0  }
0xc3: {  	[sflag:s29] =	ssyncadd.s32 $0xFFFFFB00  }
0xc4: {  	_ =	swait.ge [sflag:s29], $0x500  }
0xc5: {  	[sflag:s29] =	ssyncset.done $0x0  }
0xc6: {  	[sflag:s29] =	ssyncadd.s32 $0xFFFFFB00  }
0xc7: {  	_ =	swait.ge [sflag:s29], $0x500  }
0xc8: {  	s0 =	sadd.s32 $0x1, s0;
	s18 =	rddreg [dreg:$0x4]  }
0xc9: {  	p0 =	sne.s32 s0, s18  }
.Ltmp2:
0xca: {  	_ = 	snop;
	(pc) =	sbr.rel @p0 .LBB2_1-.Ltmp2, $3  }
0xcb: {  	_ =	sdelay $0x1  }
0xcc: {  	[sflag:s29] =	ssyncset.done $0x0  }
0xcd: {  	[sflag:s29] =	ssyncadd.s32 $0xFFFFFB00  }
0xce: {  	_ =	sfence.sel $0x180000  }
0xcf: {  	[bflag:$0x0] =	sbarrier.arrive $0xFFFF  }
0xd0: {  	_ =	strace $0x9000004A  }
0xd1: {  	s0 =	stileid.u32;
	[bflag:$0x2] =	sbarrier.arrive $0xFFFF  }
0xd2: {  	p0 =	sne.s32 s0, $0x0;
	s0 =	rddreg [dreg:$0x3]  }
0xd3: {  	s0 =	sadd.s32 @!p0 $0x100000, s0  }
0xd4: {  	[sflag:s0] =	ssyncadd.tile.s32 @!p0 $0x1;
	_ =	shalt  }
.Lfunc_end2:
_tile_overlayer_lowered:
.L_overlay_start_2:
0xd5: {  	(tag) =	ssettag $0x2  }
0xd6: {  	s0 =	rddreg [dreg:$0x0];
	s2 =	stileid.u32  }
0xd7: {  	s1 =	rddreg [dreg:$0x1];
	p0 =	sne.s32 s2, $0x0  }
0xd8: {  	s3 =	rddreg [dreg:$0x2];
	[bflag:$0x3] =	sbarrier.arrive $0xFFFF;
	s2 =	simm.s32 @!p0 $0x1C03  }
0xd9: {  	[timem:s3], [sflag:s2] =	dma.local @!p0 [hbm:s0], s1  }
0xda: {  	s0 =	simm.s32 @!p0 $0x3  }
0xdb: {  	_ =	swait.ge @!p0 [sflag:s0], s1  }
0xdc: {  	s1 =	ssub.s32 @!p0 $0x0, s1;
	[sflag:s0] =	ssyncset.done @!p0 $0x0  }
0xdd: {  	[sflag:s0] =	ssyncadd.s32 @!p0 s1  }
0xde: {  	[bflag:$0x3] =	sbarrier.arrive $0xFFFF  }
0xdf: {  	_ =	shalt  }

// kernel: kernel.15.cloned.1.call-start
scs
__scs_entry_jumppad:
0x0: {  	(pc) =	sbr.rel $0x88, $3  }
0x1: {  	(tag) =	ssettag $0x0;
	lr =	simm.s32 $0x1  }
0x2: {  	[smem:$0x3F99] =	sst lr;
	_ =	strace $0xD0000000  }
0x3: {  	_ = 	snop  }
0x4: {  	_ = 	snop  }
0x5: {  	_ = 	snop  }
0x6: {  	_ = 	snop  }
0x7: {  	_ = 	snop  }
__scs_overlays_trampoline_lowered:
0x8: {  	[smem:$0x3FA8] =	sst s0  }
0x9: {  	[smem:$0x3FA9] =	sst s1  }
0xa: {  	[smem:$0x3FAA] =	sst s2  }
0xb: {  	[smem:$0x3FAB] =	sst s3  }
0xc: {  	[smem:$0x3FAC] =	sst s4  }
0xd: {  	[smem:$0x3FAD] =	sst s5  }
0xe: {  	[smem:$0x3FAE] =	sst s6  }
0xf: {  	[smem:$0x3FAF] =	sst s7  }
0x10: {  	[smem:$0x3FB0] =	sst s8  }
0x11: {  	[smem:$0x3FB1] =	sst s9;
	s0 =	simm.s32 @!p0 $0x0  }
0x12: {  	s1 =	sld [smem:$0x3F97];
	s0 =	simm.s32 @p0 $0x1  }
0x13: {  	[smem:$0x3FB2] =	sst s0;
	s0 =	simm.s32 @!p1 $0x0  }
0x14: {  	s2 =	sld [smem:$0x3F96];
	s0 =	simm.s32 @p1 $0x1  }
0x15: {  	[smem:$0x3FB3] =	sst s0;
	s0 =	simm.s32 @!p2 $0x0  }
0x16: {  	s3 =	sld [smem:$0x3FDB];
	s0 =	simm.s32 @p2 $0x1  }
0x17: {  	s4 =	simm.s32 $0x1BF5;
	[smem:$0x3FB5] =	sst s0  }
0x18: {  	s0 =	sld [smem:$0x3F98];
	_ =	swait.ge [sflag:s4], $0x0  }
0x19: {  	s7 =	sld [smem:$0x3F99]  }
0x1a: {  	s8 =	sadd.s32 $0xFFFFE003, lr  }
0x1b: {  	s9 =	sadd.s32 $0xFFFFFEF7, lr;
	s5 =	simm.s32 $0xFFFFFFFF;
	p2 =	slt.u32 s8, $0xFFFFF086  }
0x1c: {  	p1 =	slt.u32 s9, $0xF7A;
	s5 =	simm.s32 @!p2 $0x0  }
0x1d: {  	s5 =	simm.s32 @p1 $0x1;
	p0 =	seq.s32 s7, s2  }
0x1e: {  	s7 =	smul.u32 @!p0 $0xF7A, s2;
	p2 =	seq.s32 @!p0 s5, $0x0  }
0x1f: {  	s9 =	smul.u32 $0xF7A, s1;
	s8 =	simm.s32 @!p0 $0x1BF5;
	p2 =	por !p2, p0  }
0x20: {  	[sflag:s8] =	ssyncset.s32 @!p0 $0xFFFFF086;
	s6 =	sadd.s32 @!p0 s3, s7;
	s7 =	simm.s32 @!p0 $0x108  }
0x21: {  	s3 =	sadd.s32 s3, s9;
	s6 =	sadd.s32 @!p0 $0x88, s6;
	s7 =	simm.s32 @p2 $0x1082  }
0x22: {  	[simem:s7], [sflag:s8] =	dma.local @!p0 [hbm:s6], $0xF7A  }
0x23: {  	s9 =	sor.u32 $0xD0000000, s2;
	s6 =	simm.s32 $0x108;
	_ =	swait.ge @!p0 [sflag:s8], $0x0  }
0x24: {  	s3 =	sadd.s32 $0x88, s3;
	s6 =	simm.s32 @!p1 $0x1082;
	[sflag:s4] =	ssyncset.s32 $0xFFFFF086  }
0x25: {  	[simem:s6], [sflag:s4] =	dma.local [hbm:s3], $0xF7A  }
0x26: {  	[smem:$0x3F99] =	sst s1;
	(tag) =	ssettag s2;
	_ =	strace s9  }
0x27: {  	s1 =	sld [smem:$0x3FA9]  }
0x28: {  	s2 =	sld [smem:$0x3FAA]  }
0x29: {  	s4 =	sld [smem:$0x3FAC]  }
0x2a: {  	p0 =	seq.s32 s5, $0x0;
	s5 =	sld [smem:$0x3FAD]  }
0x2b: {  	s6 =	sld [smem:$0x3FAE]  }
0x2c: {  	s7 =	sld [smem:$0x3FAF]  }
0x2d: {  	s3 =	simm.s32 $0x108;
	s8 =	sld [smem:$0x3FB0]  }
0x2e: {  	s3 =	simm.s32 @!p0 $0x1082;
	s9 =	sld [smem:$0x3FB1]  }
0x2f: {  	lr =	sadd.s32 s0, s3;
	s0 =	sld [smem:$0x3FA8]  }
0x30: {  	s3 =	sld [smem:$0x3FAB]  }
0x31: {  	[smem:$0x3FB4] =	sst s10  }
0x32: {  	s10 =	sld [smem:$0x3FB2];
	_ =	sdelay $0x3  }
0x33: {  	p0 =	seq.s32 s10, $0x1;
	s10 =	sld [smem:$0x3FB4];
	_ =	sdelay $0x3  }
0x34: {  	[smem:$0x3FB4] =	sst s10  }
0x35: {  	s10 =	sld [smem:$0x3FB3];
	_ =	sdelay $0x3  }
0x36: {  	p1 =	seq.s32 s10, $0x1;
	s10 =	sld [smem:$0x3FB4];
	_ =	sdelay $0x3  }
0x37: {  	[smem:$0x3FB4] =	sst s10  }
0x38: {  	s10 =	sld [smem:$0x3FB5]  }
0x39: {  	_ = 	snop;
	(pc) =	sbr.ind lr, $3  }
0x3a: {  	_ = 	snop  }
0x3b: {  	_ = 	snop  }
0x3c: {  	p2 =	seq.s32 s10, $0x1;
	s10 =	sld [smem:$0x3FB4]  }
0x3d: {  	_ =	shalt  }
0x3e: {  	_ =	shalt  }
0x3f: {  	_ =	shalt  }
0x40: {  	_ =	shalt  }
0x41: {  	_ =	shalt  }
0x42: {  	_ =	shalt  }
0x43: {  	_ =	shalt  }
0x44: {  	_ =	shalt  }
0x45: {  	_ =	shalt  }
0x46: {  	_ =	shalt  }
0x47: {  	_ =	shalt  }
0x48: {  	_ =	shalt  }
0x49: {  	_ =	shalt  }
0x4a: {  	_ =	shalt  }
0x4b: {  	_ =	shalt  }
0x4c: {  	_ =	shalt  }
0x4d: {  	_ =	shalt  }
0x4e: {  	_ =	shalt  }
0x4f: {  	_ =	shalt  }
0x50: {  	_ =	shalt  }
0x51: {  	_ =	shalt  }
0x52: {  	_ =	shalt  }
0x53: {  	_ =	shalt  }
0x54: {  	_ =	shalt  }
0x55: {  	_ =	shalt  }
0x56: {  	_ =	shalt  }
0x57: {  	_ =	shalt  }
0x58: {  	_ =	shalt  }
0x59: {  	_ =	shalt  }
0x5a: {  	_ =	shalt  }
0x5b: {  	_ =	shalt  }
0x5c: {  	_ =	shalt  }
0x5d: {  	_ =	shalt  }
0x5e: {  	_ =	shalt  }
0x5f: {  	_ =	shalt  }
0x60: {  	_ =	shalt  }
0x61: {  	_ =	shalt  }
0x62: {  	_ =	shalt  }
0x63: {  	_ =	shalt  }
0x64: {  	_ =	shalt  }
0x65: {  	_ =	shalt  }
0x66: {  	_ =	shalt  }
0x67: {  	_ =	shalt  }
0x68: {  	_ =	shalt  }
0x69: {  	_ =	shalt  }
0x6a: {  	_ =	shalt  }
0x6b: {  	_ =	shalt  }
0x6c: {  	_ =	shalt  }
0x6d: {  	_ =	shalt  }
0x6e: {  	_ =	shalt  }
0x6f: {  	_ =	shalt  }
0x70: {  	_ =	shalt  }
0x71: {  	_ =	shalt  }
0x72: {  	_ =	shalt  }
0x73: {  	_ =	shalt  }
0x74: {  	_ =	shalt  }
0x75: {  	_ =	shalt  }
0x76: {  	_ =	shalt  }
0x77: {  	_ =	shalt  }
0x78: {  	_ =	shalt  }
0x79: {  	_ =	shalt  }
0x7a: {  	_ =	shalt  }
0x7b: {  	_ =	shalt  }
0x7c: {  	_ =	shalt  }
0x7d: {  	_ =	shalt  }
0x7e: {  	_ =	shalt  }
0x7f: {  	_ =	shalt  }
0x80: {  	_ =	shalt  }
0x81: {  	_ =	shalt  }
0x82: {  	_ =	shalt  }
0x83: {  	_ =	shalt  }
0x84: {  	_ =	shalt  }
0x85: {  	_ =	shalt  }
0x86: {  	_ =	shalt  }
0x87: {  	_ =	shalt  }
.Lfunc_end0:
.L_simem_size_0:
called_computation.2_lowered:
.L_overlay_start_0:
0x88: {  	s2 =	sld [smem:$0x3FD9]  }
0x89: {  	s3 =	sld [smem:$0x3FFE];
	_ =	sdelay $0x1  }
0x8a: {  	s1 =	srdreg.scid  }
0x8b: {  	s0 =	sand.u32 $0x1, s1  }
0x8c: {  	s17 =	sshll.u32 s0, $0xA;
	s2 =	sadd.s32 s3, s2  }
0x8d: {  	s2 =	sadd.s32 s2, s17  }
0x8e: {  	[smem:$0x3FC0] =	sst s2  }
0x8f: {  	_ = 	snop  }
0x90: {  	s2 =	sld [smem:$0x3FD0];
	(tm) =	ssettm $0x1  }
0x91: {  	s18 =	sld [smem:$0x3FFB];
	_ =	sdelay $0x3  }
0x92: {  	_ =	strace s18  }
0x93: {  	s3 =	sld [smem:$0x3FFC];
	_ =	sdelay $0x3  }
0x94: {  	_ =	strace s3  }
0x95: {  	s3 =	sld [smem:$0x3FFD];
	_ =	sdelay $0x3  }
0x96: {  	_ =	strace s3  }
0x97: {  	_ =	strace $0x8FFFFFFF  }
0x98: {  	s19 =	sld [smem:$0x3FDB];
	_ =	sdelay $0x1  }
0x99: {  	s4 =	simm.s32 $_scs_section_size  }
0x9a: {  	s5 =	simm.s32 $_size__tile_overlayer_lowered;
	s6 =	simm.s32 $_tile_overlayer_lowered  }
0x9b: {  	s22 =	simm.s32 $0x1BFF;
	s21 =	sshll.u32 s6, $0x1;
	s3 =	sadd.s32 s4, s19  }
0x9c: {  	s7 =	simm.s32 $0x0;
	s20 =	sshll.u32 s5, $0x1;
	s5 =	sadd.s32 s21, s3  }
0x9d: {  	[timem:s7], [sflag:s22] =	dma.local [hbm:s5], s20  }
0x9e: {  	_ =	swait.ge [sflag:s22], s20  }
0x9f: {  	s4 =	ssub.s32 $0x0, s20;
	[sflag:s22] =	ssyncset.done $0x0  }
0xa0: {  	[sflag:s22] =	ssyncadd.s32 s4;
	_ =	sdelay $0x1  }
0xa1: {  	s23 =	simm.s32 $0x1B8B  }
0xa2: {  	_ =	swait.ge [sflag:s23], $0x1  }
0xa3: {  	[sflag:s23] =	ssyncset.done $0x0  }
0xa4: {  	s25 =	simm.s32 $0x1B8E;
	s24 =	sld [smem:$0x3FFE];
	[sflag:s23] =	ssyncadd.s32 $0xFFFFFFFF  }
0xa5: {  	s26 =	simm.s32 $execute0_lowered;
	[smem:$0x3FD2] =	sst s25  }
0xa6: {  	s5 =	sshll.u32 s26, $0x1;
	_ =	strace $0x8000004C;
	[dreg:$0x1] =	wrdreg $0xFFFFFFFF  }
0xa7: {  	s28 =	simm.s32 $_size_execute0_lowered;
	s3 =	sadd.s32 s3, s5;
	[dreg:$0x0] =	wrdreg $0x0  }
0xa8: {  	s5 =	sshll.u32 s28, $0x1;
	[dreg:$0x2] =	wrdreg s3  }
0xa9: {  	[dreg:$0x3] =	wrdreg s5  }
0xaa: {  	[dreg:$0x4] =	wrdreg $0xC0  }
0xab: {  	_ =	task [dreg:s7], $0x5FFFF  }
0xac: {  	[dreg:$0x1] =	wrdreg $0xFFFFFFFF  }
0xad: {  	[dreg:$0x0] =	wrdreg $0x60  }
0xae: {  	[dreg:$0x2] =	wrdreg s24  }
0xaf: {  	[dreg:$0x3] =	wrdreg s2  }
0xb0: {  	[dreg:$0x4] =	wrdreg $0x82000  }
0xb1: {  	[dreg:$0x5] =	wrdreg $0x9  }
0xb2: {  	_ =	task.clear_ibuf [dreg:s7], $0x6FFFF;
	_ =	strace $0x9000004C  }
0xb3: {  	s29 =	simm.s32 $0x9;
	_ =	strace $0x8000004E  }
0xb4: {  	_ =	swait.ge [sflag:s29], $0x1  }
0xb5: {  	[sflag:s29] =	ssyncadd.s32 $0xFFFFFFFF  }
0xb6: {  	_ =	strace $0x9000004E  }
0xb7: {  	_ =	sfence  }
0xb8: {  	s30 =	sld [smem:$0x0];
	_ =	sdelay $0x2  }
0xb9: {  	s31 =	sshll.u32 s1, $0xD;
	s1 =	sshrl.u32 s1, $0x2  }
0xba: {  	s3 =	sand.u32 $0x4000, s31;
	s1 =	sadd.s32 s1, s30  }
0xbb: {  	s0 =	sor.u32 s3, s0;
	s1 =	sshll.u32 s1, $0x11  }
0xbc: {  	s0 =	sor.u32 s1, s0  }
0xbd: {  	s0 =	sadd.s32 $0x8F2B, s0  }
0xbe: {  	[sflag:s0] =	ssyncadd.remote.s32 $0x1  }
0xbf: {  	_ =	sfence.sel $0xFFFF  }
0xc0: {  	[dreg:$0x0] =	wrdreg $0xFFFFFFFF;
	(pc) =	sbr.abs _section_cstart, $3  }
0xc1: {  	[dreg:$0x1] =	wrdreg $0xFFFFFFFF  }
0xc2: {  	_ =	task.clear_ibuf [dreg:s7], $0x2FFFF;
	_ =	strace $0x9FFFFFFF  }
0xc3: {  	(tm) =	ssettm $0x7FFFFFFF  }
tec
execute0_lowered:
.L_overlay_start_1:
0x0: {  	(tag) =	ssettag $0x1  }
0x1: {  	s30 =	stileid.u32  }
0x2: {  	s3 =	srdreg.scid;
	s6 =	smul.u32 $0xA000, s30  }
0x3: {  	s12 =	sand.u32 $0x1, s3;
	s23 =	smul.u32 $0x500, s30  }
0x4: {  	s7 =	sor.u32 $0x10, s30;
	s5 =	smul.u32 $0x27100, s12  }
0x5: {  	s9 =	sor.u32 $0x20, s30;
	s8 =	smul.u32 $0xA000, s7  }
0x6: {  	s11 =	sor.u32 $0x30, s30;
	s10 =	smul.u32 $0xA000, s9  }
0x7: {  	s14 =	sor.u32 $0x40, s30;
	s13 =	smul.u32 $0xA000, s11  }
0x8: {  	s0 =	rddreg [dreg:$0x0];
	s16 =	sor.u32 $0x50, s30;
	s15 =	smul.u32 $0xA000, s14  }
0x9: {  	s2 =	rddreg [dreg:$0x1];
	s19 =	sor.u32 $0x60, s30;
	s18 =	smul.u32 $0xA000, s16  }
0xa: {  	s1 =	rddreg [dreg:$0x2];
	s31 =	simm.s32 $0x180;
	s22 =	smul.u32 $0xA000, s19  }
0xb: {  	s3 =	simm.s32 $0x0;
	s4 =	sadd.s32 $0x2400, s0;
	s28 =	smul.u32 $0x500, s16  }
0xc: {  	s17 =	sor.u32 $0x70, s30;
	[smem:$0x7FF] =	sst s3;
	s29 =	smul.u32 $0x500, s19  }
0xd: {  	s20 =	sadd.s32 $0xFFFFFF83, s17;
	s21 =	ssub.s32 $0x2, s12;
	s19 =	smul.u32 $0xA000, s12  }
0xe: {  	_ =	strace $0x8000004D;
	s17 =	smin.u32 s17, s20;
	s24 =	sshrl.u32 s21, $0x1  }
0xf: {  	s25 =	sshra.s32 s6, $0x2;
	s0 =	sadd.s32 s5, s0;
	s20 =	smul.u32 $0xA000, s17  }
0x10: {  	s21 =	ssub.s32 s21, s24;
	s5 =	sadd.s32 s25, s1;
	s24 =	smul.u32 $0x500, s7  }
0x11: {  	s26 =	sshra.s32 s8, $0x2;
	s8 =	sshra.s32 s10, $0x2;
	s25 =	smul.u32 $0x500, s9  }
0x12: {  	s10 =	sshra.s32 s13, $0x2;
	s13 =	smul.u32 $0x500, s11;
	s11 =	sshra.s32 s15, $0x2  }
0x13: {  	s15 =	sshra.s32 s18, $0x2;
	s16 =	sshra.s32 s22, $0x2;
	s2 =	sadd.s32 s19, s2  }
0x14: {  	s6 =	sadd.s32 s26, s1;
	s7 =	sadd.s32 s8, s1;
	s8 =	sadd.s32 s10, s1  }
0x15: {  	s26 =	smul.u32 $0x500, s14;
	s9 =	sadd.s32 s11, s1;
	s10 =	sadd.s32 s15, s1  }
0x16: {  	s11 =	sadd.s32 s16, s1;
	s0 =	sadd.s32 $0x29600, s0;
	s22 =	smax.u32 s21, $0x1  }
0x17: {  	s15 =	simm.s32 $0x1BA80;
	s18 =	sshra.s32 s20, $0x2;
	s20 =	smul.u32 $0xA00, s30  }
0x18: {  	s16 =	simm.s32 $0x1;
	s30 =	smul.u32 $0x500, s17;
	[dreg:$0x4] =	wrdreg s22  }
0x19: {  	s23 =	sadd.s32 s23, s0;
	s24 =	sadd.s32 s24, s0;
	s19 =	sadd.s32 s25, s0  }
0x1a: {  	s22 =	sadd.s32 s28, s0;
	s25 =	simm.s32 $0x100;
	[dreg:$0x5] =	wrdreg s23  }
0x1b: {  	s28 =	simm.s32 $0x200;
	s12 =	sadd.s32 s18, s1;
	[dreg:$0x6] =	wrdreg s24  }
0x1c: {  	s21 =	sadd.s32 s26, s0;
	s23 =	sadd.s32 s29, s0;
	s26 =	simm.s32 $0x80  }
0x1d: {  	s29 =	simm.s32 $0x2;
	s14 =	sadd.s32 s20, s2;
	s20 =	sadd.s32 s13, s0  }
0x1e: {  	v0 =	vimm.f32 $0.0e+00;
	s24 =	sadd.s32 s30, s0;
	s30 =	simm.s32 $0x4200;
	s0 =	simm.s32 $0x0  }
.LBB2_1:
0x1f: {  	s2 =	simm.s32 $0x0;
	s13 =	simm.s32 $0x200  }
.LBB2_2:
0x20: {  	p0 =	sne.s32 s13, $0x9E00;
	[tilespmem:s2+$0x1BAF0] =	vst v0  }
0x21: {  	[tilespmem:s2+$0x1BA80] =	vst v0  }
0x22: {  	[tilespmem:s2+$0x1BA90] =	vst v0  }
.Ltmp0:
0x23: {  	[tilespmem:s2+$0x1BAA0] =	vst v0;
	(pc) =	sbr.rel @p0 .LBB2_2-.Ltmp0, $4  }
0x24: {  	[tilespmem:s2+$0x1BAB0] =	vst v0  }
0x25: {  	[tilespmem:s2+$0x1BAC0] =	vst v0  }
0x26: {  	[tilespmem:s2+$0x1BAD0] =	vst v0  }
0x27: {  	[tilespmem:s2+$0x1BAE0] =	vst v0;
	s2 =	sshra.s32 s13, $0x2;
	s13 =	sadd.s32 $0x200, s13  }
0x28: {  	[tilespmem:s2+$0x1BAF0] =	vst v0  }
0x29: {  	[tilespmem:s2+$0x1BA80] =	vst v0  }
0x2a: {  	[tilespmem:s2+$0x1BA90] =	vst v0  }
0x2b: {  	[tilespmem:s2+$0x1BAA0] =	vst v0  }
0x2c: {  	[tilespmem:s2+$0x1BAB0] =	vst v0  }
0x2d: {  	[tilespmem:s2+$0x1BAC0] =	vst v0  }
0x2e: {  	[tilespmem:s2+$0x1BAD0] =	vst v0  }
0x2f: {  	[tilespmem:s2+$0x1BAE0] =	vst v0  }
0x30: {  	[spmem:s5] =	stream.linear.scatter [tilespmem:s15], [sflag:$0x1], $0x2800, $0x38;
	[tilespmem:$0x1E280] =	vst v63  }
0x31: {  	_ = 	snop  }
0x32: {  	[spmem:s6] =	stream.linear.scatter [tilespmem:s15], [sflag:$0x1], $0x2800, $0x38;
	[tilespmem:$0x1E280] =	vst v63  }
0x33: {  	_ = 	snop  }
0x34: {  	[spmem:s7] =	stream.linear.scatter [tilespmem:s15], [sflag:$0x1], $0x2800, $0x38;
	[tilespmem:$0x1E280] =	vst v63  }
0x35: {  	_ = 	snop  }
0x36: {  	[spmem:s8] =	stream.linear.scatter [tilespmem:s15], [sflag:$0x1], $0x2800, $0x38;
	[tilespmem:$0x1E280] =	vst v63  }
0x37: {  	_ = 	snop  }
0x38: {  	[spmem:s9] =	stream.linear.scatter [tilespmem:s15], [sflag:$0x1], $0x2800, $0x38;
	[tilespmem:$0x1E280] =	vst v63  }
0x39: {  	_ = 	snop  }
0x3a: {  	[spmem:s10] =	stream.linear.scatter [tilespmem:s15], [sflag:$0x1], $0x2800, $0x38;
	[tilespmem:$0x1E280] =	vst v63  }
0x3b: {  	_ = 	snop  }
0x3c: {  	[spmem:s11] =	stream.linear.scatter [tilespmem:s15], [sflag:$0x1], $0x2800, $0x38;
	[tilespmem:$0x1E280] =	vst v63  }
0x3d: {  	_ = 	snop  }
0x3e: {  	[spmem:s12] =	stream.linear.scatter [tilespmem:s15], [sflag:$0x1], $0x2800, $0x38;
	[tilespmem:$0x1E280] =	vst v63  }
0x3f: {  	_ =	swait.ge [sflag:s16], $0x2800  }
0x40: {  	[sflag:s16] =	ssyncset.done $0x0  }
0x41: {  	[sflag:s16] =	ssyncadd.s32 $0xFFFFD800  }
0x42: {  	_ =	swait.ge [sflag:s16], $0x2800  }
0x43: {  	[sflag:s16] =	ssyncset.done $0x0  }
0x44: {  	[sflag:s16] =	ssyncadd.s32 $0xFFFFD800  }
0x45: {  	_ =	swait.ge [sflag:s16], $0x2800  }
0x46: {  	[sflag:s16] =	ssyncset.done $0x0  }
0x47: {  	[sflag:s16] =	ssyncadd.s32 $0xFFFFD800  }
0x48: {  	_ =	swait.ge [sflag:s16], $0x2800  }
0x49: {  	[sflag:s16] =	ssyncset.done $0x0  }
0x4a: {  	[sflag:s16] =	ssyncadd.s32 $0xFFFFD800  }
0x4b: {  	_ =	swait.ge [sflag:s16], $0x2800  }
0x4c: {  	[sflag:s16] =	ssyncset.done $0x0  }
0x4d: {  	[sflag:s16] =	ssyncadd.s32 $0xFFFFD800  }
0x4e: {  	_ =	swait.ge [sflag:s16], $0x2800  }
0x4f: {  	[sflag:s16] =	ssyncset.done $0x0  }
0x50: {  	[sflag:s16] =	ssyncadd.s32 $0xFFFFD800  }
0x51: {  	_ =	swait.ge [sflag:s16], $0x2800  }
0x52: {  	[sflag:s16] =	ssyncset.done $0x0  }
0x53: {  	[sflag:s16] =	ssyncadd.s32 $0xFFFFD800  }
0x54: {  	_ =	swait.ge [sflag:s16], $0x2800  }
0x55: {  	[sflag:s16] =	ssyncset.done $0x0  }
0x56: {  	[sflag:s16] =	ssyncadd.s32 $0xFFFFD800  }
0x57: {  	s18 =	sadd.s32 $0x0, s14;
	[bflag:$0x0] =	sbarrier.arrive $0xFFFF  }
0x58: {  	[tilespmem:s3], [sflag:$0x1] =	stream.linear.gather [hbm4b:s18+s3], $0x100, $0x38;
	[tilespmem:$0x1E280] =	vst v63  }
0x59: {  	s2 =	sadd.s32 $0x20, s18  }
0x5a: {  	[tilespmem:s25], [sflag:$0x2] =	stream.linear.gather [hbm4b:s2+s3], $0x100, $0x38;
	[tilespmem:$0x1E280] =	vst v63  }
0x5b: {  	_ =	swait.ge [sflag:s16], $0x100  }
0x5c: {  	[sflag:s16] =	ssyncset.done $0x0  }
0x5d: {  	[sflag:s16] =	ssyncadd.s32 $0xFFFFFF00  }
0x5e: {  	[tilespmem:s28], [sflag:$0x1] =	stream.indirect.gather [hbm4b:s4+s26], $0x80, s3, s26, $0xb8;
	[tilespmem:$0x1E280] =	vst v63  }
0x5f: {  	_ =	swait.ge [sflag:s29], $0x100  }
0x60: {  	[sflag:s29] =	ssyncset.done $0x0  }
0x61: {  	[sflag:s29] =	ssyncadd.s32 $0xFFFFFF00  }
0x62: {  	[tilespmem:s30], [sflag:$0x2] =	stream.indirect.gather [hbm4b:s4+s26], $0x80, s25, s26, $0xb8;
	[tilespmem:$0x1E280] =	vst v63  }
0x63: {  	_ =	swait.ge [sflag:s16], $0x4000  }
0x64: {  	[sflag:s16] =	ssyncset.done $0x0  }
0x65: {  	[sflag:s16] =	ssyncadd.s32 $0xFFFFC000  }
0x66: {  	[spmem:s1] =	stream.indirect.scatter.add.f32 [tilespmem:s28], [sflag:$0x1], $0x80, s26, s26, $0xb8;
	[tilespmem:$0x1E280] =	vst v63  }
0x67: {  	_ =	swait.ge [sflag:s29], $0x4000  }
0x68: {  	[sflag:s29] =	ssyncset.done $0x0  }
0x69: {  	[sflag:s29] =	ssyncadd.s32 $0xFFFFC000  }
0x6a: {  	[spmem:s1] =	stream.indirect.scatter.add.f32 [tilespmem:s30], [sflag:$0x2], $0x80, s31, s26, $0xb8;
	[tilespmem:$0x1E280] =	vst v63  }
0x6b: {  	_ =	swait.ge [sflag:s16], $0x4000  }
0x6c: {  	[sflag:s16] =	ssyncset.done $0x0  }
0x6d: {  	[sflag:s16] =	ssyncadd.s32 $0xFFFFC000  }
0x6e: {  	_ =	swait.ge [sflag:s29], $0x4000  }
0x6f: {  	s13 =	simm.s32 $0x80;
	s2 =	simm.s32 $0x40;
	[sflag:s29] =	ssyncset.done $0x0  }
.LBB2_4:
0x70: {  	s17 =	sadd.s32 s2, s14  }
0x71: {  	[sflag:s29] =	ssyncadd.s32 $0xFFFFC000;
	s2 =	smov.u32 s13;
	s18 =	sadd.s32 $0x40, s13  }
0x72: {  	[tilespmem:s3], [sflag:$0x1] =	stream.linear.gather [hbm4b:s17+s3], $0x100, $0x38;
	[tilespmem:$0x1E280] =	vst v63  }
0x73: {  	p0 =	sne.s32 s13, $0x9C0;
	s13 =	sadd.s32 $0x20, s17  }
0x74: {  	[tilespmem:s25], [sflag:$0x2] =	stream.linear.gather [hbm4b:s13+s3], $0x100, $0x38;
	[tilespmem:$0x1E280] =	vst v63  }
0x75: {  	_ =	swait.ge [sflag:s16], $0x100  }
0x76: {  	[sflag:s16] =	ssyncset.done $0x0  }
0x77: {  	[sflag:s16] =	ssyncadd.s32 $0xFFFFFF00  }
0x78: {  	[tilespmem:s28], [sflag:$0x1] =	stream.indirect.gather [hbm4b:s4+s26], $0x80, s3, s26, $0xb8;
	[tilespmem:$0x1E280] =	vst v63  }
0x79: {  	_ =	swait.ge [sflag:s29], $0x100  }
0x7a: {  	[sflag:s29] =	ssyncset.done $0x0  }
0x7b: {  	[sflag:s29] =	ssyncadd.s32 $0xFFFFFF00  }
0x7c: {  	[tilespmem:s30], [sflag:$0x2] =	stream.indirect.gather [hbm4b:s4+s26], $0x80, s25, s26, $0xb8;
	[tilespmem:$0x1E280] =	vst v63  }
0x7d: {  	_ =	swait.ge [sflag:s16], $0x4000  }
0x7e: {  	[sflag:s16] =	ssyncset.done $0x0  }
0x7f: {  	[sflag:s16] =	ssyncadd.s32 $0xFFFFC000  }
0x80: {  	[spmem:s1] =	stream.indirect.scatter.add.f32 [tilespmem:s28], [sflag:$0x1], $0x80, s26, s26, $0xb8;
	[tilespmem:$0x1E280] =	vst v63  }
0x81: {  	_ =	swait.ge [sflag:s29], $0x4000  }
0x82: {  	[sflag:s29] =	ssyncset.done $0x0  }
0x83: {  	[sflag:s29] =	ssyncadd.s32 $0xFFFFC000  }
0x84: {  	[spmem:s1] =	stream.indirect.scatter.add.f32 [tilespmem:s30], [sflag:$0x2], $0x80, s31, s26, $0xb8;
	[tilespmem:$0x1E280] =	vst v63  }
.Ltmp1:
0x85: {  	_ =	swait.ge [sflag:s16], $0x4000;
	(pc) =	sbr.rel @p0 .LBB2_4-.Ltmp1, $4  }
0x86: {  	[sflag:s16] =	ssyncset.done $0x0  }
0x87: {  	[sflag:s16] =	ssyncadd.s32 $0xFFFFC000  }
0x88: {  	_ =	swait.ge [sflag:s29], $0x4000  }
0x89: {  	s13 =	smov.u32 s18;
	[sflag:s29] =	ssyncset.done $0x0  }
0x8a: {  	s2 =	sadd.s32 s2, s14;
	[sflag:s29] =	ssyncadd.s32 $0xFFFFC000  }
0x8b: {  	[tilespmem:s3], [sflag:$0x1] =	stream.linear.gather [hbm4b:s2+s3], $0x100, $0x38;
	[tilespmem:$0x1E280] =	vst v63  }
0x8c: {  	s2 =	sadd.s32 $0x20, s2  }
0x8d: {  	[tilespmem:s25], [sflag:$0x2] =	stream.linear.gather [hbm4b:s2+s3], $0x100, $0x38;
	[tilespmem:$0x1E280] =	vst v63  }
0x8e: {  	_ =	swait.ge [sflag:s16], $0x100  }
0x8f: {  	[sflag:s16] =	ssyncset.done $0x0  }
0x90: {  	[sflag:s16] =	ssyncadd.s32 $0xFFFFFF00  }
0x91: {  	[tilespmem:s28], [sflag:$0x1] =	stream.indirect.gather [hbm4b:s4+s26], $0x80, s3, s26, $0xb8;
	[tilespmem:$0x1E280] =	vst v63  }
0x92: {  	_ =	swait.ge [sflag:s29], $0x100  }
0x93: {  	[sflag:s29] =	ssyncset.done $0x0  }
0x94: {  	[sflag:s29] =	ssyncadd.s32 $0xFFFFFF00  }
0x95: {  	[tilespmem:s30], [sflag:$0x2] =	stream.indirect.gather [hbm4b:s4+s26], $0x80, s25, s26, $0xb8;
	[tilespmem:$0x1E280] =	vst v63  }
0x96: {  	_ =	swait.ge [sflag:s16], $0x4000  }
0x97: {  	[sflag:s16] =	ssyncset.done $0x0  }
0x98: {  	[sflag:s16] =	ssyncadd.s32 $0xFFFFC000  }
0x99: {  	[spmem:s1] =	stream.indirect.scatter.add.f32 [tilespmem:s28], [sflag:$0x1], $0x80, s26, s26, $0xb8;
	[tilespmem:$0x1E280] =	vst v63  }
0x9a: {  	_ =	swait.ge [sflag:s29], $0x4000  }
0x9b: {  	[sflag:s29] =	ssyncset.done $0x0  }
0x9c: {  	[sflag:s29] =	ssyncadd.s32 $0xFFFFC000  }
0x9d: {  	[spmem:s1] =	stream.indirect.scatter.add.f32 [tilespmem:s30], [sflag:$0x2], $0x80, s31, s26, $0xb8;
	[tilespmem:$0x1E280] =	vst v63  }
0x9e: {  	_ =	swait.ge [sflag:s16], $0x4000  }
0x9f: {  	[sflag:s16] =	ssyncset.done $0x0  }
0xa0: {  	[sflag:s16] =	ssyncadd.s32 $0xFFFFC000  }
0xa1: {  	_ =	swait.ge [sflag:s29], $0x4000  }
0xa2: {  	[sflag:s29] =	ssyncset.done $0x0  }
0xa3: {  	s17 =	stileid.u32;
	[sflag:s29] =	ssyncadd.s32 $0xFFFFC000  }
0xa4: {  	s2 =	sshll.u32 s17, $0x6;
	[bflag:$0x0] =	sbarrier.arrive $0xFFFF  }
0xa5: {  	s13 =	sshrl.u32 s5, $0x3;
	s2 =	sadd.s32 $0x1C02, s2;
	s17 =	rddreg [dreg:$0x5]  }
0xa6: {  	[hbm:s17], [sflag:s2] =	dma.local [spmem:s13], $0x500  }
0xa7: {  	s18 =	sshrl.u32 s6, $0x3;
	s17 =	rddreg [dreg:$0x6]  }
0xa8: {  	[hbm:s17], [sflag:s2] =	dma.local [spmem:s18], $0x500  }
0xa9: {  	s18 =	sshrl.u32 s7, $0x3;
	s17 =	sshrl.u32 s8, $0x3  }
0xaa: {  	[hbm:s19], [sflag:s2] =	dma.local [spmem:s18], $0x500  }
0xab: {  	[hbm:s20], [sflag:s2] =	dma.local [spmem:s17], $0x500  }
0xac: {  	s18 =	sshrl.u32 s9, $0x3;
	s17 =	sshrl.u32 s10, $0x3  }
0xad: {  	[hbm:s21], [sflag:s2] =	dma.local [spmem:s18], $0x500  }
0xae: {  	[hbm:s22], [sflag:s2] =	dma.local [spmem:s17], $0x500  }
0xaf: {  	s18 =	sshrl.u32 s11, $0x3;
	s17 =	sshrl.u32 s12, $0x3  }
0xb0: {  	[hbm:s23], [sflag:s2] =	dma.local [spmem:s18], $0x500  }
0xb1: {  	[hbm:s24], [sflag:s2] =	dma.local [spmem:s17], $0x500  }
0xb2: {  	_ =	swait.ge [sflag:s29], $0x500  }
0xb3: {  	[sflag:s29] =	ssyncset.done $0x0  }
0xb4: {  	[sflag:s29] =	ssyncadd.s32 $0xFFFFFB00  }
0xb5: {  	_ =	swait.ge [sflag:s29], $0x500  }
0xb6: {  	[sflag:s29] =	ssyncset.done $0x0  }
0xb7: {  	[sflag:s29] =	ssyncadd.s32 $0xFFFFFB00  }
0xb8: {  	_ =	swait.ge [sflag:s29], $0x500  }
0xb9: {  	[sflag:s29] =	ssyncset.done $0x0  }
0xba: {  	[sflag:s29] =	ssyncadd.s32 $0xFFFFFB00  }
0xbb: {  	_ =	swait.ge [sflag:s29], $0x500  }
0xbc: {  	[sflag:s29] =	ssyncset.done $0x0  }
0xbd: {  	[sflag:s29] =	ssyncadd.s32 $0xFFFFFB00  }
0xbe: {  	_ =	swait.ge [sflag:s29], $0x500  }
0xbf: {  	[sflag:s29] =	ssyncset.done $0x0  }
0xc0: {  	[sflag:s29] =	ssyncadd.s32 $0xFFFFFB00  }
0xc1: {  	_ =	swait.ge [sflag:s29], $0x500  }
0xc2: {  	[sflag:s29] =	ssyncset.done $0x0  }
0xc3: {  	[sflag:s29] =	ssyncadd.s32 $0xFFFFFB00  }
0xc4: {  	_ =	swait.ge [sflag:s29], $0x500  }
0xc5: {  	[sflag:s29] =	ssyncset.done $0x0  }
0xc6: {  	[sflag:s29] =	ssyncadd.s32 $0xFFFFFB00  }
0xc7: {  	_ =	swait.ge [sflag:s29], $0x500  }
0xc8: {  	s0 =	sadd.s32 $0x1, s0;
	s18 =	rddreg [dreg:$0x4]  }
0xc9: {  	p0 =	sne.s32 s0, s18  }
.Ltmp2:
0xca: {  	_ = 	snop;
	(pc) =	sbr.rel @p0 .LBB2_1-.Ltmp2, $3  }
0xcb: {  	_ =	sdelay $0x1  }
0xcc: {  	[sflag:s29] =	ssyncset.done $0x0  }
0xcd: {  	[sflag:s29] =	ssyncadd.s32 $0xFFFFFB00  }
0xce: {  	_ =	sfence.sel $0x180000  }
0xcf: {  	[bflag:$0x0] =	sbarrier.arrive $0xFFFF  }
0xd0: {  	_ =	strace $0x9000004D  }
0xd1: {  	s0 =	stileid.u32;
	[bflag:$0x2] =	sbarrier.arrive $0xFFFF  }
0xd2: {  	p0 =	sne.s32 s0, $0x0;
	s0 =	rddreg [dreg:$0x3]  }
0xd3: {  	s0 =	sadd.s32 @!p0 $0x100000, s0  }
0xd4: {  	[sflag:s0] =	ssyncadd.tile.s32 @!p0 $0x1;
	_ =	shalt  }
.Lfunc_end2:
_tile_overlayer_lowered:
.L_overlay_start_2:
0xd5: {  	(tag) =	ssettag $0x2  }
0xd6: {  	s0 =	rddreg [dreg:$0x0];
	s2 =	stileid.u32  }
0xd7: {  	s1 =	rddreg [dreg:$0x1];
	p0 =	sne.s32 s2, $0x0  }
0xd8: {  	s3 =	rddreg [dreg:$0x2];
	[bflag:$0x3] =	sbarrier.arrive $0xFFFF;
	s2 =	simm.s32 @!p0 $0x1C03  }
0xd9: {  	[timem:s3], [sflag:s2] =	dma.local @!p0 [hbm:s0], s1  }
0xda: {  	s0 =	simm.s32 @!p0 $0x3  }
0xdb: {  	_ =	swait.ge @!p0 [sflag:s0], s1  }
0xdc: {  	s1 =	ssub.s32 @!p0 $0x0, s1;
	[sflag:s0] =	ssyncset.done @!p0 $0x0  }
0xdd: {  	[sflag:s0] =	ssyncadd.s32 @!p0 s1  }
0xde: {  	[bflag:$0x3] =	sbarrier.arrive $0xFFFF  }
0xdf: {  	_ =	shalt  }

// kernel: kernel.9.cloned.1.call-start
scs
__scs_entry_jumppad:
0x0: {  	(pc) =	sbr.rel $0x88, $3  }
0x1: {  	(tag) =	ssettag $0x0;
	lr =	simm.s32 $0x1  }
0x2: {  	[smem:$0x3F99] =	sst lr;
	_ =	strace $0xD0000000  }
0x3: {  	_ = 	snop  }
0x4: {  	_ = 	snop  }
0x5: {  	_ = 	snop  }
0x6: {  	_ = 	snop  }
0x7: {  	_ = 	snop  }
__scs_overlays_trampoline_lowered:
0x8: {  	[smem:$0x3FA8] =	sst s0  }
0x9: {  	[smem:$0x3FA9] =	sst s1  }
0xa: {  	[smem:$0x3FAA] =	sst s2  }
0xb: {  	[smem:$0x3FAB] =	sst s3  }
0xc: {  	[smem:$0x3FAC] =	sst s4  }
0xd: {  	[smem:$0x3FAD] =	sst s5  }
0xe: {  	[smem:$0x3FAE] =	sst s6  }
0xf: {  	[smem:$0x3FAF] =	sst s7  }
0x10: {  	[smem:$0x3FB0] =	sst s8  }
0x11: {  	[smem:$0x3FB1] =	sst s9;
	s0 =	simm.s32 @!p0 $0x0  }
0x12: {  	s1 =	sld [smem:$0x3F97];
	s0 =	simm.s32 @p0 $0x1  }
0x13: {  	[smem:$0x3FB2] =	sst s0;
	s0 =	simm.s32 @!p1 $0x0  }
0x14: {  	s2 =	sld [smem:$0x3F96];
	s0 =	simm.s32 @p1 $0x1  }
0x15: {  	[smem:$0x3FB3] =	sst s0;
	s0 =	simm.s32 @!p2 $0x0  }
0x16: {  	s3 =	sld [smem:$0x3FDB];
	s0 =	simm.s32 @p2 $0x1  }
0x17: {  	s4 =	simm.s32 $0x1BF5;
	[smem:$0x3FB5] =	sst s0  }
0x18: {  	s0 =	sld [smem:$0x3F98];
	_ =	swait.ge [sflag:s4], $0x0  }
0x19: {  	s7 =	sld [smem:$0x3F99]  }
0x1a: {  	s8 =	sadd.s32 $0xFFFFE003, lr  }
0x1b: {  	s9 =	sadd.s32 $0xFFFFFEF7, lr;
	s5 =	simm.s32 $0xFFFFFFFF;
	p2 =	slt.u32 s8, $0xFFFFF086  }
0x1c: {  	p1 =	slt.u32 s9, $0xF7A;
	s5 =	simm.s32 @!p2 $0x0  }
0x1d: {  	s5 =	simm.s32 @p1 $0x1;
	p0 =	seq.s32 s7, s2  }
0x1e: {  	s7 =	smul.u32 @!p0 $0xF7A, s2;
	p2 =	seq.s32 @!p0 s5, $0x0  }
0x1f: {  	s9 =	smul.u32 $0xF7A, s1;
	s8 =	simm.s32 @!p0 $0x1BF5;
	p2 =	por !p2, p0  }
0x20: {  	[sflag:s8] =	ssyncset.s32 @!p0 $0xFFFFF086;
	s6 =	sadd.s32 @!p0 s3, s7;
	s7 =	simm.s32 @!p0 $0x108  }
0x21: {  	s3 =	sadd.s32 s3, s9;
	s6 =	sadd.s32 @!p0 $0x88, s6;
	s7 =	simm.s32 @p2 $0x1082  }
0x22: {  	[simem:s7], [sflag:s8] =	dma.local @!p0 [hbm:s6], $0xF7A  }
0x23: {  	s9 =	sor.u32 $0xD0000000, s2;
	s6 =	simm.s32 $0x108;
	_ =	swait.ge @!p0 [sflag:s8], $0x0  }
0x24: {  	s3 =	sadd.s32 $0x88, s3;
	s6 =	simm.s32 @!p1 $0x1082;
	[sflag:s4] =	ssyncset.s32 $0xFFFFF086  }
0x25: {  	[simem:s6], [sflag:s4] =	dma.local [hbm:s3], $0xF7A  }
0x26: {  	[smem:$0x3F99] =	sst s1;
	(tag) =	ssettag s2;
	_ =	strace s9  }
0x27: {  	s1 =	sld [smem:$0x3FA9]  }
0x28: {  	s2 =	sld [smem:$0x3FAA]  }
0x29: {  	s4 =	sld [smem:$0x3FAC]  }
0x2a: {  	p0 =	seq.s32 s5, $0x0;
	s5 =	sld [smem:$0x3FAD]  }
0x2b: {  	s6 =	sld [smem:$0x3FAE]  }
0x2c: {  	s7 =	sld [smem:$0x3FAF]  }
0x2d: {  	s3 =	simm.s32 $0x108;
	s8 =	sld [smem:$0x3FB0]  }
0x2e: {  	s3 =	simm.s32 @!p0 $0x1082;
	s9 =	sld [smem:$0x3FB1]  }
0x2f: {  	lr =	sadd.s32 s0, s3;
	s0 =	sld [smem:$0x3FA8]  }
0x30: {  	s3 =	sld [smem:$0x3FAB]  }
0x31: {  	[smem:$0x3FB4] =	sst s10  }
0x32: {  	s10 =	sld [smem:$0x3FB2];
	_ =	sdelay $0x3  }
0x33: {  	p0 =	seq.s32 s10, $0x1;
	s10 =	sld [smem:$0x3FB4];
	_ =	sdelay $0x3  }
0x34: {  	[smem:$0x3FB4] =	sst s10  }
0x35: {  	s10 =	sld [smem:$0x3FB3];
	_ =	sdelay $0x3  }
0x36: {  	p1 =	seq.s32 s10, $0x1;
	s10 =	sld [smem:$0x3FB4];
	_ =	sdelay $0x3  }
0x37: {  	[smem:$0x3FB4] =	sst s10  }
0x38: {  	s10 =	sld [smem:$0x3FB5]  }
0x39: {  	_ = 	snop;
	(pc) =	sbr.ind lr, $3  }
0x3a: {  	_ = 	snop  }
0x3b: {  	_ = 	snop  }
0x3c: {  	p2 =	seq.s32 s10, $0x1;
	s10 =	sld [smem:$0x3FB4]  }
0x3d: {  	_ =	shalt  }
0x3e: {  	_ =	shalt  }
0x3f: {  	_ =	shalt  }
0x40: {  	_ =	shalt  }
0x41: {  	_ =	shalt  }
0x42: {  	_ =	shalt  }
0x43: {  	_ =	shalt  }
0x44: {  	_ =	shalt  }
0x45: {  	_ =	shalt  }
0x46: {  	_ =	shalt  }
0x47: {  	_ =	shalt  }
0x48: {  	_ =	shalt  }
0x49: {  	_ =	shalt  }
0x4a: {  	_ =	shalt  }
0x4b: {  	_ =	shalt  }
0x4c: {  	_ =	shalt  }
0x4d: {  	_ =	shalt  }
0x4e: {  	_ =	shalt  }
0x4f: {  	_ =	shalt  }
0x50: {  	_ =	shalt  }
0x51: {  	_ =	shalt  }
0x52: {  	_ =	shalt  }
0x53: {  	_ =	shalt  }
0x54: {  	_ =	shalt  }
0x55: {  	_ =	shalt  }
0x56: {  	_ =	shalt  }
0x57: {  	_ =	shalt  }
0x58: {  	_ =	shalt  }
0x59: {  	_ =	shalt  }
0x5a: {  	_ =	shalt  }
0x5b: {  	_ =	shalt  }
0x5c: {  	_ =	shalt  }
0x5d: {  	_ =	shalt  }
0x5e: {  	_ =	shalt  }
0x5f: {  	_ =	shalt  }
0x60: {  	_ =	shalt  }
0x61: {  	_ =	shalt  }
0x62: {  	_ =	shalt  }
0x63: {  	_ =	shalt  }
0x64: {  	_ =	shalt  }
0x65: {  	_ =	shalt  }
0x66: {  	_ =	shalt  }
0x67: {  	_ =	shalt  }
0x68: {  	_ =	shalt  }
0x69: {  	_ =	shalt  }
0x6a: {  	_ =	shalt  }
0x6b: {  	_ =	shalt  }
0x6c: {  	_ =	shalt  }
0x6d: {  	_ =	shalt  }
0x6e: {  	_ =	shalt  }
0x6f: {  	_ =	shalt  }
0x70: {  	_ =	shalt  }
0x71: {  	_ =	shalt  }
0x72: {  	_ =	shalt  }
0x73: {  	_ =	shalt  }
0x74: {  	_ =	shalt  }
0x75: {  	_ =	shalt  }
0x76: {  	_ =	shalt  }
0x77: {  	_ =	shalt  }
0x78: {  	_ =	shalt  }
0x79: {  	_ =	shalt  }
0x7a: {  	_ =	shalt  }
0x7b: {  	_ =	shalt  }
0x7c: {  	_ =	shalt  }
0x7d: {  	_ =	shalt  }
0x7e: {  	_ =	shalt  }
0x7f: {  	_ =	shalt  }
0x80: {  	_ =	shalt  }
0x81: {  	_ =	shalt  }
0x82: {  	_ =	shalt  }
0x83: {  	_ =	shalt  }
0x84: {  	_ =	shalt  }
0x85: {  	_ =	shalt  }
0x86: {  	_ =	shalt  }
0x87: {  	_ =	shalt  }
.Lfunc_end0:
.L_simem_size_0:
called_computation_lowered:
.L_overlay_start_0:
0x88: {  	s2 =	sld [smem:$0x3FD9]  }
0x89: {  	s3 =	sld [smem:$0x3FFE];
	_ =	sdelay $0x1  }
0x8a: {  	s1 =	srdreg.scid  }
0x8b: {  	s0 =	sand.u32 $0x1, s1  }
0x8c: {  	s17 =	sshll.u32 s0, $0xA;
	s2 =	sadd.s32 s3, s2  }
0x8d: {  	s2 =	sadd.s32 s2, s17  }
0x8e: {  	[smem:$0x3FC0] =	sst s2  }
0x8f: {  	_ = 	snop  }
0x90: {  	s2 =	sld [smem:$0x3FD0];
	(tm) =	ssettm $0x1  }
0x91: {  	s18 =	sld [smem:$0x3FFB];
	_ =	sdelay $0x3  }
0x92: {  	_ =	strace s18  }
0x93: {  	s3 =	sld [smem:$0x3FFC];
	_ =	sdelay $0x3  }
0x94: {  	_ =	strace s3  }
0x95: {  	s3 =	sld [smem:$0x3FFD];
	_ =	sdelay $0x3  }
0x96: {  	_ =	strace s3  }
0x97: {  	_ =	strace $0x8FFFFFFF  }
0x98: {  	s19 =	sld [smem:$0x3FDB];
	_ =	sdelay $0x1  }
0x99: {  	s4 =	simm.s32 $_scs_section_size  }
0x9a: {  	s5 =	simm.s32 $_size__tile_overlayer_lowered;
	s6 =	simm.s32 $_tile_overlayer_lowered  }
0x9b: {  	s22 =	simm.s32 $0x1BFF;
	s21 =	sshll.u32 s6, $0x1;
	s3 =	sadd.s32 s4, s19  }
0x9c: {  	s7 =	simm.s32 $0x0;
	s20 =	sshll.u32 s5, $0x1;
	s5 =	sadd.s32 s21, s3  }
0x9d: {  	[timem:s7], [sflag:s22] =	dma.local [hbm:s5], s20  }
0x9e: {  	_ =	swait.ge [sflag:s22], s20  }
0x9f: {  	s4 =	ssub.s32 $0x0, s20;
	[sflag:s22] =	ssyncset.done $0x0  }
0xa0: {  	[sflag:s22] =	ssyncadd.s32 s4;
	_ =	sdelay $0x1  }
0xa1: {  	s23 =	simm.s32 $0x1B8B  }
0xa2: {  	_ =	swait.ge [sflag:s23], $0x1  }
0xa3: {  	[sflag:s23] =	ssyncset.done $0x0  }
0xa4: {  	s25 =	simm.s32 $0x1B8E;
	s24 =	sld [smem:$0x3FFE];
	[sflag:s23] =	ssyncadd.s32 $0xFFFFFFFF  }
0xa5: {  	s26 =	simm.s32 $execute0_lowered;
	[smem:$0x3FD2] =	sst s25  }
0xa6: {  	s5 =	sshll.u32 s26, $0x1;
	_ =	strace $0x80000046;
	[dreg:$0x1] =	wrdreg $0xFFFFFFFF  }
0xa7: {  	s28 =	simm.s32 $_size_execute0_lowered;
	s3 =	sadd.s32 s3, s5;
	[dreg:$0x0] =	wrdreg $0x0  }
0xa8: {  	s5 =	sshll.u32 s28, $0x1;
	[dreg:$0x2] =	wrdreg s3  }
0xa9: {  	[dreg:$0x3] =	wrdreg s5  }
0xaa: {  	[dreg:$0x4] =	wrdreg $0xC0  }
0xab: {  	_ =	task [dreg:s7], $0x5FFFF  }
0xac: {  	[dreg:$0x1] =	wrdreg $0xFFFFFFFF  }
0xad: {  	[dreg:$0x0] =	wrdreg $0x60  }
0xae: {  	[dreg:$0x2] =	wrdreg s24  }
0xaf: {  	[dreg:$0x3] =	wrdreg s2  }
0xb0: {  	[dreg:$0x4] =	wrdreg $0x82000  }
0xb1: {  	[dreg:$0x5] =	wrdreg $0x9  }
0xb2: {  	_ =	task.clear_ibuf [dreg:s7], $0x6FFFF;
	_ =	strace $0x90000046  }
0xb3: {  	s29 =	simm.s32 $0x9;
	_ =	strace $0x80000048  }
0xb4: {  	_ =	swait.ge [sflag:s29], $0x1  }
0xb5: {  	[sflag:s29] =	ssyncadd.s32 $0xFFFFFFFF  }
0xb6: {  	_ =	strace $0x90000048  }
0xb7: {  	_ =	sfence  }
0xb8: {  	s30 =	sld [smem:$0x0];
	_ =	sdelay $0x2  }
0xb9: {  	s31 =	sshll.u32 s1, $0xD;
	s1 =	sshrl.u32 s1, $0x2  }
0xba: {  	s3 =	sand.u32 $0x4000, s31;
	s1 =	sadd.s32 s1, s30  }
0xbb: {  	s0 =	sor.u32 s3, s0;
	s1 =	sshll.u32 s1, $0x11  }
0xbc: {  	s0 =	sor.u32 s1, s0  }
0xbd: {  	s0 =	sadd.s32 $0x8F2B, s0  }
0xbe: {  	[sflag:s0] =	ssyncadd.remote.s32 $0x1  }
0xbf: {  	_ =	sfence.sel $0xFFFF  }
0xc0: {  	[dreg:$0x0] =	wrdreg $0xFFFFFFFF;
	(pc) =	sbr.abs _section_cstart, $3  }
0xc1: {  	[dreg:$0x1] =	wrdreg $0xFFFFFFFF  }
0xc2: {  	_ =	task.clear_ibuf [dreg:s7], $0x2FFFF;
	_ =	strace $0x9FFFFFFF  }
0xc3: {  	(tm) =	ssettm $0x7FFFFFFF  }
tec
execute0_lowered:
.L_overlay_start_1:
0x0: {  	(tag) =	ssettag $0x1  }
0x1: {  	s30 =	stileid.u32  }
0x2: {  	s3 =	srdreg.scid;
	s6 =	smul.u32 $0xA000, s30  }
0x3: {  	s12 =	sand.u32 $0x1, s3;
	s23 =	smul.u32 $0x500, s30  }
0x4: {  	s7 =	sor.u32 $0x10, s30;
	s5 =	smul.u32 $0x27100, s12  }
0x5: {  	s9 =	sor.u32 $0x20, s30;
	s8 =	smul.u32 $0xA000, s7  }
0x6: {  	s11 =	sor.u32 $0x30, s30;
	s10 =	smul.u32 $0xA000, s9  }
0x7: {  	s14 =	sor.u32 $0x40, s30;
	s13 =	smul.u32 $0xA000, s11  }
0x8: {  	s0 =	rddreg [dreg:$0x0];
	s16 =	sor.u32 $0x50, s30;
	s15 =	smul.u32 $0xA000, s14  }
0x9: {  	s2 =	rddreg [dreg:$0x1];
	s19 =	sor.u32 $0x60, s30;
	s18 =	smul.u32 $0xA000, s16  }
0xa: {  	s1 =	rddreg [dreg:$0x2];
	s31 =	simm.s32 $0x180;
	s22 =	smul.u32 $0xA000, s19  }
0xb: {  	s3 =	simm.s32 $0x0;
	s4 =	sadd.s32 $0x2400, s0;
	s28 =	smul.u32 $0x500, s16  }
0xc: {  	s17 =	sor.u32 $0x70, s30;
	[smem:$0x7FF] =	sst s3;
	s29 =	smul.u32 $0x500, s19  }
0xd: {  	s20 =	sadd.s32 $0xFFFFFF83, s17;
	s21 =	ssub.s32 $0x2, s12;
	s19 =	smul.u32 $0xA000, s12  }
0xe: {  	_ =	strace $0x80000047;
	s17 =	smin.u32 s17, s20;
	s24 =	sshrl.u32 s21, $0x1  }
0xf: {  	s25 =	sshra.s32 s6, $0x2;
	s0 =	sadd.s32 s5, s0;
	s20 =	smul.u32 $0xA000, s17  }
0x10: {  	s21 =	ssub.s32 s21, s24;
	s5 =	sadd.s32 s25, s1;
	s24 =	smul.u32 $0x500, s7  }
0x11: {  	s26 =	sshra.s32 s8, $0x2;
	s8 =	sshra.s32 s10, $0x2;
	s25 =	smul.u32 $0x500, s9  }
0x12: {  	s10 =	sshra.s32 s13, $0x2;
	s13 =	smul.u32 $0x500, s11;
	s11 =	sshra.s32 s15, $0x2  }
0x13: {  	s15 =	sshra.s32 s18, $0x2;
	s16 =	sshra.s32 s22, $0x2;
	s2 =	sadd.s32 s19, s2  }
0x14: {  	s6 =	sadd.s32 s26, s1;
	s7 =	sadd.s32 s8, s1;
	s8 =	sadd.s32 s10, s1  }
0x15: {  	s26 =	smul.u32 $0x500, s14;
	s9 =	sadd.s32 s11, s1;
	s10 =	sadd.s32 s15, s1  }
0x16: {  	s11 =	sadd.s32 s16, s1;
	s0 =	sadd.s32 $0x29600, s0;
	s22 =	smax.u32 s21, $0x1  }
0x17: {  	s15 =	simm.s32 $0x1BA80;
	s18 =	sshra.s32 s20, $0x2;
	s20 =	smul.u32 $0xA00, s30  }
0x18: {  	s16 =	simm.s32 $0x1;
	s30 =	smul.u32 $0x500, s17;
	[dreg:$0x4] =	wrdreg s22  }
0x19: {  	s23 =	sadd.s32 s23, s0;
	s24 =	sadd.s32 s24, s0;
	s19 =	sadd.s32 s25, s0  }
0x1a: {  	s22 =	sadd.s32 s28, s0;
	s25 =	simm.s32 $0x100;
	[dreg:$0x5] =	wrdreg s23  }
0x1b: {  	s28 =	simm.s32 $0x200;
	s12 =	sadd.s32 s18, s1;
	[dreg:$0x6] =	wrdreg s24  }
0x1c: {  	s21 =	sadd.s32 s26, s0;
	s23 =	sadd.s32 s29, s0;
	s26 =	simm.s32 $0x80  }
0x1d: {  	s29 =	simm.s32 $0x2;
	s14 =	sadd.s32 s20, s2;
	s20 =	sadd.s32 s13, s0  }
0x1e: {  	v0 =	vimm.f32 $0.0e+00;
	s24 =	sadd.s32 s30, s0;
	s30 =	simm.s32 $0x4200;
	s0 =	simm.s32 $0x0  }
.LBB2_1:
0x1f: {  	s2 =	simm.s32 $0x0;
	s13 =	simm.s32 $0x200  }
.LBB2_2:
0x20: {  	p0 =	sne.s32 s13, $0x9E00;
	[tilespmem:s2+$0x1BAF0] =	vst v0  }
0x21: {  	[tilespmem:s2+$0x1BA80] =	vst v0  }
0x22: {  	[tilespmem:s2+$0x1BA90] =	vst v0  }
.Ltmp0:
0x23: {  	[tilespmem:s2+$0x1BAA0] =	vst v0;
	(pc) =	sbr.rel @p0 .LBB2_2-.Ltmp0, $4  }
0x24: {  	[tilespmem:s2+$0x1BAB0] =	vst v0  }
0x25: {  	[tilespmem:s2+$0x1BAC0] =	vst v0  }
0x26: {  	[tilespmem:s2+$0x1BAD0] =	vst v0  }
0x27: {  	[tilespmem:s2+$0x1BAE0] =	vst v0;
	s2 =	sshra.s32 s13, $0x2;
	s13 =	sadd.s32 $0x200, s13  }
0x28: {  	[tilespmem:s2+$0x1BAF0] =	vst v0  }
0x29: {  	[tilespmem:s2+$0x1BA80] =	vst v0  }
0x2a: {  	[tilespmem:s2+$0x1BA90] =	vst v0  }
0x2b: {  	[tilespmem:s2+$0x1BAA0] =	vst v0  }
0x2c: {  	[tilespmem:s2+$0x1BAB0] =	vst v0  }
0x2d: {  	[tilespmem:s2+$0x1BAC0] =	vst v0  }
0x2e: {  	[tilespmem:s2+$0x1BAD0] =	vst v0  }
0x2f: {  	[tilespmem:s2+$0x1BAE0] =	vst v0  }
0x30: {  	[spmem:s5] =	stream.linear.scatter [tilespmem:s15], [sflag:$0x1], $0x2800, $0x38;
	[tilespmem:$0x1E280] =	vst v63  }
0x31: {  	_ = 	snop  }
0x32: {  	[spmem:s6] =	stream.linear.scatter [tilespmem:s15], [sflag:$0x1], $0x2800, $0x38;
	[tilespmem:$0x1E280] =	vst v63  }
0x33: {  	_ = 	snop  }
0x34: {  	[spmem:s7] =	stream.linear.scatter [tilespmem:s15], [sflag:$0x1], $0x2800, $0x38;
	[tilespmem:$0x1E280] =	vst v63  }
0x35: {  	_ = 	snop  }
0x36: {  	[spmem:s8] =	stream.linear.scatter [tilespmem:s15], [sflag:$0x1], $0x2800, $0x38;
	[tilespmem:$0x1E280] =	vst v63  }
0x37: {  	_ = 	snop  }
0x38: {  	[spmem:s9] =	stream.linear.scatter [tilespmem:s15], [sflag:$0x1], $0x2800, $0x38;
	[tilespmem:$0x1E280] =	vst v63  }
0x39: {  	_ = 	snop  }
0x3a: {  	[spmem:s10] =	stream.linear.scatter [tilespmem:s15], [sflag:$0x1], $0x2800, $0x38;
	[tilespmem:$0x1E280] =	vst v63  }
0x3b: {  	_ = 	snop  }
0x3c: {  	[spmem:s11] =	stream.linear.scatter [tilespmem:s15], [sflag:$0x1], $0x2800, $0x38;
	[tilespmem:$0x1E280] =	vst v63  }
0x3d: {  	_ = 	snop  }
0x3e: {  	[spmem:s12] =	stream.linear.scatter [tilespmem:s15], [sflag:$0x1], $0x2800, $0x38;
	[tilespmem:$0x1E280] =	vst v63  }
0x3f: {  	_ =	swait.ge [sflag:s16], $0x2800  }
0x40: {  	[sflag:s16] =	ssyncset.done $0x0  }
0x41: {  	[sflag:s16] =	ssyncadd.s32 $0xFFFFD800  }
0x42: {  	_ =	swait.ge [sflag:s16], $0x2800  }
0x43: {  	[sflag:s16] =	ssyncset.done $0x0  }
0x44: {  	[sflag:s16] =	ssyncadd.s32 $0xFFFFD800  }
0x45: {  	_ =	swait.ge [sflag:s16], $0x2800  }
0x46: {  	[sflag:s16] =	ssyncset.done $0x0  }
0x47: {  	[sflag:s16] =	ssyncadd.s32 $0xFFFFD800  }
0x48: {  	_ =	swait.ge [sflag:s16], $0x2800  }
0x49: {  	[sflag:s16] =	ssyncset.done $0x0  }
0x4a: {  	[sflag:s16] =	ssyncadd.s32 $0xFFFFD800  }
0x4b: {  	_ =	swait.ge [sflag:s16], $0x2800  }
0x4c: {  	[sflag:s16] =	ssyncset.done $0x0  }
0x4d: {  	[sflag:s16] =	ssyncadd.s32 $0xFFFFD800  }
0x4e: {  	_ =	swait.ge [sflag:s16], $0x2800  }
0x4f: {  	[sflag:s16] =	ssyncset.done $0x0  }
0x50: {  	[sflag:s16] =	ssyncadd.s32 $0xFFFFD800  }
0x51: {  	_ =	swait.ge [sflag:s16], $0x2800  }
0x52: {  	[sflag:s16] =	ssyncset.done $0x0  }
0x53: {  	[sflag:s16] =	ssyncadd.s32 $0xFFFFD800  }
0x54: {  	_ =	swait.ge [sflag:s16], $0x2800  }
0x55: {  	[sflag:s16] =	ssyncset.done $0x0  }
0x56: {  	[sflag:s16] =	ssyncadd.s32 $0xFFFFD800  }
0x57: {  	s18 =	sadd.s32 $0x0, s14;
	[bflag:$0x0] =	sbarrier.arrive $0xFFFF  }
0x58: {  	[tilespmem:s3], [sflag:$0x1] =	stream.linear.gather [hbm4b:s18+s3], $0x100, $0x38;
	[tilespmem:$0x1E280] =	vst v63  }
0x59: {  	s2 =	sadd.s32 $0x20, s18  }
0x5a: {  	[tilespmem:s25], [sflag:$0x2] =	stream.linear.gather [hbm4b:s2+s3], $0x100, $0x38;
	[tilespmem:$0x1E280] =	vst v63  }
0x5b: {  	_ =	swait.ge [sflag:s16], $0x100  }
0x5c: {  	[sflag:s16] =	ssyncset.done $0x0  }
0x5d: {  	[sflag:s16] =	ssyncadd.s32 $0xFFFFFF00  }
0x5e: {  	[tilespmem:s28], [sflag:$0x1] =	stream.indirect.gather [hbm4b:s4+s26], $0x80, s3, s26, $0xb8;
	[tilespmem:$0x1E280] =	vst v63  }
0x5f: {  	_ =	swait.ge [sflag:s29], $0x100  }
0x60: {  	[sflag:s29] =	ssyncset.done $0x0  }
0x61: {  	[sflag:s29] =	ssyncadd.s32 $0xFFFFFF00  }
0x62: {  	[tilespmem:s30], [sflag:$0x2] =	stream.indirect.gather [hbm4b:s4+s26], $0x80, s25, s26, $0xb8;
	[tilespmem:$0x1E280] =	vst v63  }
0x63: {  	_ =	swait.ge [sflag:s16], $0x4000  }
0x64: {  	[sflag:s16] =	ssyncset.done $0x0  }
0x65: {  	[sflag:s16] =	ssyncadd.s32 $0xFFFFC000  }
0x66: {  	[spmem:s1] =	stream.indirect.scatter.add.f32 [tilespmem:s28], [sflag:$0x1], $0x80, s26, s26, $0xb8;
	[tilespmem:$0x1E280] =	vst v63  }
0x67: {  	_ =	swait.ge [sflag:s29], $0x4000  }
0x68: {  	[sflag:s29] =	ssyncset.done $0x0  }
0x69: {  	[sflag:s29] =	ssyncadd.s32 $0xFFFFC000  }
0x6a: {  	[spmem:s1] =	stream.indirect.scatter.add.f32 [tilespmem:s30], [sflag:$0x2], $0x80, s31, s26, $0xb8;
	[tilespmem:$0x1E280] =	vst v63  }
0x6b: {  	_ =	swait.ge [sflag:s16], $0x4000  }
0x6c: {  	[sflag:s16] =	ssyncset.done $0x0  }
0x6d: {  	[sflag:s16] =	ssyncadd.s32 $0xFFFFC000  }
0x6e: {  	_ =	swait.ge [sflag:s29], $0x4000  }
0x6f: {  	s13 =	simm.s32 $0x80;
	s2 =	simm.s32 $0x40;
	[sflag:s29] =	ssyncset.done $0x0  }
.LBB2_4:
0x70: {  	s17 =	sadd.s32 s2, s14  }
0x71: {  	[sflag:s29] =	ssyncadd.s32 $0xFFFFC000;
	s2 =	smov.u32 s13;
	s18 =	sadd.s32 $0x40, s13  }
0x72: {  	[tilespmem:s3], [sflag:$0x1] =	stream.linear.gather [hbm4b:s17+s3], $0x100, $0x38;
	[tilespmem:$0x1E280] =	vst v63  }
0x73: {  	p0 =	sne.s32 s13, $0x9C0;
	s13 =	sadd.s32 $0x20, s17  }
0x74: {  	[tilespmem:s25], [sflag:$0x2] =	stream.linear.gather [hbm4b:s13+s3], $0x100, $0x38;
	[tilespmem:$0x1E280] =	vst v63  }
0x75: {  	_ =	swait.ge [sflag:s16], $0x100  }
0x76: {  	[sflag:s16] =	ssyncset.done $0x0  }
0x77: {  	[sflag:s16] =	ssyncadd.s32 $0xFFFFFF00  }
0x78: {  	[tilespmem:s28], [sflag:$0x1] =	stream.indirect.gather [hbm4b:s4+s26], $0x80, s3, s26, $0xb8;
	[tilespmem:$0x1E280] =	vst v63  }
0x79: {  	_ =	swait.ge [sflag:s29], $0x100  }
0x7a: {  	[sflag:s29] =	ssyncset.done $0x0  }
0x7b: {  	[sflag:s29] =	ssyncadd.s32 $0xFFFFFF00  }
0x7c: {  	[tilespmem:s30], [sflag:$0x2] =	stream.indirect.gather [hbm4b:s4+s26], $0x80, s25, s26, $0xb8;
	[tilespmem:$0x1E280] =	vst v63  }
0x7d: {  	_ =	swait.ge [sflag:s16], $0x4000  }
0x7e: {  	[sflag:s16] =	ssyncset.done $0x0  }
0x7f: {  	[sflag:s16] =	ssyncadd.s32 $0xFFFFC000  }
0x80: {  	[spmem:s1] =	stream.indirect.scatter.add.f32 [tilespmem:s28], [sflag:$0x1], $0x80, s26, s26, $0xb8;
	[tilespmem:$0x1E280] =	vst v63  }
0x81: {  	_ =	swait.ge [sflag:s29], $0x4000  }
0x82: {  	[sflag:s29] =	ssyncset.done $0x0  }
0x83: {  	[sflag:s29] =	ssyncadd.s32 $0xFFFFC000  }
0x84: {  	[spmem:s1] =	stream.indirect.scatter.add.f32 [tilespmem:s30], [sflag:$0x2], $0x80, s31, s26, $0xb8;
	[tilespmem:$0x1E280] =	vst v63  }
.Ltmp1:
0x85: {  	_ =	swait.ge [sflag:s16], $0x4000;
	(pc) =	sbr.rel @p0 .LBB2_4-.Ltmp1, $4  }
0x86: {  	[sflag:s16] =	ssyncset.done $0x0  }
0x87: {  	[sflag:s16] =	ssyncadd.s32 $0xFFFFC000  }
0x88: {  	_ =	swait.ge [sflag:s29], $0x4000  }
0x89: {  	s13 =	smov.u32 s18;
	[sflag:s29] =	ssyncset.done $0x0  }
0x8a: {  	s2 =	sadd.s32 s2, s14;
	[sflag:s29] =	ssyncadd.s32 $0xFFFFC000  }
0x8b: {  	[tilespmem:s3], [sflag:$0x1] =	stream.linear.gather [hbm4b:s2+s3], $0x100, $0x38;
	[tilespmem:$0x1E280] =	vst v63  }
0x8c: {  	s2 =	sadd.s32 $0x20, s2  }
0x8d: {  	[tilespmem:s25], [sflag:$0x2] =	stream.linear.gather [hbm4b:s2+s3], $0x100, $0x38;
	[tilespmem:$0x1E280] =	vst v63  }
0x8e: {  	_ =	swait.ge [sflag:s16], $0x100  }
0x8f: {  	[sflag:s16] =	ssyncset.done $0x0  }
0x90: {  	[sflag:s16] =	ssyncadd.s32 $0xFFFFFF00  }
0x91: {  	[tilespmem:s28], [sflag:$0x1] =	stream.indirect.gather [hbm4b:s4+s26], $0x80, s3, s26, $0xb8;
	[tilespmem:$0x1E280] =	vst v63  }
0x92: {  	_ =	swait.ge [sflag:s29], $0x100  }
0x93: {  	[sflag:s29] =	ssyncset.done $0x0  }
0x94: {  	[sflag:s29] =	ssyncadd.s32 $0xFFFFFF00  }
0x95: {  	[tilespmem:s30], [sflag:$0x2] =	stream.indirect.gather [hbm4b:s4+s26], $0x80, s25, s26, $0xb8;
	[tilespmem:$0x1E280] =	vst v63  }
0x96: {  	_ =	swait.ge [sflag:s16], $0x4000  }
0x97: {  	[sflag:s16] =	ssyncset.done $0x0  }
0x98: {  	[sflag:s16] =	ssyncadd.s32 $0xFFFFC000  }
0x99: {  	[spmem:s1] =	stream.indirect.scatter.add.f32 [tilespmem:s28], [sflag:$0x1], $0x80, s26, s26, $0xb8;
	[tilespmem:$0x1E280] =	vst v63  }
0x9a: {  	_ =	swait.ge [sflag:s29], $0x4000  }
0x9b: {  	[sflag:s29] =	ssyncset.done $0x0  }
0x9c: {  	[sflag:s29] =	ssyncadd.s32 $0xFFFFC000  }
0x9d: {  	[spmem:s1] =	stream.indirect.scatter.add.f32 [tilespmem:s30], [sflag:$0x2], $0x80, s31, s26, $0xb8;
	[tilespmem:$0x1E280] =	vst v63  }
0x9e: {  	_ =	swait.ge [sflag:s16], $0x4000  }
0x9f: {  	[sflag:s16] =	ssyncset.done $0x0  }
0xa0: {  	[sflag:s16] =	ssyncadd.s32 $0xFFFFC000  }
0xa1: {  	_ =	swait.ge [sflag:s29], $0x4000  }
0xa2: {  	[sflag:s29] =	ssyncset.done $0x0  }
0xa3: {  	s17 =	stileid.u32;
	[sflag:s29] =	ssyncadd.s32 $0xFFFFC000  }
0xa4: {  	s2 =	sshll.u32 s17, $0x6;
	[bflag:$0x0] =	sbarrier.arrive $0xFFFF  }
0xa5: {  	s13 =	sshrl.u32 s5, $0x3;
	s2 =	sadd.s32 $0x1C02, s2;
	s17 =	rddreg [dreg:$0x5]  }
0xa6: {  	[hbm:s17], [sflag:s2] =	dma.local [spmem:s13], $0x500  }
0xa7: {  	s18 =	sshrl.u32 s6, $0x3;
	s17 =	rddreg [dreg:$0x6]  }
0xa8: {  	[hbm:s17], [sflag:s2] =	dma.local [spmem:s18], $0x500  }
0xa9: {  	s18 =	sshrl.u32 s7, $0x3;
	s17 =	sshrl.u32 s8, $0x3  }
0xaa: {  	[hbm:s19], [sflag:s2] =	dma.local [spmem:s18], $0x500  }
0xab: {  	[hbm:s20], [sflag:s2] =	dma.local [spmem:s17], $0x500  }
0xac: {  	s18 =	sshrl.u32 s9, $0x3;
	s17 =	sshrl.u32 s10, $0x3  }
0xad: {  	[hbm:s21], [sflag:s2] =	dma.local [spmem:s18], $0x500  }
0xae: {  	[hbm:s22], [sflag:s2] =	dma.local [spmem:s17], $0x500  }
0xaf: {  	s18 =	sshrl.u32 s11, $0x3;
	s17 =	sshrl.u32 s12, $0x3  }
0xb0: {  	[hbm:s23], [sflag:s2] =	dma.local [spmem:s18], $0x500  }
0xb1: {  	[hbm:s24], [sflag:s2] =	dma.local [spmem:s17], $0x500  }
0xb2: {  	_ =	swait.ge [sflag:s29], $0x500  }
0xb3: {  	[sflag:s29] =	ssyncset.done $0x0  }
0xb4: {  	[sflag:s29] =	ssyncadd.s32 $0xFFFFFB00  }
0xb5: {  	_ =	swait.ge [sflag:s29], $0x500  }
0xb6: {  	[sflag:s29] =	ssyncset.done $0x0  }
0xb7: {  	[sflag:s29] =	ssyncadd.s32 $0xFFFFFB00  }
0xb8: {  	_ =	swait.ge [sflag:s29], $0x500  }
0xb9: {  	[sflag:s29] =	ssyncset.done $0x0  }
0xba: {  	[sflag:s29] =	ssyncadd.s32 $0xFFFFFB00  }
0xbb: {  	_ =	swait.ge [sflag:s29], $0x500  }
0xbc: {  	[sflag:s29] =	ssyncset.done $0x0  }
0xbd: {  	[sflag:s29] =	ssyncadd.s32 $0xFFFFFB00  }
0xbe: {  	_ =	swait.ge [sflag:s29], $0x500  }
0xbf: {  	[sflag:s29] =	ssyncset.done $0x0  }
0xc0: {  	[sflag:s29] =	ssyncadd.s32 $0xFFFFFB00  }
0xc1: {  	_ =	swait.ge [sflag:s29], $0x500  }
0xc2: {  	[sflag:s29] =	ssyncset.done $0x0  }
0xc3: {  	[sflag:s29] =	ssyncadd.s32 $0xFFFFFB00  }
0xc4: {  	_ =	swait.ge [sflag:s29], $0x500  }
0xc5: {  	[sflag:s29] =	ssyncset.done $0x0  }
0xc6: {  	[sflag:s29] =	ssyncadd.s32 $0xFFFFFB00  }
0xc7: {  	_ =	swait.ge [sflag:s29], $0x500  }
0xc8: {  	s0 =	sadd.s32 $0x1, s0;
	s18 =	rddreg [dreg:$0x4]  }
0xc9: {  	p0 =	sne.s32 s0, s18  }
.Ltmp2:
0xca: {  	_ = 	snop;
	(pc) =	sbr.rel @p0 .LBB2_1-.Ltmp2, $3  }
0xcb: {  	_ =	sdelay $0x1  }
0xcc: {  	[sflag:s29] =	ssyncset.done $0x0  }
0xcd: {  	[sflag:s29] =	ssyncadd.s32 $0xFFFFFB00  }
0xce: {  	_ =	sfence.sel $0x180000  }
0xcf: {  	[bflag:$0x0] =	sbarrier.arrive $0xFFFF  }
0xd0: {  	_ =	strace $0x90000047  }
0xd1: {  	s0 =	stileid.u32;
	[bflag:$0x2] =	sbarrier.arrive $0xFFFF  }
0xd2: {  	p0 =	sne.s32 s0, $0x0;
	s0 =	rddreg [dreg:$0x3]  }
0xd3: {  	s0 =	sadd.s32 @!p0 $0x100000, s0  }
0xd4: {  	[sflag:s0] =	ssyncadd.tile.s32 @!p0 $0x1;
	_ =	shalt  }
.Lfunc_end2:
_tile_overlayer_lowered:
.L_overlay_start_2:
0xd5: {  	(tag) =	ssettag $0x2  }
0xd6: {  	s0 =	rddreg [dreg:$0x0];
	s2 =	stileid.u32  }
0xd7: {  	s1 =	rddreg [dreg:$0x1];
	p0 =	sne.s32 s2, $0x0  }
0xd8: {  	s3 =	rddreg [dreg:$0x2];
	[bflag:$0x3] =	sbarrier.arrive $0xFFFF;
	s2 =	simm.s32 @!p0 $0x1C03  }
0xd9: {  	[timem:s3], [sflag:s2] =	dma.local @!p0 [hbm:s0], s1  }
0xda: {  	s0 =	simm.s32 @!p0 $0x3  }
0xdb: {  	_ =	swait.ge @!p0 [sflag:s0], s1  }
0xdc: {  	s1 =	ssub.s32 @!p0 $0x0, s1;
	[sflag:s0] =	ssyncset.done @!p0 $0x0  }
0xdd: {  	[sflag:s0] =	ssyncadd.s32 @!p0 s1  }
0xde: {  	[bflag:$0x3] =	sbarrier.arrive $0xFFFF  }
0xdf: {  	_ =	shalt  }

</sc_bundles>
